<compile_context>
chip_gen: v7x
topology: tpu7x:2x2x1
jax: 0.10.2.dev20260603
libtpu: 0.0.44.dev20260713+nightly
codegen_flags: <defaults>
</compile_context>

<pallas_src>
import functools

import jax
import jax.numpy as jnp
from jax import lax
from jax.experimental import pallas as pl
from jax.experimental.pallas import tpu as pltpu
from jax.experimental.pallas import tpu_sc as plsc

NUM_CORES = 2
NUM_SUBCORES = 16
NUM_WORKERS = NUM_CORES * NUM_SUBCORES
LANES = 16

BATCH = 4096
SEQ = 200
DIM = 64
WIDE = 2 * DIM
PER_W = BATCH // NUM_WORKERS
GROUP = 8
C0, C1 = 128, SEQ - 128
VREGS = DIM // LANES
UNROLL = 8
BC = 2048


def _make_kernel():
    mesh = plsc.VectorSubcoreMesh(core_axis_name="c", subcore_axis_name="s")

    @functools.partial(
        pl.kernel,
        mesh=mesh,
        compiler_params=pltpu.CompilerParams(use_tc_tiling_on_sc=False),
        out_type=jax.ShapeDtypeStruct((BATCH * DIM,), jnp.float32),
        scratch_types=[
            pltpu.VMEM((PER_W * SEQ,), jnp.int32),
            pltpu.VMEM((SEQ, WIDE), jnp.float32),
            pltpu.VMEM((SEQ, WIDE), jnp.float32),
            pltpu.VMEM((GROUP * DIM,), jnp.float32),
            pltpu.SemaphoreType.DMA,
            pltpu.SemaphoreType.DMA,
        ],
    )
    def label_mean(labels_hbm, table_hbm, out_hbm,
                   lab_v, rows0, rows1, out_v, sem0, sem1):
        wid = lax.axis_index("s") * NUM_CORES + lax.axis_index("c")
        base = wid * PER_W
        rows = (rows0, rows1)
        sems = (sem0, sem1)

        pltpu.sync_copy(labels_hbm.at[pl.ds(base * SEQ, PER_W * SEQ)], lab_v)

        def fire(le, p):
            pltpu.async_copy(
                table_hbm.at[lab_v.at[pl.ds(le * SEQ, C0)]],
                rows[p].at[pl.ds(0, C0)],
                sems[p],
            )
            pltpu.async_copy(
                table_hbm.at[lab_v.at[pl.ds(le * SEQ + C0, C1)]],
                rows[p].at[pl.ds(C0, C1)],
                sems[p],
            )

        def drain(p):
            pltpu.make_async_copy(
                table_hbm.at[pl.ds(0, SEQ)], rows[p], sems[p]
            ).wait()

        scale = jnp.float32(1.0 / SEQ)
        zero = jnp.zeros((LANES,), jnp.float32)
        fire(0, 0)

        def group_body(g, carry):
            for e in range(GROUP):
                le = g * GROUP + e
                p = e % 2
                nxt = le + 1

                @pl.when(nxt < PER_W)
                def _():
                    fire(nxt, (e + 1) % 2)

                drain(p)
                buf = rows[p]

                def red(r, accs):
                    a = list(accs)
                    for u in range(UNROLL):
                        row = r * UNROLL + u
                        s = (u % 2) * VREGS
                        for k in range(VREGS):
                            a[s + k] = a[s + k] + buf[
                                row, pl.ds(k * LANES, LANES)
                            ]
                    return tuple(a)

                accs = lax.fori_loop(0, SEQ // UNROLL, red, (zero,) * (2 * VREGS))
                for k in range(VREGS):
                    out_v[pl.ds(e * DIM + k * LANES, LANES)] = (
                        accs[k] + accs[VREGS + k]
                    ) * scale
            pltpu.sync_copy(
                out_v, out_hbm.at[pl.ds((base + g * GROUP) * DIM, GROUP * DIM)]
            )
            return carry

        lax.fori_loop(0, PER_W // GROUP, group_body, 0)

    return label_mean


_label_mean = _make_kernel()


def _make_transpose(n_rows):
    def body(in_ref, out_ref):
        out_ref[:, 0:DIM] = in_ref[...].T
        out_ref[:, DIM:] = jnp.zeros((BC, WIDE - DIM), jnp.float32)

    return pl.pallas_call(
        body,
        grid=(pl.cdiv(n_rows, BC),),
        in_specs=[pl.BlockSpec((DIM, BC), lambda j: (0, j))],
        out_specs=pl.BlockSpec((BC, WIDE), lambda j: (j, 0)),
        out_shape=jax.ShapeDtypeStruct((n_rows, WIDE), jnp.float32),
    )


@jax.jit
def kernel(labels, table):
    labels_flat = labels.astype(jnp.int32).reshape(BATCH * SEQ)
    table_pad = _make_transpose(table.shape[0])(table.T)
    return _label_mean(labels_flat, table_pad).reshape(BATCH, DIM)

# --- scband reference (transcript-rebuilt; emitter-appended) ---
"""Pipeline reference for scband-label-encoder-18287970746970 (READ-ONLY COPY).

The authoritative reference and input builder live on the scoring server;
editing this copy changes nothing except your own understanding.
"""

import jax, jax.numpy as jnp
import numpy as np

NUM_TOKENS = 1000000
EMB_DIM = 64
BATCH = 4096
SEQ_LEN = 200

def setup_inputs(seed: int = 0) -> dict:
    key = jax.random.key(seed)
    k1, k2 = jax.random.split(key)
    labels = jax.random.randint(k1, (BATCH, SEQ_LEN), 0, NUM_TOKENS)
    # learned parameter: embedding table sized per init_kwargs
    table = jax.random.normal(k2, (NUM_TOKENS, EMB_DIM), dtype=jnp.float32) * 0.02
    return {"labels": labels, "table": table}

def reference(labels, table):
    # emb = self.embedding(labels)  -> gather rows from table
    emb = jnp.take(table, labels, axis=0)  # [bs, seq_len, emb_dim]
    # .mean(dim=1)
    emb = emb.mean(axis=1)  # [bs, emb_dim]
    # dropout is identity in eval mode
    return emb

if __name__ == "__main__":
    import jax
    _d = setup_inputs()
    print(jax.jit(kernel)(*tuple(_d.values())))

</pallas_src>

<mosaic_0001>
#map = affine_map<(d0, d1) -> (0)>
#map1 = affine_map<(d0, d1) -> (0, 0)>
module attributes {stable_mosaic.version = 14 : i64} {
  func.func @label_mean(%arg0: i32, %arg1: i32, %arg2: memref<819200xi32, #tpu.memory_space<hbm>>, %arg3: memref<1000000x128xf32, #tpu.memory_space<hbm>>, %arg4: memref<262144xf32, #tpu.memory_space<hbm>>, %arg5: memref<25600xi32, #tpu.memory_space<vmem>>, %arg6: memref<200x128xf32, #tpu.memory_space<vmem>>, %arg7: memref<200x128xf32, #tpu.memory_space<vmem>>, %arg8: memref<512xf32, #tpu.memory_space<vmem>>, %arg9: memref<!tpu.dma_semaphore, #tpu.memory_space<semaphore_mem>>, %arg10: memref<!tpu.dma_semaphore, #tpu.memory_space<semaphore_mem>>) attributes {dimension_semantics = [#tpu.dimension_semantics<core_parallel>, #tpu.dimension_semantics<subcore_parallel>], iteration_bounds = array<i64: 2, 16>, scalar_prefetch = 0 : i64, scratch_operands = 6 : i64, tpu.core_type = #tpu.core_type<sc_vector_subcore>, window_params = [{transform_indices = #map}, {transform_indices = #map1}, {transform_indices = #map}]} {
    %mul3A = arith.constant 2 : i32
    %mul3A_0 = arith.muli %arg1, %mul3A : i32
    %add3A = arith.addi %mul3A_0, %arg0 : i32
    %mul3A_1 = arith.constant 128 : i32
    %mul3A_2 = arith.muli %add3A, %mul3A_1 : i32
    %mul3A_3 = arith.constant 200 : i32
    %mul3A_4 = arith.muli %mul3A_2, %mul3A_3 : i32
    "tpu.region"() ({
      %run_scoped3A = tpu.sem_alloc : memref<!tpu.dma_semaphore, #tpu.memory_space<semaphore_mem>>
      %dma_start3A_27 = tpu.memref_slice %arg2[%mul3A_4] : memref<819200xi32, #tpu.memory_space<hbm>> -> memref<25600xi32, #tpu.memory_space<hbm>>
      %dma_start3A_28 = tpu.memref_slice %arg2[%mul3A_4] : memref<819200xi32, #tpu.memory_space<hbm>> -> memref<25600xi32, #tpu.memory_space<hbm>>
      tpu.enqueue_dma source(%dma_start3A_28 : memref<25600xi32, #tpu.memory_space<hbm>>) target(%arg5 : memref<25600xi32, #tpu.memory_space<vmem>>) target_semaphore(%run_scoped3A : memref<!tpu.dma_semaphore, #tpu.memory_space<semaphore_mem>>)
      %dma_wait3A = tpu.memref_slice %arg2[%mul3A_4] : memref<819200xi32, #tpu.memory_space<hbm>> -> memref<25600xi32, #tpu.memory_space<hbm>>
      %dma_wait3A_29 = tpu.memref_slice %arg2[%mul3A_4] : memref<819200xi32, #tpu.memory_space<hbm>> -> memref<25600xi32, #tpu.memory_space<hbm>>
      tpu.wait_dma2 semaphore(%run_scoped3A : memref<!tpu.dma_semaphore, #tpu.memory_space<semaphore_mem>>) src(%dma_wait3A_29 : memref<25600xi32, #tpu.memory_space<hbm>>) dst(%arg5 : memref<25600xi32, #tpu.memory_space<vmem>>)
      tpu.yield
    }) : () -> ()
    %broadcast_in_dim3A = arith.constant 0.000000e+00 : f32
    %broadcast_in_dim3A_5 = vector.broadcast %broadcast_in_dim3A : f32 to vector<16xf32>
    %dma_start3A = arith.constant 0 : i32
    %dma_start3A_6 = arith.constant 0 : i32
    %dma_start3A_7 = tpu.memref_slice %arg6[%dma_start3A, %dma_start3A_6] : memref<200x128xf32, #tpu.memory_space<vmem>> -> memref<128x128xf32, #tpu.memory_space<vmem>>
    %dma_start3A_8 = arith.constant 0 : i32
    %dma_start3A_9 = tpu.memref_slice %arg5[%dma_start3A_8] : memref<25600xi32, #tpu.memory_space<vmem>> -> memref<128xi32, #tpu.memory_space<vmem>>
    %dma_start3A_10 = arith.constant 0 : i32
    %dma_start3A_11 = arith.constant 0 : i32
    %dma_start3A_12 = tpu.memref_slice %arg3[%dma_start3A_10, %dma_start3A_11] : memref<1000000x128xf32, #tpu.memory_space<hbm>> -> memref<1000000x128xf32, #tpu.memory_space<hbm>>
    tpu.enqueue_indirect_dma source(%dma_start3A_12 : memref<1000000x128xf32, #tpu.memory_space<hbm>>) target(%dma_start3A_7 : memref<128x128xf32, #tpu.memory_space<vmem>>) offsets(%dma_start3A_9 : memref<128xi32, #tpu.memory_space<vmem>>) semaphore(%arg9 : memref<!tpu.dma_semaphore, #tpu.memory_space<semaphore_mem>>)
    %dma_start3A_13 = arith.constant 128 : i32
    %dma_start3A_14 = arith.constant 0 : i32
    %dma_start3A_15 = tpu.memref_slice %arg6[%dma_start3A_13, %dma_start3A_14] : memref<200x128xf32, #tpu.memory_space<vmem>> -> memref<72x128xf32, #tpu.memory_space<vmem>>
    %dma_start3A_16 = arith.constant 128 : i32
    %dma_start3A_17 = tpu.memref_slice %arg5[%dma_start3A_16] : memref<25600xi32, #tpu.memory_space<vmem>> -> memref<72xi32, #tpu.memory_space<vmem>>
    %dma_start3A_18 = arith.constant 0 : i32
    %dma_start3A_19 = arith.constant 0 : i32
    %dma_start3A_20 = tpu.memref_slice %arg3[%dma_start3A_18, %dma_start3A_19] : memref<1000000x128xf32, #tpu.memory_space<hbm>> -> memref<1000000x128xf32, #tpu.memory_space<hbm>>
    tpu.enqueue_indirect_dma source(%dma_start3A_20 : memref<1000000x128xf32, #tpu.memory_space<hbm>>) target(%dma_start3A_15 : memref<72x128xf32, #tpu.memory_space<vmem>>) offsets(%dma_start3A_17 : memref<72xi32, #tpu.memory_space<vmem>>) semaphore(%arg9 : memref<!tpu.dma_semaphore, #tpu.memory_space<semaphore_mem>>)
    %scan3A = arith.constant 0 : i32
    %scan3A_21 = arith.constant 5.000000e-03 : f32
    %scan3A_22 = arith.constant 0 : i32
    %scan3A_23 = arith.constant 16 : i32
    %scan3A_24 = arith.addi %scan3A_22, %scan3A_23 : i32
    %scan3A_25 = arith.constant 1 : i32
    scf.for %scan3A_27 = %scan3A_22 to %scan3A_24 step %scan3A_25  : i32 {
      %mul3A_28 = arith.constant 8 : i32
      %mul3A_29 = arith.muli %scan3A_27, %mul3A_28 : i32
      %add3A_30 = arith.constant 0 : i32
      %add3A_31 = arith.addi %mul3A_29, %add3A_30 : i32
      %add3A_32 = arith.constant 1 : i32
      %add3A_33 = arith.addi %add3A_31, %add3A_32 : i32
      %lt3A = arith.constant 128 : i32
      %lt3A_34 = arith.cmpi slt, %add3A_33, %lt3A : i32
      %convert_element_type3A = arith.extui %lt3A_34 : i1 to i32
      %cond3A = arith.constant 0 : i32
      %cond3A_35 = arith.cmpi ne, %convert_element_type3A, %cond3A : i32
      scf.if %cond3A_35 {
        %mul3A_436 = arith.constant 200 : i32
        %mul3A_437 = arith.muli %add3A_33, %mul3A_436 : i32
        %dma_start3A_438 = arith.constant 0 : i32
        %dma_start3A_439 = arith.constant 0 : i32
        %dma_start3A_440 = tpu.memref_slice %arg7[%dma_start3A_438, %dma_start3A_439] : memref<200x128xf32, #tpu.memory_space<vmem>> -> memref<128x128xf32, #tpu.memory_space<vmem>>
        %dma_start3A_441 = tpu.memref_slice %arg5[%mul3A_437] : memref<25600xi32, #tpu.memory_space<vmem>> -> memref<128xi32, #tpu.memory_space<vmem>>
        %dma_start3A_442 = arith.constant 0 : i32
        %dma_start3A_443 = arith.constant 0 : i32
        %dma_start3A_444 = tpu.memref_slice %arg3[%dma_start3A_442, %dma_start3A_443] : memref<1000000x128xf32, #tpu.memory_space<hbm>> -> memref<1000000x128xf32, #tpu.memory_space<hbm>>
        tpu.enqueue_indirect_dma source(%dma_start3A_444 : memref<1000000x128xf32, #tpu.memory_space<hbm>>) target(%dma_start3A_440 : memref<128x128xf32, #tpu.memory_space<vmem>>) offsets(%dma_start3A_441 : memref<128xi32, #tpu.memory_space<vmem>>) semaphore(%arg10 : memref<!tpu.dma_semaphore, #tpu.memory_space<semaphore_mem>>)
        %mul3A_445 = arith.constant 200 : i32
        %mul3A_446 = arith.muli %add3A_33, %mul3A_445 : i32
        %add3A_447 = arith.constant 128 : i32
        %add3A_448 = arith.addi %mul3A_446, %add3A_447 : i32
        %dma_start3A_449 = arith.constant 128 : i32
        %dma_start3A_450 = arith.constant 0 : i32
        %dma_start3A_451 = tpu.memref_slice %arg7[%dma_start3A_449, %dma_start3A_450] : memref<200x128xf32, #tpu.memory_space<vmem>> -> memref<72x128xf32, #tpu.memory_space<vmem>>
        %dma_start3A_452 = tpu.memref_slice %arg5[%add3A_448] : memref<25600xi32, #tpu.memory_space<vmem>> -> memref<72xi32, #tpu.memory_space<vmem>>
        %dma_start3A_453 = arith.constant 0 : i32
        %dma_start3A_454 = arith.constant 0 : i32
        %dma_start3A_455 = tpu.memref_slice %arg3[%dma_start3A_453, %dma_start3A_454] : memref<1000000x128xf32, #tpu.memory_space<hbm>> -> memref<1000000x128xf32, #tpu.memory_space<hbm>>
        tpu.enqueue_indirect_dma source(%dma_start3A_455 : memref<1000000x128xf32, #tpu.memory_space<hbm>>) target(%dma_start3A_451 : memref<72x128xf32, #tpu.memory_space<vmem>>) offsets(%dma_start3A_452 : memref<72xi32, #tpu.memory_space<vmem>>) semaphore(%arg10 : memref<!tpu.dma_semaphore, #tpu.memory_space<semaphore_mem>>)
      } else {
      }
      %dma_wait3A = arith.constant 0 : i32
      %dma_wait3A_36 = arith.constant 0 : i32
      %dma_wait3A_37 = tpu.memref_slice %arg3[%dma_wait3A, %dma_wait3A_36] : memref<1000000x128xf32, #tpu.memory_space<hbm>> -> memref<200x128xf32, #tpu.memory_space<hbm>>
      %dma_wait3A_38 = arith.constant 0 : i32
      %dma_wait3A_39 = arith.constant 0 : i32
      %dma_wait3A_40 = tpu.memref_slice %arg3[%dma_wait3A_38, %dma_wait3A_39] : memref<1000000x128xf32, #tpu.memory_space<hbm>> -> memref<200x128xf32, #tpu.memory_space<hbm>>
      tpu.wait_dma2 semaphore(%arg9 : memref<!tpu.dma_semaphore, #tpu.memory_space<semaphore_mem>>) src(%dma_wait3A_40 : memref<200x128xf32, #tpu.memory_space<hbm>>) dst(%arg6 : memref<200x128xf32, #tpu.memory_space<vmem>>)
      %scan3A_41 = arith.constant 0 : i32
      %scan3A_42 = arith.constant 25 : i32
      %scan3A_43 = arith.addi %scan3A_41, %scan3A_42 : i32
      %scan3A_44 = arith.constant 1 : i32
      %scan3A_45:8 = scf.for %scan3A_436 = %scan3A_41 to %scan3A_43 step %scan3A_44 iter_args(%scan3A_437 = %broadcast_in_dim3A_5, %scan3A_438 = %broadcast_in_dim3A_5, %scan3A_439 = %broadcast_in_dim3A_5, %scan3A_440 = %broadcast_in_dim3A_5, %scan3A_441 = %broadcast_in_dim3A_5, %scan3A_442 = %broadcast_in_dim3A_5, %scan3A_443 = %broadcast_in_dim3A_5, %scan3A_444 = %broadcast_in_dim3A_5) -> (vector<16xf32>, vector<16xf32>, vector<16xf32>, vector<16xf32>, vector<16xf32>, vector<16xf32>, vector<16xf32>, vector<16xf32>)  : i32 {
        %mul3A_445 = arith.constant 8 : i32
        %mul3A_446 = arith.muli %scan3A_436, %mul3A_445 : i32
        %add3A_447 = arith.constant 0 : i32
        %add3A_448 = arith.addi %mul3A_446, %add3A_447 : i32
        %get3A = arith.index_cast %add3A_448 : i32 to index
        %get3A_449 = arith.constant 0 : index
        %get3A_450 = tpu.vector_load %arg6[%get3A, %get3A_449] {strides = array<i32>} : memref<200x128xf32, #tpu.memory_space<vmem>>, vector<1x16xf32>,
        %get3A_451 = vector.shape_cast %get3A_450 : vector<1x16xf32> to vector<16xf32>
        %add3A_452 = arith.addf %scan3A_437, %get3A_451 : vector<16xf32>
        %get3A_453 = arith.index_cast %add3A_448 : i32 to index
        %get3A_454 = arith.constant 16 : index
        %get3A_455 = tpu.vector_load %arg6[%get3A_453, %get3A_454] {strides = array<i32>} : memref<200x128xf32, #tpu.memory_space<vmem>>, vector<1x16xf32>,
        %get3A_456 = vector.shape_cast %get3A_455 : vector<1x16xf32> to vector<16xf32>
        %add3A_457 = arith.addf %scan3A_438, %get3A_456 : vector<16xf32>
        %get3A_458 = arith.index_cast %add3A_448 : i32 to index
        %get3A_459 = arith.constant 32 : index
        %get3A_460 = tpu.vector_load %arg6[%get3A_458, %get3A_459] {strides = array<i32>} : memref<200x128xf32, #tpu.memory_space<vmem>>, vector<1x16xf32>,
        %get3A_461 = vector.shape_cast %get3A_460 : vector<1x16xf32> to vector<16xf32>
        %add3A_462 = arith.addf %scan3A_439, %get3A_461 : vector<16xf32>
        %get3A_463 = arith.index_cast %add3A_448 : i32 to index
        %get3A_464 = arith.constant 48 : index
        %get3A_465 = tpu.vector_load %arg6[%get3A_463, %get3A_464] {strides = array<i32>} : memref<200x128xf32, #tpu.memory_space<vmem>>, vector<1x16xf32>,
        %get3A_466 = vector.shape_cast %get3A_465 : vector<1x16xf32> to vector<16xf32>
        %add3A_467 = arith.addf %scan3A_440, %get3A_466 : vector<16xf32>
        %mul3A_468 = arith.constant 8 : i32
        %mul3A_469 = arith.muli %scan3A_436, %mul3A_468 : i32
        %add3A_470 = arith.constant 1 : i32
        %add3A_471 = arith.addi %mul3A_469, %add3A_470 : i32
        %get3A_472 = arith.index_cast %add3A_471 : i32 to index
        %get3A_473 = arith.constant 0 : index
        %get3A_474 = tpu.vector_load %arg6[%get3A_472, %get3A_473] {strides = array<i32>} : memref<200x128xf32, #tpu.memory_space<vmem>>, vector<1x16xf32>,
        %get3A_475 = vector.shape_cast %get3A_474 : vector<1x16xf32> to vector<16xf32>
        %add3A_476 = arith.addf %scan3A_441, %get3A_475 : vector<16xf32>
        %get3A_477 = arith.index_cast %add3A_471 : i32 to index
        %get3A_478 = arith.constant 16 : index
        %get3A_479 = tpu.vector_load %arg6[%get3A_477, %get3A_478] {strides = array<i32>} : memref<200x128xf32, #tpu.memory_space<vmem>>, vector<1x16xf32>,
        %get3A_480 = vector.shape_cast %get3A_479 : vector<1x16xf32> to vector<16xf32>
        %add3A_481 = arith.addf %scan3A_442, %get3A_480 : vector<16xf32>
        %get3A_482 = arith.index_cast %add3A_471 : i32 to index
        %get3A_483 = arith.constant 32 : index
        %get3A_484 = tpu.vector_load %arg6[%get3A_482, %get3A_483] {strides = array<i32>} : memref<200x128xf32, #tpu.memory_space<vmem>>, vector<1x16xf32>,
        %get3A_485 = vector.shape_cast %get3A_484 : vector<1x16xf32> to vector<16xf32>
        %add3A_486 = arith.addf %scan3A_443, %get3A_485 : vector<16xf32>
        %get3A_487 = arith.index_cast %add3A_471 : i32 to index
        %get3A_488 = arith.constant 48 : index
        %get3A_489 = tpu.vector_load %arg6[%get3A_487, %get3A_488] {strides = array<i32>} : memref<200x128xf32, #tpu.memory_space<vmem>>, vector<1x16xf32>,
        %get3A_490 = vector.shape_cast %get3A_489 : vector<1x16xf32> to vector<16xf32>
        %add3A_491 = arith.addf %scan3A_444, %get3A_490 : vector<16xf32>
        %mul3A_492 = arith.constant 8 : i32
        %mul3A_493 = arith.muli %scan3A_436, %mul3A_492 : i32
        %add3A_494 = arith.constant 2 : i32
        %add3A_495 = arith.addi %mul3A_493, %add3A_494 : i32
        %get3A_496 = arith.index_cast %add3A_495 : i32 to index
        %get3A_497 = arith.constant 0 : index
        %get3A_498 = tpu.vector_load %arg6[%get3A_496, %get3A_497] {strides = array<i32>} : memref<200x128xf32, #tpu.memory_space<vmem>>, vector<1x16xf32>,
        %get3A_499 = vector.shape_cast %get3A_498 : vector<1x16xf32> to vector<16xf32>
        %add3A_500 = arith.addf %add3A_452, %get3A_499 : vector<16xf32>
        %get3A_501 = arith.index_cast %add3A_495 : i32 to index
        %get3A_502 = arith.constant 16 : index
        %get3A_503 = tpu.vector_load %arg6[%get3A_501, %get3A_502] {strides = array<i32>} : memref<200x128xf32, #tpu.memory_space<vmem>>, vector<1x16xf32>,
        %get3A_504 = vector.shape_cast %get3A_503 : vector<1x16xf32> to vector<16xf32>
        %add3A_505 = arith.addf %add3A_457, %get3A_504 : vector<16xf32>
        %get3A_506 = arith.index_cast %add3A_495 : i32 to index
        %get3A_507 = arith.constant 32 : index
        %get3A_508 = tpu.vector_load %arg6[%get3A_506, %get3A_507] {strides = array<i32>} : memref<200x128xf32, #tpu.memory_space<vmem>>, vector<1x16xf32>,
        %get3A_509 = vector.shape_cast %get3A_508 : vector<1x16xf32> to vector<16xf32>
        %add3A_510 = arith.addf %add3A_462, %get3A_509 : vector<16xf32>
        %get3A_511 = arith.index_cast %add3A_495 : i32 to index
        %get3A_512 = arith.constant 48 : index
        %get3A_513 = tpu.vector_load %arg6[%get3A_511, %get3A_512] {strides = array<i32>} : memref<200x128xf32, #tpu.memory_space<vmem>>, vector<1x16xf32>,
        %get3A_514 = vector.shape_cast %get3A_513 : vector<1x16xf32> to vector<16xf32>
        %add3A_515 = arith.addf %add3A_467, %get3A_514 : vector<16xf32>
        %mul3A_516 = arith.constant 8 : i32
        %mul3A_517 = arith.muli %scan3A_436, %mul3A_516 : i32
        %add3A_518 = arith.constant 3 : i32
        %add3A_519 = arith.addi %mul3A_517, %add3A_518 : i32
        %get3A_520 = arith.index_cast %add3A_519 : i32 to index
        %get3A_521 = arith.constant 0 : index
        %get3A_522 = tpu.vector_load %arg6[%get3A_520, %get3A_521] {strides = array<i32>} : memref<200x128xf32, #tpu.memory_space<vmem>>, vector<1x16xf32>,
        %get3A_523 = vector.shape_cast %get3A_522 : vector<1x16xf32> to vector<16xf32>
        %add3A_524 = arith.addf %add3A_476, %get3A_523 : vector<16xf32>
        %get3A_525 = arith.index_cast %add3A_519 : i32 to index
        %get3A_526 = arith.constant 16 : index
        %get3A_527 = tpu.vector_load %arg6[%get3A_525, %get3A_526] {strides = array<i32>} : memref<200x128xf32, #tpu.memory_space<vmem>>, vector<1x16xf32>,
        %get3A_528 = vector.shape_cast %get3A_527 : vector<1x16xf32> to vector<16xf32>
        %add3A_529 = arith.addf %add3A_481, %get3A_528 : vector<16xf32>
        %get3A_530 = arith.index_cast %add3A_519 : i32 to index
        %get3A_531 = arith.constant 32 : index
        %get3A_532 = tpu.vector_load %arg6[%get3A_530, %get3A_531] {strides = array<i32>} : memref<200x128xf32, #tpu.memory_space<vmem>>, vector<1x16xf32>,
        %get3A_533 = vector.shape_cast %get3A_532 : vector<1x16xf32> to vector<16xf32>
        %add3A_534 = arith.addf %add3A_486, %get3A_533 : vector<16xf32>
        %get3A_535 = arith.index_cast %add3A_519 : i32 to index
        %get3A_536 = arith.constant 48 : index
        %get3A_537 = tpu.vector_load %arg6[%get3A_535, %get3A_536] {strides = array<i32>} : memref<200x128xf32, #tpu.memory_space<vmem>>, vector<1x16xf32>,
        %get3A_538 = vector.shape_cast %get3A_537 : vector<1x16xf32> to vector<16xf32>
        %add3A_539 = arith.addf %add3A_491, %get3A_538 : vector<16xf32>
        %mul3A_540 = arith.constant 8 : i32
        %mul3A_541 = arith.muli %scan3A_436, %mul3A_540 : i32
        %add3A_542 = arith.constant 4 : i32
        %add3A_543 = arith.addi %mul3A_541, %add3A_542 : i32
        %get3A_544 = arith.index_cast %add3A_543 : i32 to index
        %get3A_545 = arith.constant 0 : index
        %get3A_546 = tpu.vector_load %arg6[%get3A_544, %get3A_545] {strides = array<i32>} : memref<200x128xf32, #tpu.memory_space<vmem>>, vector<1x16xf32>,
        %get3A_547 = vector.shape_cast %get3A_546 : vector<1x16xf32> to vector<16xf32>
        %add3A_548 = arith.addf %add3A_500, %get3A_547 : vector<16xf32>
        %get3A_549 = arith.index_cast %add3A_543 : i32 to index
        %get3A_550 = arith.constant 16 : index
        %get3A_551 = tpu.vector_load %arg6[%get3A_549, %get3A_550] {strides = array<i32>} : memref<200x128xf32, #tpu.memory_space<vmem>>, vector<1x16xf32>,
        %get3A_552 = vector.shape_cast %get3A_551 : vector<1x16xf32> to vector<16xf32>
        %add3A_553 = arith.addf %add3A_505, %get3A_552 : vector<16xf32>
        %get3A_554 = arith.index_cast %add3A_543 : i32 to index
        %get3A_555 = arith.constant 32 : index
        %get3A_556 = tpu.vector_load %arg6[%get3A_554, %get3A_555] {strides = array<i32>} : memref<200x128xf32, #tpu.memory_space<vmem>>, vector<1x16xf32>,
        %get3A_557 = vector.shape_cast %get3A_556 : vector<1x16xf32> to vector<16xf32>
        %add3A_558 = arith.addf %add3A_510, %get3A_557 : vector<16xf32>
        %get3A_559 = arith.index_cast %add3A_543 : i32 to index
        %get3A_560 = arith.constant 48 : index
        %get3A_561 = tpu.vector_load %arg6[%get3A_559, %get3A_560] {strides = array<i32>} : memref<200x128xf32, #tpu.memory_space<vmem>>, vector<1x16xf32>,
        %get3A_562 = vector.shape_cast %get3A_561 : vector<1x16xf32> to vector<16xf32>
        %add3A_563 = arith.addf %add3A_515, %get3A_562 : vector<16xf32>
        %mul3A_564 = arith.constant 8 : i32
        %mul3A_565 = arith.muli %scan3A_436, %mul3A_564 : i32
        %add3A_566 = arith.constant 5 : i32
        %add3A_567 = arith.addi %mul3A_565, %add3A_566 : i32
        %get3A_568 = arith.index_cast %add3A_567 : i32 to index
        %get3A_569 = arith.constant 0 : index
        %get3A_570 = tpu.vector_load %arg6[%get3A_568, %get3A_569] {strides = array<i32>} : memref<200x128xf32, #tpu.memory_space<vmem>>, vector<1x16xf32>,
        %get3A_571 = vector.shape_cast %get3A_570 : vector<1x16xf32> to vector<16xf32>
        %add3A_572 = arith.addf %add3A_524, %get3A_571 : vector<16xf32>
        %get3A_573 = arith.index_cast %add3A_567 : i32 to index
        %get3A_574 = arith.constant 16 : index
        %get3A_575 = tpu.vector_load %arg6[%get3A_573, %get3A_574] {strides = array<i32>} : memref<200x128xf32, #tpu.memory_space<vmem>>, vector<1x16xf32>,
        %get3A_576 = vector.shape_cast %get3A_575 : vector<1x16xf32> to vector<16xf32>
        %add3A_577 = arith.addf %add3A_529, %get3A_576 : vector<16xf32>
        %get3A_578 = arith.index_cast %add3A_567 : i32 to index
        %get3A_579 = arith.constant 32 : index
        %get3A_580 = tpu.vector_load %arg6[%get3A_578, %get3A_579] {strides = array<i32>} : memref<200x128xf32, #tpu.memory_space<vmem>>, vector<1x16xf32>,
        %get3A_581 = vector.shape_cast %get3A_580 : vector<1x16xf32> to vector<16xf32>
        %add3A_582 = arith.addf %add3A_534, %get3A_581 : vector<16xf32>
        %get3A_583 = arith.index_cast %add3A_567 : i32 to index
        %get3A_584 = arith.constant 48 : index
        %get3A_585 = tpu.vector_load %arg6[%get3A_583, %get3A_584] {strides = array<i32>} : memref<200x128xf32, #tpu.memory_space<vmem>>, vector<1x16xf32>,
        %get3A_586 = vector.shape_cast %get3A_585 : vector<1x16xf32> to vector<16xf32>
        %add3A_587 = arith.addf %add3A_539, %get3A_586 : vector<16xf32>
        %mul3A_588 = arith.constant 8 : i32
        %mul3A_589 = arith.muli %scan3A_436, %mul3A_588 : i32
        %add3A_590 = arith.constant 6 : i32
        %add3A_591 = arith.addi %mul3A_589, %add3A_590 : i32
        %get3A_592 = arith.index_cast %add3A_591 : i32 to index
        %get3A_593 = arith.constant 0 : index
        %get3A_594 = tpu.vector_load %arg6[%get3A_592, %get3A_593] {strides = array<i32>} : memref<200x128xf32, #tpu.memory_space<vmem>>, vector<1x16xf32>,
        %get3A_595 = vector.shape_cast %get3A_594 : vector<1x16xf32> to vector<16xf32>
        %add3A_596 = arith.addf %add3A_548, %get3A_595 : vector<16xf32>
        %get3A_597 = arith.index_cast %add3A_591 : i32 to index
        %get3A_598 = arith.constant 16 : index
        %get3A_599 = tpu.vector_load %arg6[%get3A_597, %get3A_598] {strides = array<i32>} : memref<200x128xf32, #tpu.memory_space<vmem>>, vector<1x16xf32>,
        %get3A_600 = vector.shape_cast %get3A_599 : vector<1x16xf32> to vector<16xf32>
        %add3A_601 = arith.addf %add3A_553, %get3A_600 : vector<16xf32>
        %get3A_602 = arith.index_cast %add3A_591 : i32 to index
        %get3A_603 = arith.constant 32 : index
        %get3A_604 = tpu.vector_load %arg6[%get3A_602, %get3A_603] {strides = array<i32>} : memref<200x128xf32, #tpu.memory_space<vmem>>, vector<1x16xf32>,
        %get3A_605 = vector.shape_cast %get3A_604 : vector<1x16xf32> to vector<16xf32>
        %add3A_606 = arith.addf %add3A_558, %get3A_605 : vector<16xf32>
        %get3A_607 = arith.index_cast %add3A_591 : i32 to index
        %get3A_608 = arith.constant 48 : index
        %get3A_609 = tpu.vector_load %arg6[%get3A_607, %get3A_608] {strides = array<i32>} : memref<200x128xf32, #tpu.memory_space<vmem>>, vector<1x16xf32>,
        %get3A_610 = vector.shape_cast %get3A_609 : vector<1x16xf32> to vector<16xf32>
        %add3A_611 = arith.addf %add3A_563, %get3A_610 : vector<16xf32>
        %mul3A_612 = arith.constant 8 : i32
        %mul3A_613 = arith.muli %scan3A_436, %mul3A_612 : i32
        %add3A_614 = arith.constant 7 : i32
        %add3A_615 = arith.addi %mul3A_613, %add3A_614 : i32
        %get3A_616 = arith.index_cast %add3A_615 : i32 to index
        %get3A_617 = arith.constant 0 : index
        %get3A_618 = tpu.vector_load %arg6[%get3A_616, %get3A_617] {strides = array<i32>} : memref<200x128xf32, #tpu.memory_space<vmem>>, vector<1x16xf32>,
        %get3A_619 = vector.shape_cast %get3A_618 : vector<1x16xf32> to vector<16xf32>
        %add3A_620 = arith.addf %add3A_572, %get3A_619 : vector<16xf32>
        %get3A_621 = arith.index_cast %add3A_615 : i32 to index
        %get3A_622 = arith.constant 16 : index
        %get3A_623 = tpu.vector_load %arg6[%get3A_621, %get3A_622] {strides = array<i32>} : memref<200x128xf32, #tpu.memory_space<vmem>>, vector<1x16xf32>,
        %get3A_624 = vector.shape_cast %get3A_623 : vector<1x16xf32> to vector<16xf32>
        %add3A_625 = arith.addf %add3A_577, %get3A_624 : vector<16xf32>
        %get3A_626 = arith.index_cast %add3A_615 : i32 to index
        %get3A_627 = arith.constant 32 : index
        %get3A_628 = tpu.vector_load %arg6[%get3A_626, %get3A_627] {strides = array<i32>} : memref<200x128xf32, #tpu.memory_space<vmem>>, vector<1x16xf32>,
        %get3A_629 = vector.shape_cast %get3A_628 : vector<1x16xf32> to vector<16xf32>
        %add3A_630 = arith.addf %add3A_582, %get3A_629 : vector<16xf32>
        %get3A_631 = arith.index_cast %add3A_615 : i32 to index
        %get3A_632 = arith.constant 48 : index
        %get3A_633 = tpu.vector_load %arg6[%get3A_631, %get3A_632] {strides = array<i32>} : memref<200x128xf32, #tpu.memory_space<vmem>>, vector<1x16xf32>,
        %get3A_634 = vector.shape_cast %get3A_633 : vector<1x16xf32> to vector<16xf32>
        %add3A_635 = arith.addf %add3A_587, %get3A_634 : vector<16xf32>
        scf.yield %add3A_596, %add3A_601, %add3A_606, %add3A_611, %add3A_620, %add3A_625, %add3A_630, %add3A_635 : vector<16xf32>, vector<16xf32>, vector<16xf32>, vector<16xf32>, vector<16xf32>, vector<16xf32>, vector<16xf32>, vector<16xf32>
      }
      %scan3A_46 = arith.constant 25 : i32
      %add3A_47 = arith.addf %scan3A_45#0, %scan3A_45#4 : vector<16xf32>
      %mul3A_48 = vector.broadcast %scan3A_21 : f32 to vector<16xf32>
      %mul3A_49 = arith.mulf %add3A_47, %mul3A_48 : vector<16xf32>
      %swap3A = arith.constant 0 : index
      %swap3A_50 = tpu.vector_load %arg8[%swap3A] {strides = array<i32>} : memref<512xf32, #tpu.memory_space<vmem>>, vector<16xf32>,
      %swap3A_51 = vector.shape_cast %swap3A_50 : vector<16xf32> to vector<16xf32>
      %swap3A_52 = vector.shape_cast %mul3A_49 : vector<16xf32> to vector<16xf32>
      tpu.vector_store %arg8[%swap3A], %swap3A_52 {strides = array<i32>} : memref<512xf32, #tpu.memory_space<vmem>>, vector<16xf32>,
      %add3A_53 = arith.addf %scan3A_45#1, %scan3A_45#5 : vector<16xf32>
      %mul3A_54 = vector.broadcast %scan3A_21 : f32 to vector<16xf32>
      %mul3A_55 = arith.mulf %add3A_53, %mul3A_54 : vector<16xf32>
      %swap3A_56 = arith.constant 16 : index
      %swap3A_57 = tpu.vector_load %arg8[%swap3A_56] {strides = array<i32>} : memref<512xf32, #tpu.memory_space<vmem>>, vector<16xf32>,
      %swap3A_58 = vector.shape_cast %swap3A_57 : vector<16xf32> to vector<16xf32>
      %swap3A_59 = vector.shape_cast %mul3A_55 : vector<16xf32> to vector<16xf32>
      tpu.vector_store %arg8[%swap3A_56], %swap3A_59 {strides = array<i32>} : memref<512xf32, #tpu.memory_space<vmem>>, vector<16xf32>,
      %add3A_60 = arith.addf %scan3A_45#2, %scan3A_45#6 : vector<16xf32>
      %mul3A_61 = vector.broadcast %scan3A_21 : f32 to vector<16xf32>
      %mul3A_62 = arith.mulf %add3A_60, %mul3A_61 : vector<16xf32>
      %swap3A_63 = arith.constant 32 : index
      %swap3A_64 = tpu.vector_load %arg8[%swap3A_63] {strides = array<i32>} : memref<512xf32, #tpu.memory_space<vmem>>, vector<16xf32>,
      %swap3A_65 = vector.shape_cast %swap3A_64 : vector<16xf32> to vector<16xf32>
      %swap3A_66 = vector.shape_cast %mul3A_62 : vector<16xf32> to vector<16xf32>
      tpu.vector_store %arg8[%swap3A_63], %swap3A_66 {strides = array<i32>} : memref<512xf32, #tpu.memory_space<vmem>>, vector<16xf32>,
      %add3A_67 = arith.addf %scan3A_45#3, %scan3A_45#7 : vector<16xf32>
      %mul3A_68 = vector.broadcast %scan3A_21 : f32 to vector<16xf32>
      %mul3A_69 = arith.mulf %add3A_67, %mul3A_68 : vector<16xf32>
      %swap3A_70 = arith.constant 48 : index
      %swap3A_71 = tpu.vector_load %arg8[%swap3A_70] {strides = array<i32>} : memref<512xf32, #tpu.memory_space<vmem>>, vector<16xf32>,
      %swap3A_72 = vector.shape_cast %swap3A_71 : vector<16xf32> to vector<16xf32>
      %swap3A_73 = vector.shape_cast %mul3A_69 : vector<16xf32> to vector<16xf32>
      tpu.vector_store %arg8[%swap3A_70], %swap3A_73 {strides = array<i32>} : memref<512xf32, #tpu.memory_space<vmem>>, vector<16xf32>,
      %mul3A_74 = arith.constant 8 : i32
      %mul3A_75 = arith.muli %scan3A_27, %mul3A_74 : i32
      %add3A_76 = arith.constant 1 : i32
      %add3A_77 = arith.addi %mul3A_75, %add3A_76 : i32
      %add3A_78 = arith.constant 1 : i32
      %add3A_79 = arith.addi %add3A_77, %add3A_78 : i32
      %lt3A_80 = arith.constant 128 : i32
      %lt3A_81 = arith.cmpi slt, %add3A_79, %lt3A_80 : i32
      %convert_element_type3A_82 = arith.extui %lt3A_81 : i1 to i32
      %cond3A_83 = arith.constant 0 : i32
      %cond3A_84 = arith.cmpi ne, %convert_element_type3A_82, %cond3A_83 : i32
      scf.if %cond3A_84 {
        %mul3A_436 = arith.constant 200 : i32
        %mul3A_437 = arith.muli %add3A_79, %mul3A_436 : i32
        %dma_start3A_438 = arith.constant 0 : i32
        %dma_start3A_439 = arith.constant 0 : i32
        %dma_start3A_440 = tpu.memref_slice %arg6[%dma_start3A_438, %dma_start3A_439] : memref<200x128xf32, #tpu.memory_space<vmem>> -> memref<128x128xf32, #tpu.memory_space<vmem>>
        %dma_start3A_441 = tpu.memref_slice %arg5[%mul3A_437] : memref<25600xi32, #tpu.memory_space<vmem>> -> memref<128xi32, #tpu.memory_space<vmem>>
        %dma_start3A_442 = arith.constant 0 : i32
        %dma_start3A_443 = arith.constant 0 : i32
        %dma_start3A_444 = tpu.memref_slice %arg3[%dma_start3A_442, %dma_start3A_443] : memref<1000000x128xf32, #tpu.memory_space<hbm>> -> memref<1000000x128xf32, #tpu.memory_space<hbm>>
        tpu.enqueue_indirect_dma source(%dma_start3A_444 : memref<1000000x128xf32, #tpu.memory_space<hbm>>) target(%dma_start3A_440 : memref<128x128xf32, #tpu.memory_space<vmem>>) offsets(%dma_start3A_441 : memref<128xi32, #tpu.memory_space<vmem>>) semaphore(%arg9 : memref<!tpu.dma_semaphore, #tpu.memory_space<semaphore_mem>>)
        %mul3A_445 = arith.constant 200 : i32
        %mul3A_446 = arith.muli %add3A_79, %mul3A_445 : i32
        %add3A_447 = arith.constant 128 : i32
        %add3A_448 = arith.addi %mul3A_446, %add3A_447 : i32
        %dma_start3A_449 = arith.constant 128 : i32
        %dma_start3A_450 = arith.constant 0 : i32
        %dma_start3A_451 = tpu.memref_slice %arg6[%dma_start3A_449, %dma_start3A_450] : memref<200x128xf32, #tpu.memory_space<vmem>> -> memref<72x128xf32, #tpu.memory_space<vmem>>
        %dma_start3A_452 = tpu.memref_slice %arg5[%add3A_448] : memref<25600xi32, #tpu.memory_space<vmem>> -> memref<72xi32, #tpu.memory_space<vmem>>
        %dma_start3A_453 = arith.constant 0 : i32
        %dma_start3A_454 = arith.constant 0 : i32
        %dma_start3A_455 = tpu.memref_slice %arg3[%dma_start3A_453, %dma_start3A_454] : memref<1000000x128xf32, #tpu.memory_space<hbm>> -> memref<1000000x128xf32, #tpu.memory_space<hbm>>
        tpu.enqueue_indirect_dma source(%dma_start3A_455 : memref<1000000x128xf32, #tpu.memory_space<hbm>>) target(%dma_start3A_451 : memref<72x128xf32, #tpu.memory_space<vmem>>) offsets(%dma_start3A_452 : memref<72xi32, #tpu.memory_space<vmem>>) semaphore(%arg9 : memref<!tpu.dma_semaphore, #tpu.memory_space<semaphore_mem>>)
      } else {
      }
      %dma_wait3A_85 = arith.constant 0 : i32
      %dma_wait3A_86 = arith.constant 0 : i32
      %dma_wait3A_87 = tpu.memref_slice %arg3[%dma_wait3A_85, %dma_wait3A_86] : memref<1000000x128xf32, #tpu.memory_space<hbm>> -> memref<200x128xf32, #tpu.memory_space<hbm>>
      %dma_wait3A_88 = arith.constant 0 : i32
      %dma_wait3A_89 = arith.constant 0 : i32
      %dma_wait3A_90 = tpu.memref_slice %arg3[%dma_wait3A_88, %dma_wait3A_89] : memref<1000000x128xf32, #tpu.memory_space<hbm>> -> memref<200x128xf32, #tpu.memory_space<hbm>>
      tpu.wait_dma2 semaphore(%arg10 : memref<!tpu.dma_semaphore, #tpu.memory_space<semaphore_mem>>) src(%dma_wait3A_90 : memref<200x128xf32, #tpu.memory_space<hbm>>) dst(%arg7 : memref<200x128xf32, #tpu.memory_space<vmem>>)
      %scan3A_91 = arith.constant 0 : i32
      %scan3A_92 = arith.constant 25 : i32
      %scan3A_93 = arith.addi %scan3A_91, %scan3A_92 : i32
      %scan3A_94 = arith.constant 1 : i32
      %scan3A_95:8 = scf.for %scan3A_436 = %scan3A_91 to %scan3A_93 step %scan3A_94 iter_args(%scan3A_437 = %broadcast_in_dim3A_5, %scan3A_438 = %broadcast_in_dim3A_5, %scan3A_439 = %broadcast_in_dim3A_5, %scan3A_440 = %broadcast_in_dim3A_5, %scan3A_441 = %broadcast_in_dim3A_5, %scan3A_442 = %broadcast_in_dim3A_5, %scan3A_443 = %broadcast_in_dim3A_5, %scan3A_444 = %broadcast_in_dim3A_5) -> (vector<16xf32>, vector<16xf32>, vector<16xf32>, vector<16xf32>, vector<16xf32>, vector<16xf32>, vector<16xf32>, vector<16xf32>)  : i32 {
        %mul3A_445 = arith.constant 8 : i32
        %mul3A_446 = arith.muli %scan3A_436, %mul3A_445 : i32
        %add3A_447 = arith.constant 0 : i32
        %add3A_448 = arith.addi %mul3A_446, %add3A_447 : i32
        %get3A = arith.index_cast %add3A_448 : i32 to index
        %get3A_449 = arith.constant 0 : index
        %get3A_450 = tpu.vector_load %arg7[%get3A, %get3A_449] {strides = array<i32>} : memref<200x128xf32, #tpu.memory_space<vmem>>, vector<1x16xf32>,
        %get3A_451 = vector.shape_cast %get3A_450 : vector<1x16xf32> to vector<16xf32>
        %add3A_452 = arith.addf %scan3A_437, %get3A_451 : vector<16xf32>
        %get3A_453 = arith.index_cast %add3A_448 : i32 to index
        %get3A_454 = arith.constant 16 : index
        %get3A_455 = tpu.vector_load %arg7[%get3A_453, %get3A_454] {strides = array<i32>} : memref<200x128xf32, #tpu.memory_space<vmem>>, vector<1x16xf32>,
        %get3A_456 = vector.shape_cast %get3A_455 : vector<1x16xf32> to vector<16xf32>
        %add3A_457 = arith.addf %scan3A_438, %get3A_456 : vector<16xf32>
        %get3A_458 = arith.index_cast %add3A_448 : i32 to index
        %get3A_459 = arith.constant 32 : index
        %get3A_460 = tpu.vector_load %arg7[%get3A_458, %get3A_459] {strides = array<i32>} : memref<200x128xf32, #tpu.memory_space<vmem>>, vector<1x16xf32>,
        %get3A_461 = vector.shape_cast %get3A_460 : vector<1x16xf32> to vector<16xf32>
        %add3A_462 = arith.addf %scan3A_439, %get3A_461 : vector<16xf32>
        %get3A_463 = arith.index_cast %add3A_448 : i32 to index
        %get3A_464 = arith.constant 48 : index
        %get3A_465 = tpu.vector_load %arg7[%get3A_463, %get3A_464] {strides = array<i32>} : memref<200x128xf32, #tpu.memory_space<vmem>>, vector<1x16xf32>,
        %get3A_466 = vector.shape_cast %get3A_465 : vector<1x16xf32> to vector<16xf32>
        %add3A_467 = arith.addf %scan3A_440, %get3A_466 : vector<16xf32>
        %mul3A_468 = arith.constant 8 : i32
        %mul3A_469 = arith.muli %scan3A_436, %mul3A_468 : i32
        %add3A_470 = arith.constant 1 : i32
        %add3A_471 = arith.addi %mul3A_469, %add3A_470 : i32
        %get3A_472 = arith.index_cast %add3A_471 : i32 to index
        %get3A_473 = arith.constant 0 : index
        %get3A_474 = tpu.vector_load %arg7[%get3A_472, %get3A_473] {strides = array<i32>} : memref<200x128xf32, #tpu.memory_space<vmem>>, vector<1x16xf32>,
        %get3A_475 = vector.shape_cast %get3A_474 : vector<1x16xf32> to vector<16xf32>
        %add3A_476 = arith.addf %scan3A_441, %get3A_475 : vector<16xf32>
        %get3A_477 = arith.index_cast %add3A_471 : i32 to index
        %get3A_478 = arith.constant 16 : index
        %get3A_479 = tpu.vector_load %arg7[%get3A_477, %get3A_478] {strides = array<i32>} : memref<200x128xf32, #tpu.memory_space<vmem>>, vector<1x16xf32>,
        %get3A_480 = vector.shape_cast %get3A_479 : vector<1x16xf32> to vector<16xf32>
        %add3A_481 = arith.addf %scan3A_442, %get3A_480 : vector<16xf32>
        %get3A_482 = arith.index_cast %add3A_471 : i32 to index
        %get3A_483 = arith.constant 32 : index
        %get3A_484 = tpu.vector_load %arg7[%get3A_482, %get3A_483] {strides = array<i32>} : memref<200x128xf32, #tpu.memory_space<vmem>>, vector<1x16xf32>,
        %get3A_485 = vector.shape_cast %get3A_484 : vector<1x16xf32> to vector<16xf32>
        %add3A_486 = arith.addf %scan3A_443, %get3A_485 : vector<16xf32>
        %get3A_487 = arith.index_cast %add3A_471 : i32 to index
        %get3A_488 = arith.constant 48 : index
        %get3A_489 = tpu.vector_load %arg7[%get3A_487, %get3A_488] {strides = array<i32>} : memref<200x128xf32, #tpu.memory_space<vmem>>, vector<1x16xf32>,
        %get3A_490 = vector.shape_cast %get3A_489 : vector<1x16xf32> to vector<16xf32>
        %add3A_491 = arith.addf %scan3A_444, %get3A_490 : vector<16xf32>
        %mul3A_492 = arith.constant 8 : i32
        %mul3A_493 = arith.muli %scan3A_436, %mul3A_492 : i32
        %add3A_494 = arith.constant 2 : i32
        %add3A_495 = arith.addi %mul3A_493, %add3A_494 : i32
        %get3A_496 = arith.index_cast %add3A_495 : i32 to index
        %get3A_497 = arith.constant 0 : index
        %get3A_498 = tpu.vector_load %arg7[%get3A_496, %get3A_497] {strides = array<i32>} : memref<200x128xf32, #tpu.memory_space<vmem>>, vector<1x16xf32>,
        %get3A_499 = vector.shape_cast %get3A_498 : vector<1x16xf32> to vector<16xf32>
        %add3A_500 = arith.addf %add3A_452, %get3A_499 : vector<16xf32>
        %get3A_501 = arith.index_cast %add3A_495 : i32 to index
        %get3A_502 = arith.constant 16 : index
        %get3A_503 = tpu.vector_load %arg7[%get3A_501, %get3A_502] {strides = array<i32>} : memref<200x128xf32, #tpu.memory_space<vmem>>, vector<1x16xf32>,
        %get3A_504 = vector.shape_cast %get3A_503 : vector<1x16xf32> to vector<16xf32>
        %add3A_505 = arith.addf %add3A_457, %get3A_504 : vector<16xf32>
        %get3A_506 = arith.index_cast %add3A_495 : i32 to index
        %get3A_507 = arith.constant 32 : index
        %get3A_508 = tpu.vector_load %arg7[%get3A_506, %get3A_507] {strides = array<i32>} : memref<200x128xf32, #tpu.memory_space<vmem>>, vector<1x16xf32>,
        %get3A_509 = vector.shape_cast %get3A_508 : vector<1x16xf32> to vector<16xf32>
        %add3A_510 = arith.addf %add3A_462, %get3A_509 : vector<16xf32>
        %get3A_511 = arith.index_cast %add3A_495 : i32 to index
        %get3A_512 = arith.constant 48 : index
        %get3A_513 = tpu.vector_load %arg7[%get3A_511, %get3A_512] {strides = array<i32>} : memref<200x128xf32, #tpu.memory_space<vmem>>, vector<1x16xf32>,
        %get3A_514 = vector.shape_cast %get3A_513 : vector<1x16xf32> to vector<16xf32>
        %add3A_515 = arith.addf %add3A_467, %get3A_514 : vector<16xf32>
        %mul3A_516 = arith.constant 8 : i32
        %mul3A_517 = arith.muli %scan3A_436, %mul3A_516 : i32
        %add3A_518 = arith.constant 3 : i32
        %add3A_519 = arith.addi %mul3A_517, %add3A_518 : i32
        %get3A_520 = arith.index_cast %add3A_519 : i32 to index
        %get3A_521 = arith.constant 0 : index
        %get3A_522 = tpu.vector_load %arg7[%get3A_520, %get3A_521] {strides = array<i32>} : memref<200x128xf32, #tpu.memory_space<vmem>>, vector<1x16xf32>,
        %get3A_523 = vector.shape_cast %get3A_522 : vector<1x16xf32> to vector<16xf32>
        %add3A_524 = arith.addf %add3A_476, %get3A_523 : vector<16xf32>
        %get3A_525 = arith.index_cast %add3A_519 : i32 to index
        %get3A_526 = arith.constant 16 : index
        %get3A_527 = tpu.vector_load %arg7[%get3A_525, %get3A_526] {strides = array<i32>} : memref<200x128xf32, #tpu.memory_space<vmem>>, vector<1x16xf32>,
        %get3A_528 = vector.shape_cast %get3A_527 : vector<1x16xf32> to vector<16xf32>
        %add3A_529 = arith.addf %add3A_481, %get3A_528 : vector<16xf32>
        %get3A_530 = arith.index_cast %add3A_519 : i32 to index
        %get3A_531 = arith.constant 32 : index
        %get3A_532 = tpu.vector_load %arg7[%get3A_530, %get3A_531] {strides = array<i32>} : memref<200x128xf32, #tpu.memory_space<vmem>>, vector<1x16xf32>,
        %get3A_533 = vector.shape_cast %get3A_532 : vector<1x16xf32> to vector<16xf32>
        %add3A_534 = arith.addf %add3A_486, %get3A_533 : vector<16xf32>
        %get3A_535 = arith.index_cast %add3A_519 : i32 to index
        %get3A_536 = arith.constant 48 : index
        %get3A_537 = tpu.vector_load %arg7[%get3A_535, %get3A_536] {strides = array<i32>} : memref<200x128xf32, #tpu.memory_space<vmem>>, vector<1x16xf32>,
        %get3A_538 = vector.shape_cast %get3A_537 : vector<1x16xf32> to vector<16xf32>
        %add3A_539 = arith.addf %add3A_491, %get3A_538 : vector<16xf32>
        %mul3A_540 = arith.constant 8 : i32
        %mul3A_541 = arith.muli %scan3A_436, %mul3A_540 : i32
        %add3A_542 = arith.constant 4 : i32
        %add3A_543 = arith.addi %mul3A_541, %add3A_542 : i32
        %get3A_544 = arith.index_cast %add3A_543 : i32 to index
        %get3A_545 = arith.constant 0 : index
        %get3A_546 = tpu.vector_load %arg7[%get3A_544, %get3A_545] {strides = array<i32>} : memref<200x128xf32, #tpu.memory_space<vmem>>, vector<1x16xf32>,
        %get3A_547 = vector.shape_cast %get3A_546 : vector<1x16xf32> to vector<16xf32>
        %add3A_548 = arith.addf %add3A_500, %get3A_547 : vector<16xf32>
        %get3A_549 = arith.index_cast %add3A_543 : i32 to index
        %get3A_550 = arith.constant 16 : index
        %get3A_551 = tpu.vector_load %arg7[%get3A_549, %get3A_550] {strides = array<i32>} : memref<200x128xf32, #tpu.memory_space<vmem>>, vector<1x16xf32>,
        %get3A_552 = vector.shape_cast %get3A_551 : vector<1x16xf32> to vector<16xf32>
        %add3A_553 = arith.addf %add3A_505, %get3A_552 : vector<16xf32>
        %get3A_554 = arith.index_cast %add3A_543 : i32 to index
        %get3A_555 = arith.constant 32 : index
        %get3A_556 = tpu.vector_load %arg7[%get3A_554, %get3A_555] {strides = array<i32>} : memref<200x128xf32, #tpu.memory_space<vmem>>, vector<1x16xf32>,
        %get3A_557 = vector.shape_cast %get3A_556 : vector<1x16xf32> to vector<16xf32>
        %add3A_558 = arith.addf %add3A_510, %get3A_557 : vector<16xf32>
        %get3A_559 = arith.index_cast %add3A_543 : i32 to index
        %get3A_560 = arith.constant 48 : index
        %get3A_561 = tpu.vector_load %arg7[%get3A_559, %get3A_560] {strides = array<i32>} : memref<200x128xf32, #tpu.memory_space<vmem>>, vector<1x16xf32>,
        %get3A_562 = vector.shape_cast %get3A_561 : vector<1x16xf32> to vector<16xf32>
        %add3A_563 = arith.addf %add3A_515, %get3A_562 : vector<16xf32>
        %mul3A_564 = arith.constant 8 : i32
        %mul3A_565 = arith.muli %scan3A_436, %mul3A_564 : i32
        %add3A_566 = arith.constant 5 : i32
        %add3A_567 = arith.addi %mul3A_565, %add3A_566 : i32
        %get3A_568 = arith.index_cast %add3A_567 : i32 to index
        %get3A_569 = arith.constant 0 : index
        %get3A_570 = tpu.vector_load %arg7[%get3A_568, %get3A_569] {strides = array<i32>} : memref<200x128xf32, #tpu.memory_space<vmem>>, vector<1x16xf32>,
        %get3A_571 = vector.shape_cast %get3A_570 : vector<1x16xf32> to vector<16xf32>
        %add3A_572 = arith.addf %add3A_524, %get3A_571 : vector<16xf32>
        %get3A_573 = arith.index_cast %add3A_567 : i32 to index
        %get3A_574 = arith.constant 16 : index
        %get3A_575 = tpu.vector_load %arg7[%get3A_573, %get3A_574] {strides = array<i32>} : memref<200x128xf32, #tpu.memory_space<vmem>>, vector<1x16xf32>,
        %get3A_576 = vector.shape_cast %get3A_575 : vector<1x16xf32> to vector<16xf32>
        %add3A_577 = arith.addf %add3A_529, %get3A_576 : vector<16xf32>
        %get3A_578 = arith.index_cast %add3A_567 : i32 to index
        %get3A_579 = arith.constant 32 : index
        %get3A_580 = tpu.vector_load %arg7[%get3A_578, %get3A_579] {strides = array<i32>} : memref<200x128xf32, #tpu.memory_space<vmem>>, vector<1x16xf32>,
        %get3A_581 = vector.shape_cast %get3A_580 : vector<1x16xf32> to vector<16xf32>
        %add3A_582 = arith.addf %add3A_534, %get3A_581 : vector<16xf32>
        %get3A_583 = arith.index_cast %add3A_567 : i32 to index
        %get3A_584 = arith.constant 48 : index
        %get3A_585 = tpu.vector_load %arg7[%get3A_583, %get3A_584] {strides = array<i32>} : memref<200x128xf32, #tpu.memory_space<vmem>>, vector<1x16xf32>,
        %get3A_586 = vector.shape_cast %get3A_585 : vector<1x16xf32> to vector<16xf32>
        %add3A_587 = arith.addf %add3A_539, %get3A_586 : vector<16xf32>
        %mul3A_588 = arith.constant 8 : i32
        %mul3A_589 = arith.muli %scan3A_436, %mul3A_588 : i32
        %add3A_590 = arith.constant 6 : i32
        %add3A_591 = arith.addi %mul3A_589, %add3A_590 : i32
        %get3A_592 = arith.index_cast %add3A_591 : i32 to index
        %get3A_593 = arith.constant 0 : index
        %get3A_594 = tpu.vector_load %arg7[%get3A_592, %get3A_593] {strides = array<i32>} : memref<200x128xf32, #tpu.memory_space<vmem>>, vector<1x16xf32>,
        %get3A_595 = vector.shape_cast %get3A_594 : vector<1x16xf32> to vector<16xf32>
        %add3A_596 = arith.addf %add3A_548, %get3A_595 : vector<16xf32>
        %get3A_597 = arith.index_cast %add3A_591 : i32 to index
        %get3A_598 = arith.constant 16 : index
        %get3A_599 = tpu.vector_load %arg7[%get3A_597, %get3A_598] {strides = array<i32>} : memref<200x128xf32, #tpu.memory_space<vmem>>, vector<1x16xf32>,
        %get3A_600 = vector.shape_cast %get3A_599 : vector<1x16xf32> to vector<16xf32>
        %add3A_601 = arith.addf %add3A_553, %get3A_600 : vector<16xf32>
        %get3A_602 = arith.index_cast %add3A_591 : i32 to index
        %get3A_603 = arith.constant 32 : index
        %get3A_604 = tpu.vector_load %arg7[%get3A_602, %get3A_603] {strides = array<i32>} : memref<200x128xf32, #tpu.memory_space<vmem>>, vector<1x16xf32>,
        %get3A_605 = vector.shape_cast %get3A_604 : vector<1x16xf32> to vector<16xf32>
        %add3A_606 = arith.addf %add3A_558, %get3A_605 : vector<16xf32>
        %get3A_607 = arith.index_cast %add3A_591 : i32 to index
        %get3A_608 = arith.constant 48 : index
        %get3A_609 = tpu.vector_load %arg7[%get3A_607, %get3A_608] {strides = array<i32>} : memref<200x128xf32, #tpu.memory_space<vmem>>, vector<1x16xf32>,
        %get3A_610 = vector.shape_cast %get3A_609 : vector<1x16xf32> to vector<16xf32>
        %add3A_611 = arith.addf %add3A_563, %get3A_610 : vector<16xf32>
        %mul3A_612 = arith.constant 8 : i32
        %mul3A_613 = arith.muli %scan3A_436, %mul3A_612 : i32
        %add3A_614 = arith.constant 7 : i32
        %add3A_615 = arith.addi %mul3A_613, %add3A_614 : i32
        %get3A_616 = arith.index_cast %add3A_615 : i32 to index
        %get3A_617 = arith.constant 0 : index
        %get3A_618 = tpu.vector_load %arg7[%get3A_616, %get3A_617] {strides = array<i32>} : memref<200x128xf32, #tpu.memory_space<vmem>>, vector<1x16xf32>,
        %get3A_619 = vector.shape_cast %get3A_618 : vector<1x16xf32> to vector<16xf32>
        %add3A_620 = arith.addf %add3A_572, %get3A_619 : vector<16xf32>
        %get3A_621 = arith.index_cast %add3A_615 : i32 to index
        %get3A_622 = arith.constant 16 : index
        %get3A_623 = tpu.vector_load %arg7[%get3A_621, %get3A_622] {strides = array<i32>} : memref<200x128xf32, #tpu.memory_space<vmem>>, vector<1x16xf32>,
        %get3A_624 = vector.shape_cast %get3A_623 : vector<1x16xf32> to vector<16xf32>
        %add3A_625 = arith.addf %add3A_577, %get3A_624 : vector<16xf32>
        %get3A_626 = arith.index_cast %add3A_615 : i32 to index
        %get3A_627 = arith.constant 32 : index
        %get3A_628 = tpu.vector_load %arg7[%get3A_626, %get3A_627] {strides = array<i32>} : memref<200x128xf32, #tpu.memory_space<vmem>>, vector<1x16xf32>,
        %get3A_629 = vector.shape_cast %get3A_628 : vector<1x16xf32> to vector<16xf32>
        %add3A_630 = arith.addf %add3A_582, %get3A_629 : vector<16xf32>
        %get3A_631 = arith.index_cast %add3A_615 : i32 to index
        %get3A_632 = arith.constant 48 : index
        %get3A_633 = tpu.vector_load %arg7[%get3A_631, %get3A_632] {strides = array<i32>} : memref<200x128xf32, #tpu.memory_space<vmem>>, vector<1x16xf32>,
        %get3A_634 = vector.shape_cast %get3A_633 : vector<1x16xf32> to vector<16xf32>
        %add3A_635 = arith.addf %add3A_587, %get3A_634 : vector<16xf32>
        scf.yield %add3A_596, %add3A_601, %add3A_606, %add3A_611, %add3A_620, %add3A_625, %add3A_630, %add3A_635 : vector<16xf32>, vector<16xf32>, vector<16xf32>, vector<16xf32>, vector<16xf32>, vector<16xf32>, vector<16xf32>, vector<16xf32>
      }
      %scan3A_96 = arith.constant 25 : i32
      %add3A_97 = arith.addf %scan3A_95#0, %scan3A_95#4 : vector<16xf32>
      %mul3A_98 = vector.broadcast %scan3A_21 : f32 to vector<16xf32>
      %mul3A_99 = arith.mulf %add3A_97, %mul3A_98 : vector<16xf32>
      %swap3A_100 = arith.constant 64 : index
      %swap3A_101 = tpu.vector_load %arg8[%swap3A_100] {strides = array<i32>} : memref<512xf32, #tpu.memory_space<vmem>>, vector<16xf32>,
      %swap3A_102 = vector.shape_cast %swap3A_101 : vector<16xf32> to vector<16xf32>
      %swap3A_103 = vector.shape_cast %mul3A_99 : vector<16xf32> to vector<16xf32>
      tpu.vector_store %arg8[%swap3A_100], %swap3A_103 {strides = array<i32>} : memref<512xf32, #tpu.memory_space<vmem>>, vector<16xf32>,
      %add3A_104 = arith.addf %scan3A_95#1, %scan3A_95#5 : vector<16xf32>
      %mul3A_105 = vector.broadcast %scan3A_21 : f32 to vector<16xf32>
      %mul3A_106 = arith.mulf %add3A_104, %mul3A_105 : vector<16xf32>
      %swap3A_107 = arith.constant 80 : index
      %swap3A_108 = tpu.vector_load %arg8[%swap3A_107] {strides = array<i32>} : memref<512xf32, #tpu.memory_space<vmem>>, vector<16xf32>,
      %swap3A_109 = vector.shape_cast %swap3A_108 : vector<16xf32> to vector<16xf32>
      %swap3A_110 = vector.shape_cast %mul3A_106 : vector<16xf32> to vector<16xf32>
      tpu.vector_store %arg8[%swap3A_107], %swap3A_110 {strides = array<i32>} : memref<512xf32, #tpu.memory_space<vmem>>, vector<16xf32>,
      %add3A_111 = arith.addf %scan3A_95#2, %scan3A_95#6 : vector<16xf32>
      %mul3A_112 = vector.broadcast %scan3A_21 : f32 to vector<16xf32>
      %mul3A_113 = arith.mulf %add3A_111, %mul3A_112 : vector<16xf32>
      %swap3A_114 = arith.constant 96 : index
      %swap3A_115 = tpu.vector_load %arg8[%swap3A_114] {strides = array<i32>} : memref<512xf32, #tpu.memory_space<vmem>>, vector<16xf32>,
      %swap3A_116 = vector.shape_cast %swap3A_115 : vector<16xf32> to vector<16xf32>
      %swap3A_117 = vector.shape_cast %mul3A_113 : vector<16xf32> to vector<16xf32>
      tpu.vector_store %arg8[%swap3A_114], %swap3A_117 {strides = array<i32>} : memref<512xf32, #tpu.memory_space<vmem>>, vector<16xf32>,
      %add3A_118 = arith.addf %scan3A_95#3, %scan3A_95#7 : vector<16xf32>
      %mul3A_119 = vector.broadcast %scan3A_21 : f32 to vector<16xf32>
      %mul3A_120 = arith.mulf %add3A_118, %mul3A_119 : vector<16xf32>
      %swap3A_121 = arith.constant 112 : index
      %swap3A_122 = tpu.vector_load %arg8[%swap3A_121] {strides = array<i32>} : memref<512xf32, #tpu.memory_space<vmem>>, vector<16xf32>,
      %swap3A_123 = vector.shape_cast %swap3A_122 : vector<16xf32> to vector<16xf32>
      %swap3A_124 = vector.shape_cast %mul3A_120 : vector<16xf32> to vector<16xf32>
      tpu.vector_store %arg8[%swap3A_121], %swap3A_124 {strides = array<i32>} : memref<512xf32, #tpu.memory_space<vmem>>, vector<16xf32>,
      %mul3A_125 = arith.constant 8 : i32
      %mul3A_126 = arith.muli %scan3A_27, %mul3A_125 : i32
      %add3A_127 = arith.constant 2 : i32
      %add3A_128 = arith.addi %mul3A_126, %add3A_127 : i32
      %add3A_129 = arith.constant 1 : i32
      %add3A_130 = arith.addi %add3A_128, %add3A_129 : i32
      %lt3A_131 = arith.constant 128 : i32
      %lt3A_132 = arith.cmpi slt, %add3A_130, %lt3A_131 : i32
      %convert_element_type3A_133 = arith.extui %lt3A_132 : i1 to i32
      %cond3A_134 = arith.constant 0 : i32
      %cond3A_135 = arith.cmpi ne, %convert_element_type3A_133, %cond3A_134 : i32
      scf.if %cond3A_135 {
        %mul3A_436 = arith.constant 200 : i32
        %mul3A_437 = arith.muli %add3A_130, %mul3A_436 : i32
        %dma_start3A_438 = arith.constant 0 : i32
        %dma_start3A_439 = arith.constant 0 : i32
        %dma_start3A_440 = tpu.memref_slice %arg7[%dma_start3A_438, %dma_start3A_439] : memref<200x128xf32, #tpu.memory_space<vmem>> -> memref<128x128xf32, #tpu.memory_space<vmem>>
        %dma_start3A_441 = tpu.memref_slice %arg5[%mul3A_437] : memref<25600xi32, #tpu.memory_space<vmem>> -> memref<128xi32, #tpu.memory_space<vmem>>
        %dma_start3A_442 = arith.constant 0 : i32
        %dma_start3A_443 = arith.constant 0 : i32
        %dma_start3A_444 = tpu.memref_slice %arg3[%dma_start3A_442, %dma_start3A_443] : memref<1000000x128xf32, #tpu.memory_space<hbm>> -> memref<1000000x128xf32, #tpu.memory_space<hbm>>
        tpu.enqueue_indirect_dma source(%dma_start3A_444 : memref<1000000x128xf32, #tpu.memory_space<hbm>>) target(%dma_start3A_440 : memref<128x128xf32, #tpu.memory_space<vmem>>) offsets(%dma_start3A_441 : memref<128xi32, #tpu.memory_space<vmem>>) semaphore(%arg10 : memref<!tpu.dma_semaphore, #tpu.memory_space<semaphore_mem>>)
        %mul3A_445 = arith.constant 200 : i32
        %mul3A_446 = arith.muli %add3A_130, %mul3A_445 : i32
        %add3A_447 = arith.constant 128 : i32
        %add3A_448 = arith.addi %mul3A_446, %add3A_447 : i32
        %dma_start3A_449 = arith.constant 128 : i32
        %dma_start3A_450 = arith.constant 0 : i32
        %dma_start3A_451 = tpu.memref_slice %arg7[%dma_start3A_449, %dma_start3A_450] : memref<200x128xf32, #tpu.memory_space<vmem>> -> memref<72x128xf32, #tpu.memory_space<vmem>>
        %dma_start3A_452 = tpu.memref_slice %arg5[%add3A_448] : memref<25600xi32, #tpu.memory_space<vmem>> -> memref<72xi32, #tpu.memory_space<vmem>>
        %dma_start3A_453 = arith.constant 0 : i32
        %dma_start3A_454 = arith.constant 0 : i32
        %dma_start3A_455 = tpu.memref_slice %arg3[%dma_start3A_453, %dma_start3A_454] : memref<1000000x128xf32, #tpu.memory_space<hbm>> -> memref<1000000x128xf32, #tpu.memory_space<hbm>>
        tpu.enqueue_indirect_dma source(%dma_start3A_455 : memref<1000000x128xf32, #tpu.memory_space<hbm>>) target(%dma_start3A_451 : memref<72x128xf32, #tpu.memory_space<vmem>>) offsets(%dma_start3A_452 : memref<72xi32, #tpu.memory_space<vmem>>) semaphore(%arg10 : memref<!tpu.dma_semaphore, #tpu.memory_space<semaphore_mem>>)
      } else {
      }
      %dma_wait3A_136 = arith.constant 0 : i32
      %dma_wait3A_137 = arith.constant 0 : i32
      %dma_wait3A_138 = tpu.memref_slice %arg3[%dma_wait3A_136, %dma_wait3A_137] : memref<1000000x128xf32, #tpu.memory_space<hbm>> -> memref<200x128xf32, #tpu.memory_space<hbm>>
      %dma_wait3A_139 = arith.constant 0 : i32
      %dma_wait3A_140 = arith.constant 0 : i32
      %dma_wait3A_141 = tpu.memref_slice %arg3[%dma_wait3A_139, %dma_wait3A_140] : memref<1000000x128xf32, #tpu.memory_space<hbm>> -> memref<200x128xf32, #tpu.memory_space<hbm>>
      tpu.wait_dma2 semaphore(%arg9 : memref<!tpu.dma_semaphore, #tpu.memory_space<semaphore_mem>>) src(%dma_wait3A_141 : memref<200x128xf32, #tpu.memory_space<hbm>>) dst(%arg6 : memref<200x128xf32, #tpu.memory_space<vmem>>)
      %scan3A_142 = arith.constant 0 : i32
      %scan3A_143 = arith.constant 25 : i32
      %scan3A_144 = arith.addi %scan3A_142, %scan3A_143 : i32
      %scan3A_145 = arith.constant 1 : i32
      %scan3A_146:8 = scf.for %scan3A_436 = %scan3A_142 to %scan3A_144 step %scan3A_145 iter_args(%scan3A_437 = %broadcast_in_dim3A_5, %scan3A_438 = %broadcast_in_dim3A_5, %scan3A_439 = %broadcast_in_dim3A_5, %scan3A_440 = %broadcast_in_dim3A_5, %scan3A_441 = %broadcast_in_dim3A_5, %scan3A_442 = %broadcast_in_dim3A_5, %scan3A_443 = %broadcast_in_dim3A_5, %scan3A_444 = %broadcast_in_dim3A_5) -> (vector<16xf32>, vector<16xf32>, vector<16xf32>, vector<16xf32>, vector<16xf32>, vector<16xf32>, vector<16xf32>, vector<16xf32>)  : i32 {
        %mul3A_445 = arith.constant 8 : i32
        %mul3A_446 = arith.muli %scan3A_436, %mul3A_445 : i32
        %add3A_447 = arith.constant 0 : i32
        %add3A_448 = arith.addi %mul3A_446, %add3A_447 : i32
        %get3A = arith.index_cast %add3A_448 : i32 to index
        %get3A_449 = arith.constant 0 : index
        %get3A_450 = tpu.vector_load %arg6[%get3A, %get3A_449] {strides = array<i32>} : memref<200x128xf32, #tpu.memory_space<vmem>>, vector<1x16xf32>,
        %get3A_451 = vector.shape_cast %get3A_450 : vector<1x16xf32> to vector<16xf32>
        %add3A_452 = arith.addf %scan3A_437, %get3A_451 : vector<16xf32>
        %get3A_453 = arith.index_cast %add3A_448 : i32 to index
        %get3A_454 = arith.constant 16 : index
        %get3A_455 = tpu.vector_load %arg6[%get3A_453, %get3A_454] {strides = array<i32>} : memref<200x128xf32, #tpu.memory_space<vmem>>, vector<1x16xf32>,
        %get3A_456 = vector.shape_cast %get3A_455 : vector<1x16xf32> to vector<16xf32>
        %add3A_457 = arith.addf %scan3A_438, %get3A_456 : vector<16xf32>
        %get3A_458 = arith.index_cast %add3A_448 : i32 to index
        %get3A_459 = arith.constant 32 : index
        %get3A_460 = tpu.vector_load %arg6[%get3A_458, %get3A_459] {strides = array<i32>} : memref<200x128xf32, #tpu.memory_space<vmem>>, vector<1x16xf32>,
        %get3A_461 = vector.shape_cast %get3A_460 : vector<1x16xf32> to vector<16xf32>
        %add3A_462 = arith.addf %scan3A_439, %get3A_461 : vector<16xf32>
        %get3A_463 = arith.index_cast %add3A_448 : i32 to index
        %get3A_464 = arith.constant 48 : index
        %get3A_465 = tpu.vector_load %arg6[%get3A_463, %get3A_464] {strides = array<i32>} : memref<200x128xf32, #tpu.memory_space<vmem>>, vector<1x16xf32>,
        %get3A_466 = vector.shape_cast %get3A_465 : vector<1x16xf32> to vector<16xf32>
        %add3A_467 = arith.addf %scan3A_440, %get3A_466 : vector<16xf32>
        %mul3A_468 = arith.constant 8 : i32
        %mul3A_469 = arith.muli %scan3A_436, %mul3A_468 : i32
        %add3A_470 = arith.constant 1 : i32
        %add3A_471 = arith.addi %mul3A_469, %add3A_470 : i32
        %get3A_472 = arith.index_cast %add3A_471 : i32 to index
        %get3A_473 = arith.constant 0 : index
        %get3A_474 = tpu.vector_load %arg6[%get3A_472, %get3A_473] {strides = array<i32>} : memref<200x128xf32, #tpu.memory_space<vmem>>, vector<1x16xf32>,
        %get3A_475 = vector.shape_cast %get3A_474 : vector<1x16xf32> to vector<16xf32>
        %add3A_476 = arith.addf %scan3A_441, %get3A_475 : vector<16xf32>
        %get3A_477 = arith.index_cast %add3A_471 : i32 to index
        %get3A_478 = arith.constant 16 : index
        %get3A_479 = tpu.vector_load %arg6[%get3A_477, %get3A_478] {strides = array<i32>} : memref<200x128xf32, #tpu.memory_space<vmem>>, vector<1x16xf32>,
        %get3A_480 = vector.shape_cast %get3A_479 : vector<1x16xf32> to vector<16xf32>
        %add3A_481 = arith.addf %scan3A_442, %get3A_480 : vector<16xf32>
        %get3A_482 = arith.index_cast %add3A_471 : i32 to index
        %get3A_483 = arith.constant 32 : index
        %get3A_484 = tpu.vector_load %arg6[%get3A_482, %get3A_483] {strides = array<i32>} : memref<200x128xf32, #tpu.memory_space<vmem>>, vector<1x16xf32>,
        %get3A_485 = vector.shape_cast %get3A_484 : vector<1x16xf32> to vector<16xf32>
        %add3A_486 = arith.addf %scan3A_443, %get3A_485 : vector<16xf32>
        %get3A_487 = arith.index_cast %add3A_471 : i32 to index
        %get3A_488 = arith.constant 48 : index
        %get3A_489 = tpu.vector_load %arg6[%get3A_487, %get3A_488] {strides = array<i32>} : memref<200x128xf32, #tpu.memory_space<vmem>>, vector<1x16xf32>,
        %get3A_490 = vector.shape_cast %get3A_489 : vector<1x16xf32> to vector<16xf32>
        %add3A_491 = arith.addf %scan3A_444, %get3A_490 : vector<16xf32>
        %mul3A_492 = arith.constant 8 : i32
        %mul3A_493 = arith.muli %scan3A_436, %mul3A_492 : i32
        %add3A_494 = arith.constant 2 : i32
        %add3A_495 = arith.addi %mul3A_493, %add3A_494 : i32
        %get3A_496 = arith.index_cast %add3A_495 : i32 to index
        %get3A_497 = arith.constant 0 : index
        %get3A_498 = tpu.vector_load %arg6[%get3A_496, %get3A_497] {strides = array<i32>} : memref<200x128xf32, #tpu.memory_space<vmem>>, vector<1x16xf32>,
        %get3A_499 = vector.shape_cast %get3A_498 : vector<1x16xf32> to vector<16xf32>
        %add3A_500 = arith.addf %add3A_452, %get3A_499 : vector<16xf32>
        %get3A_501 = arith.index_cast %add3A_495 : i32 to index
        %get3A_502 = arith.constant 16 : index
        %get3A_503 = tpu.vector_load %arg6[%get3A_501, %get3A_502] {strides = array<i32>} : memref<200x128xf32, #tpu.memory_space<vmem>>, vector<1x16xf32>,
        %get3A_504 = vector.shape_cast %get3A_503 : vector<1x16xf32> to vector<16xf32>
        %add3A_505 = arith.addf %add3A_457, %get3A_504 : vector<16xf32>
        %get3A_506 = arith.index_cast %add3A_495 : i32 to index
        %get3A_507 = arith.constant 32 : index
        %get3A_508 = tpu.vector_load %arg6[%get3A_506, %get3A_507] {strides = array<i32>} : memref<200x128xf32, #tpu.memory_space<vmem>>, vector<1x16xf32>,
        %get3A_509 = vector.shape_cast %get3A_508 : vector<1x16xf32> to vector<16xf32>
        %add3A_510 = arith.addf %add3A_462, %get3A_509 : vector<16xf32>
        %get3A_511 = arith.index_cast %add3A_495 : i32 to index
        %get3A_512 = arith.constant 48 : index
        %get3A_513 = tpu.vector_load %arg6[%get3A_511, %get3A_512] {strides = array<i32>} : memref<200x128xf32, #tpu.memory_space<vmem>>, vector<1x16xf32>,
        %get3A_514 = vector.shape_cast %get3A_513 : vector<1x16xf32> to vector<16xf32>
        %add3A_515 = arith.addf %add3A_467, %get3A_514 : vector<16xf32>
        %mul3A_516 = arith.constant 8 : i32
        %mul3A_517 = arith.muli %scan3A_436, %mul3A_516 : i32
        %add3A_518 = arith.constant 3 : i32
        %add3A_519 = arith.addi %mul3A_517, %add3A_518 : i32
        %get3A_520 = arith.index_cast %add3A_519 : i32 to index
        %get3A_521 = arith.constant 0 : index
        %get3A_522 = tpu.vector_load %arg6[%get3A_520, %get3A_521] {strides = array<i32>} : memref<200x128xf32, #tpu.memory_space<vmem>>, vector<1x16xf32>,
        %get3A_523 = vector.shape_cast %get3A_522 : vector<1x16xf32> to vector<16xf32>
        %add3A_524 = arith.addf %add3A_476, %get3A_523 : vector<16xf32>
        %get3A_525 = arith.index_cast %add3A_519 : i32 to index
        %get3A_526 = arith.constant 16 : index
        %get3A_527 = tpu.vector_load %arg6[%get3A_525, %get3A_526] {strides = array<i32>} : memref<200x128xf32, #tpu.memory_space<vmem>>, vector<1x16xf32>,
        %get3A_528 = vector.shape_cast %get3A_527 : vector<1x16xf32> to vector<16xf32>
        %add3A_529 = arith.addf %add3A_481, %get3A_528 : vector<16xf32>
        %get3A_530 = arith.index_cast %add3A_519 : i32 to index
        %get3A_531 = arith.constant 32 : index
        %get3A_532 = tpu.vector_load %arg6[%get3A_530, %get3A_531] {strides = array<i32>} : memref<200x128xf32, #tpu.memory_space<vmem>>, vector<1x16xf32>,
        %get3A_533 = vector.shape_cast %get3A_532 : vector<1x16xf32> to vector<16xf32>
        %add3A_534 = arith.addf %add3A_486, %get3A_533 : vector<16xf32>
        %get3A_535 = arith.index_cast %add3A_519 : i32 to index
        %get3A_536 = arith.constant 48 : index
        %get3A_537 = tpu.vector_load %arg6[%get3A_535, %get3A_536] {strides = array<i32>} : memref<200x128xf32, #tpu.memory_space<vmem>>, vector<1x16xf32>,
        %get3A_538 = vector.shape_cast %get3A_537 : vector<1x16xf32> to vector<16xf32>
        %add3A_539 = arith.addf %add3A_491, %get3A_538 : vector<16xf32>
        %mul3A_540 = arith.constant 8 : i32
        %mul3A_541 = arith.muli %scan3A_436, %mul3A_540 : i32
        %add3A_542 = arith.constant 4 : i32
        %add3A_543 = arith.addi %mul3A_541, %add3A_542 : i32
        %get3A_544 = arith.index_cast %add3A_543 : i32 to index
        %get3A_545 = arith.constant 0 : index
        %get3A_546 = tpu.vector_load %arg6[%get3A_544, %get3A_545] {strides = array<i32>} : memref<200x128xf32, #tpu.memory_space<vmem>>, vector<1x16xf32>,
        %get3A_547 = vector.shape_cast %get3A_546 : vector<1x16xf32> to vector<16xf32>
        %add3A_548 = arith.addf %add3A_500, %get3A_547 : vector<16xf32>
        %get3A_549 = arith.index_cast %add3A_543 : i32 to index
        %get3A_550 = arith.constant 16 : index
        %get3A_551 = tpu.vector_load %arg6[%get3A_549, %get3A_550] {strides = array<i32>} : memref<200x128xf32, #tpu.memory_space<vmem>>, vector<1x16xf32>,
        %get3A_552 = vector.shape_cast %get3A_551 : vector<1x16xf32> to vector<16xf32>
        %add3A_553 = arith.addf %add3A_505, %get3A_552 : vector<16xf32>
        %get3A_554 = arith.index_cast %add3A_543 : i32 to index
        %get3A_555 = arith.constant 32 : index
        %get3A_556 = tpu.vector_load %arg6[%get3A_554, %get3A_555] {strides = array<i32>} : memref<200x128xf32, #tpu.memory_space<vmem>>, vector<1x16xf32>,
        %get3A_557 = vector.shape_cast %get3A_556 : vector<1x16xf32> to vector<16xf32>
        %add3A_558 = arith.addf %add3A_510, %get3A_557 : vector<16xf32>
        %get3A_559 = arith.index_cast %add3A_543 : i32 to index
        %get3A_560 = arith.constant 48 : index
        %get3A_561 = tpu.vector_load %arg6[%get3A_559, %get3A_560] {strides = array<i32>} : memref<200x128xf32, #tpu.memory_space<vmem>>, vector<1x16xf32>,
        %get3A_562 = vector.shape_cast %get3A_561 : vector<1x16xf32> to vector<16xf32>
        %add3A_563 = arith.addf %add3A_515, %get3A_562 : vector<16xf32>
        %mul3A_564 = arith.constant 8 : i32
        %mul3A_565 = arith.muli %scan3A_436, %mul3A_564 : i32
        %add3A_566 = arith.constant 5 : i32
        %add3A_567 = arith.addi %mul3A_565, %add3A_566 : i32
        %get3A_568 = arith.index_cast %add3A_567 : i32 to index
        %get3A_569 = arith.constant 0 : index
        %get3A_570 = tpu.vector_load %arg6[%get3A_568, %get3A_569] {strides = array<i32>} : memref<200x128xf32, #tpu.memory_space<vmem>>, vector<1x16xf32>,
        %get3A_571 = vector.shape_cast %get3A_570 : vector<1x16xf32> to vector<16xf32>
        %add3A_572 = arith.addf %add3A_524, %get3A_571 : vector<16xf32>
        %get3A_573 = arith.index_cast %add3A_567 : i32 to index
        %get3A_574 = arith.constant 16 : index
        %get3A_575 = tpu.vector_load %arg6[%get3A_573, %get3A_574] {strides = array<i32>} : memref<200x128xf32, #tpu.memory_space<vmem>>, vector<1x16xf32>,
        %get3A_576 = vector.shape_cast %get3A_575 : vector<1x16xf32> to vector<16xf32>
        %add3A_577 = arith.addf %add3A_529, %get3A_576 : vector<16xf32>
        %get3A_578 = arith.index_cast %add3A_567 : i32 to index
        %get3A_579 = arith.constant 32 : index
        %get3A_580 = tpu.vector_load %arg6[%get3A_578, %get3A_579] {strides = array<i32>} : memref<200x128xf32, #tpu.memory_space<vmem>>, vector<1x16xf32>,
        %get3A_581 = vector.shape_cast %get3A_580 : vector<1x16xf32> to vector<16xf32>
        %add3A_582 = arith.addf %add3A_534, %get3A_581 : vector<16xf32>
        %get3A_583 = arith.index_cast %add3A_567 : i32 to index
        %get3A_584 = arith.constant 48 : index
        %get3A_585 = tpu.vector_load %arg6[%get3A_583, %get3A_584] {strides = array<i32>} : memref<200x128xf32, #tpu.memory_space<vmem>>, vector<1x16xf32>,
        %get3A_586 = vector.shape_cast %get3A_585 : vector<1x16xf32> to vector<16xf32>
        %add3A_587 = arith.addf %add3A_539, %get3A_586 : vector<16xf32>
        %mul3A_588 = arith.constant 8 : i32
        %mul3A_589 = arith.muli %scan3A_436, %mul3A_588 : i32
        %add3A_590 = arith.constant 6 : i32
        %add3A_591 = arith.addi %mul3A_589, %add3A_590 : i32
        %get3A_592 = arith.index_cast %add3A_591 : i32 to index
        %get3A_593 = arith.constant 0 : index
        %get3A_594 = tpu.vector_load %arg6[%get3A_592, %get3A_593] {strides = array<i32>} : memref<200x128xf32, #tpu.memory_space<vmem>>, vector<1x16xf32>,
        %get3A_595 = vector.shape_cast %get3A_594 : vector<1x16xf32> to vector<16xf32>
        %add3A_596 = arith.addf %add3A_548, %get3A_595 : vector<16xf32>
        %get3A_597 = arith.index_cast %add3A_591 : i32 to index
        %get3A_598 = arith.constant 16 : index
        %get3A_599 = tpu.vector_load %arg6[%get3A_597, %get3A_598] {strides = array<i32>} : memref<200x128xf32, #tpu.memory_space<vmem>>, vector<1x16xf32>,
        %get3A_600 = vector.shape_cast %get3A_599 : vector<1x16xf32> to vector<16xf32>
        %add3A_601 = arith.addf %add3A_553, %get3A_600 : vector<16xf32>
        %get3A_602 = arith.index_cast %add3A_591 : i32 to index
        %get3A_603 = arith.constant 32 : index
        %get3A_604 = tpu.vector_load %arg6[%get3A_602, %get3A_603] {strides = array<i32>} : memref<200x128xf32, #tpu.memory_space<vmem>>, vector<1x16xf32>,
        %get3A_605 = vector.shape_cast %get3A_604 : vector<1x16xf32> to vector<16xf32>
        %add3A_606 = arith.addf %add3A_558, %get3A_605 : vector<16xf32>
        %get3A_607 = arith.index_cast %add3A_591 : i32 to index
        %get3A_608 = arith.constant 48 : index
        %get3A_609 = tpu.vector_load %arg6[%get3A_607, %get3A_608] {strides = array<i32>} : memref<200x128xf32, #tpu.memory_space<vmem>>, vector<1x16xf32>,
        %get3A_610 = vector.shape_cast %get3A_609 : vector<1x16xf32> to vector<16xf32>
        %add3A_611 = arith.addf %add3A_563, %get3A_610 : vector<16xf32>
        %mul3A_612 = arith.constant 8 : i32
        %mul3A_613 = arith.muli %scan3A_436, %mul3A_612 : i32
        %add3A_614 = arith.constant 7 : i32
        %add3A_615 = arith.addi %mul3A_613, %add3A_614 : i32
        %get3A_616 = arith.index_cast %add3A_615 : i32 to index
        %get3A_617 = arith.constant 0 : index
        %get3A_618 = tpu.vector_load %arg6[%get3A_616, %get3A_617] {strides = array<i32>} : memref<200x128xf32, #tpu.memory_space<vmem>>, vector<1x16xf32>,
        %get3A_619 = vector.shape_cast %get3A_618 : vector<1x16xf32> to vector<16xf32>
        %add3A_620 = arith.addf %add3A_572, %get3A_619 : vector<16xf32>
        %get3A_621 = arith.index_cast %add3A_615 : i32 to index
        %get3A_622 = arith.constant 16 : index
        %get3A_623 = tpu.vector_load %arg6[%get3A_621, %get3A_622] {strides = array<i32>} : memref<200x128xf32, #tpu.memory_space<vmem>>, vector<1x16xf32>,
        %get3A_624 = vector.shape_cast %get3A_623 : vector<1x16xf32> to vector<16xf32>
        %add3A_625 = arith.addf %add3A_577, %get3A_624 : vector<16xf32>
        %get3A_626 = arith.index_cast %add3A_615 : i32 to index
        %get3A_627 = arith.constant 32 : index
        %get3A_628 = tpu.vector_load %arg6[%get3A_626, %get3A_627] {strides = array<i32>} : memref<200x128xf32, #tpu.memory_space<vmem>>, vector<1x16xf32>,
        %get3A_629 = vector.shape_cast %get3A_628 : vector<1x16xf32> to vector<16xf32>
        %add3A_630 = arith.addf %add3A_582, %get3A_629 : vector<16xf32>
        %get3A_631 = arith.index_cast %add3A_615 : i32 to index
        %get3A_632 = arith.constant 48 : index
        %get3A_633 = tpu.vector_load %arg6[%get3A_631, %get3A_632] {strides = array<i32>} : memref<200x128xf32, #tpu.memory_space<vmem>>, vector<1x16xf32>,
        %get3A_634 = vector.shape_cast %get3A_633 : vector<1x16xf32> to vector<16xf32>
        %add3A_635 = arith.addf %add3A_587, %get3A_634 : vector<16xf32>
        scf.yield %add3A_596, %add3A_601, %add3A_606, %add3A_611, %add3A_620, %add3A_625, %add3A_630, %add3A_635 : vector<16xf32>, vector<16xf32>, vector<16xf32>, vector<16xf32>, vector<16xf32>, vector<16xf32>, vector<16xf32>, vector<16xf32>
      }
      %scan3A_147 = arith.constant 25 : i32
      %add3A_148 = arith.addf %scan3A_146#0, %scan3A_146#4 : vector<16xf32>
      %mul3A_149 = vector.broadcast %scan3A_21 : f32 to vector<16xf32>
      %mul3A_150 = arith.mulf %add3A_148, %mul3A_149 : vector<16xf32>
      %swap3A_151 = arith.constant 128 : index
      %swap3A_152 = tpu.vector_load %arg8[%swap3A_151] {strides = array<i32>} : memref<512xf32, #tpu.memory_space<vmem>>, vector<16xf32>,
      %swap3A_153 = vector.shape_cast %swap3A_152 : vector<16xf32> to vector<16xf32>
      %swap3A_154 = vector.shape_cast %mul3A_150 : vector<16xf32> to vector<16xf32>
      tpu.vector_store %arg8[%swap3A_151], %swap3A_154 {strides = array<i32>} : memref<512xf32, #tpu.memory_space<vmem>>, vector<16xf32>,
      %add3A_155 = arith.addf %scan3A_146#1, %scan3A_146#5 : vector<16xf32>
      %mul3A_156 = vector.broadcast %scan3A_21 : f32 to vector<16xf32>
      %mul3A_157 = arith.mulf %add3A_155, %mul3A_156 : vector<16xf32>
      %swap3A_158 = arith.constant 144 : index
      %swap3A_159 = tpu.vector_load %arg8[%swap3A_158] {strides = array<i32>} : memref<512xf32, #tpu.memory_space<vmem>>, vector<16xf32>,
      %swap3A_160 = vector.shape_cast %swap3A_159 : vector<16xf32> to vector<16xf32>
      %swap3A_161 = vector.shape_cast %mul3A_157 : vector<16xf32> to vector<16xf32>
      tpu.vector_store %arg8[%swap3A_158], %swap3A_161 {strides = array<i32>} : memref<512xf32, #tpu.memory_space<vmem>>, vector<16xf32>,
      %add3A_162 = arith.addf %scan3A_146#2, %scan3A_146#6 : vector<16xf32>
      %mul3A_163 = vector.broadcast %scan3A_21 : f32 to vector<16xf32>
      %mul3A_164 = arith.mulf %add3A_162, %mul3A_163 : vector<16xf32>
      %swap3A_165 = arith.constant 160 : index
      %swap3A_166 = tpu.vector_load %arg8[%swap3A_165] {strides = array<i32>} : memref<512xf32, #tpu.memory_space<vmem>>, vector<16xf32>,
      %swap3A_167 = vector.shape_cast %swap3A_166 : vector<16xf32> to vector<16xf32>
      %swap3A_168 = vector.shape_cast %mul3A_164 : vector<16xf32> to vector<16xf32>
      tpu.vector_store %arg8[%swap3A_165], %swap3A_168 {strides = array<i32>} : memref<512xf32, #tpu.memory_space<vmem>>, vector<16xf32>,
      %add3A_169 = arith.addf %scan3A_146#3, %scan3A_146#7 : vector<16xf32>
      %mul3A_170 = vector.broadcast %scan3A_21 : f32 to vector<16xf32>
      %mul3A_171 = arith.mulf %add3A_169, %mul3A_170 : vector<16xf32>
      %swap3A_172 = arith.constant 176 : index
      %swap3A_173 = tpu.vector_load %arg8[%swap3A_172] {strides = array<i32>} : memref<512xf32, #tpu.memory_space<vmem>>, vector<16xf32>,
      %swap3A_174 = vector.shape_cast %swap3A_173 : vector<16xf32> to vector<16xf32>
      %swap3A_175 = vector.shape_cast %mul3A_171 : vector<16xf32> to vector<16xf32>
      tpu.vector_store %arg8[%swap3A_172], %swap3A_175 {strides = array<i32>} : memref<512xf32, #tpu.memory_space<vmem>>, vector<16xf32>,
      %mul3A_176 = arith.constant 8 : i32
      %mul3A_177 = arith.muli %scan3A_27, %mul3A_176 : i32
      %add3A_178 = arith.constant 3 : i32
      %add3A_179 = arith.addi %mul3A_177, %add3A_178 : i32
      %add3A_180 = arith.constant 1 : i32
      %add3A_181 = arith.addi %add3A_179, %add3A_180 : i32
      %lt3A_182 = arith.constant 128 : i32
      %lt3A_183 = arith.cmpi slt, %add3A_181, %lt3A_182 : i32
      %convert_element_type3A_184 = arith.extui %lt3A_183 : i1 to i32
      %cond3A_185 = arith.constant 0 : i32
      %cond3A_186 = arith.cmpi ne, %convert_element_type3A_184, %cond3A_185 : i32
      scf.if %cond3A_186 {
        %mul3A_436 = arith.constant 200 : i32
        %mul3A_437 = arith.muli %add3A_181, %mul3A_436 : i32
        %dma_start3A_438 = arith.constant 0 : i32
        %dma_start3A_439 = arith.constant 0 : i32
        %dma_start3A_440 = tpu.memref_slice %arg6[%dma_start3A_438, %dma_start3A_439] : memref<200x128xf32, #tpu.memory_space<vmem>> -> memref<128x128xf32, #tpu.memory_space<vmem>>
        %dma_start3A_441 = tpu.memref_slice %arg5[%mul3A_437] : memref<25600xi32, #tpu.memory_space<vmem>> -> memref<128xi32, #tpu.memory_space<vmem>>
        %dma_start3A_442 = arith.constant 0 : i32
        %dma_start3A_443 = arith.constant 0 : i32
        %dma_start3A_444 = tpu.memref_slice %arg3[%dma_start3A_442, %dma_start3A_443] : memref<1000000x128xf32, #tpu.memory_space<hbm>> -> memref<1000000x128xf32, #tpu.memory_space<hbm>>
        tpu.enqueue_indirect_dma source(%dma_start3A_444 : memref<1000000x128xf32, #tpu.memory_space<hbm>>) target(%dma_start3A_440 : memref<128x128xf32, #tpu.memory_space<vmem>>) offsets(%dma_start3A_441 : memref<128xi32, #tpu.memory_space<vmem>>) semaphore(%arg9 : memref<!tpu.dma_semaphore, #tpu.memory_space<semaphore_mem>>)
        %mul3A_445 = arith.constant 200 : i32
        %mul3A_446 = arith.muli %add3A_181, %mul3A_445 : i32
        %add3A_447 = arith.constant 128 : i32
        %add3A_448 = arith.addi %mul3A_446, %add3A_447 : i32
        %dma_start3A_449 = arith.constant 128 : i32
        %dma_start3A_450 = arith.constant 0 : i32
        %dma_start3A_451 = tpu.memref_slice %arg6[%dma_start3A_449, %dma_start3A_450] : memref<200x128xf32, #tpu.memory_space<vmem>> -> memref<72x128xf32, #tpu.memory_space<vmem>>
        %dma_start3A_452 = tpu.memref_slice %arg5[%add3A_448] : memref<25600xi32, #tpu.memory_space<vmem>> -> memref<72xi32, #tpu.memory_space<vmem>>
        %dma_start3A_453 = arith.constant 0 : i32
        %dma_start3A_454 = arith.constant 0 : i32
        %dma_start3A_455 = tpu.memref_slice %arg3[%dma_start3A_453, %dma_start3A_454] : memref<1000000x128xf32, #tpu.memory_space<hbm>> -> memref<1000000x128xf32, #tpu.memory_space<hbm>>
        tpu.enqueue_indirect_dma source(%dma_start3A_455 : memref<1000000x128xf32, #tpu.memory_space<hbm>>) target(%dma_start3A_451 : memref<72x128xf32, #tpu.memory_space<vmem>>) offsets(%dma_start3A_452 : memref<72xi32, #tpu.memory_space<vmem>>) semaphore(%arg9 : memref<!tpu.dma_semaphore, #tpu.memory_space<semaphore_mem>>)
      } else {
      }
      %dma_wait3A_187 = arith.constant 0 : i32
      %dma_wait3A_188 = arith.constant 0 : i32
      %dma_wait3A_189 = tpu.memref_slice %arg3[%dma_wait3A_187, %dma_wait3A_188] : memref<1000000x128xf32, #tpu.memory_space<hbm>> -> memref<200x128xf32, #tpu.memory_space<hbm>>
      %dma_wait3A_190 = arith.constant 0 : i32
      %dma_wait3A_191 = arith.constant 0 : i32
      %dma_wait3A_192 = tpu.memref_slice %arg3[%dma_wait3A_190, %dma_wait3A_191] : memref<1000000x128xf32, #tpu.memory_space<hbm>> -> memref<200x128xf32, #tpu.memory_space<hbm>>
      tpu.wait_dma2 semaphore(%arg10 : memref<!tpu.dma_semaphore, #tpu.memory_space<semaphore_mem>>) src(%dma_wait3A_192 : memref<200x128xf32, #tpu.memory_space<hbm>>) dst(%arg7 : memref<200x128xf32, #tpu.memory_space<vmem>>)
      %scan3A_193 = arith.constant 0 : i32
      %scan3A_194 = arith.constant 25 : i32
      %scan3A_195 = arith.addi %scan3A_193, %scan3A_194 : i32
      %scan3A_196 = arith.constant 1 : i32
      %scan3A_197:8 = scf.for %scan3A_436 = %scan3A_193 to %scan3A_195 step %scan3A_196 iter_args(%scan3A_437 = %broadcast_in_dim3A_5, %scan3A_438 = %broadcast_in_dim3A_5, %scan3A_439 = %broadcast_in_dim3A_5, %scan3A_440 = %broadcast_in_dim3A_5, %scan3A_441 = %broadcast_in_dim3A_5, %scan3A_442 = %broadcast_in_dim3A_5, %scan3A_443 = %broadcast_in_dim3A_5, %scan3A_444 = %broadcast_in_dim3A_5) -> (vector<16xf32>, vector<16xf32>, vector<16xf32>, vector<16xf32>, vector<16xf32>, vector<16xf32>, vector<16xf32>, vector<16xf32>)  : i32 {
        %mul3A_445 = arith.constant 8 : i32
        %mul3A_446 = arith.muli %scan3A_436, %mul3A_445 : i32
        %add3A_447 = arith.constant 0 : i32
        %add3A_448 = arith.addi %mul3A_446, %add3A_447 : i32
        %get3A = arith.index_cast %add3A_448 : i32 to index
        %get3A_449 = arith.constant 0 : index
        %get3A_450 = tpu.vector_load %arg7[%get3A, %get3A_449] {strides = array<i32>} : memref<200x128xf32, #tpu.memory_space<vmem>>, vector<1x16xf32>,
        %get3A_451 = vector.shape_cast %get3A_450 : vector<1x16xf32> to vector<16xf32>
        %add3A_452 = arith.addf %scan3A_437, %get3A_451 : vector<16xf32>
        %get3A_453 = arith.index_cast %add3A_448 : i32 to index
        %get3A_454 = arith.constant 16 : index
        %get3A_455 = tpu.vector_load %arg7[%get3A_453, %get3A_454] {strides = array<i32>} : memref<200x128xf32, #tpu.memory_space<vmem>>, vector<1x16xf32>,
        %get3A_456 = vector.shape_cast %get3A_455 : vector<1x16xf32> to vector<16xf32>
        %add3A_457 = arith.addf %scan3A_438, %get3A_456 : vector<16xf32>
        %get3A_458 = arith.index_cast %add3A_448 : i32 to index
        %get3A_459 = arith.constant 32 : index
        %get3A_460 = tpu.vector_load %arg7[%get3A_458, %get3A_459] {strides = array<i32>} : memref<200x128xf32, #tpu.memory_space<vmem>>, vector<1x16xf32>,
        %get3A_461 = vector.shape_cast %get3A_460 : vector<1x16xf32> to vector<16xf32>
        %add3A_462 = arith.addf %scan3A_439, %get3A_461 : vector<16xf32>
        %get3A_463 = arith.index_cast %add3A_448 : i32 to index
        %get3A_464 = arith.constant 48 : index
        %get3A_465 = tpu.vector_load %arg7[%get3A_463, %get3A_464] {strides = array<i32>} : memref<200x128xf32, #tpu.memory_space<vmem>>, vector<1x16xf32>,
        %get3A_466 = vector.shape_cast %get3A_465 : vector<1x16xf32> to vector<16xf32>
        %add3A_467 = arith.addf %scan3A_440, %get3A_466 : vector<16xf32>
        %mul3A_468 = arith.constant 8 : i32
        %mul3A_469 = arith.muli %scan3A_436, %mul3A_468 : i32
        %add3A_470 = arith.constant 1 : i32
        %add3A_471 = arith.addi %mul3A_469, %add3A_470 : i32
        %get3A_472 = arith.index_cast %add3A_471 : i32 to index
        %get3A_473 = arith.constant 0 : index
        %get3A_474 = tpu.vector_load %arg7[%get3A_472, %get3A_473] {strides = array<i32>} : memref<200x128xf32, #tpu.memory_space<vmem>>, vector<1x16xf32>,
        %get3A_475 = vector.shape_cast %get3A_474 : vector<1x16xf32> to vector<16xf32>
        %add3A_476 = arith.addf %scan3A_441, %get3A_475 : vector<16xf32>
        %get3A_477 = arith.index_cast %add3A_471 : i32 to index
        %get3A_478 = arith.constant 16 : index
        %get3A_479 = tpu.vector_load %arg7[%get3A_477, %get3A_478] {strides = array<i32>} : memref<200x128xf32, #tpu.memory_space<vmem>>, vector<1x16xf32>,
        %get3A_480 = vector.shape_cast %get3A_479 : vector<1x16xf32> to vector<16xf32>
        %add3A_481 = arith.addf %scan3A_442, %get3A_480 : vector<16xf32>
        %get3A_482 = arith.index_cast %add3A_471 : i32 to index
        %get3A_483 = arith.constant 32 : index
        %get3A_484 = tpu.vector_load %arg7[%get3A_482, %get3A_483] {strides = array<i32>} : memref<200x128xf32, #tpu.memory_space<vmem>>, vector<1x16xf32>,
        %get3A_485 = vector.shape_cast %get3A_484 : vector<1x16xf32> to vector<16xf32>
        %add3A_486 = arith.addf %scan3A_443, %get3A_485 : vector<16xf32>
        %get3A_487 = arith.index_cast %add3A_471 : i32 to index
        %get3A_488 = arith.constant 48 : index
        %get3A_489 = tpu.vector_load %arg7[%get3A_487, %get3A_488] {strides = array<i32>} : memref<200x128xf32, #tpu.memory_space<vmem>>, vector<1x16xf32>,
        %get3A_490 = vector.shape_cast %get3A_489 : vector<1x16xf32> to vector<16xf32>
        %add3A_491 = arith.addf %scan3A_444, %get3A_490 : vector<16xf32>
        %mul3A_492 = arith.constant 8 : i32
        %mul3A_493 = arith.muli %scan3A_436, %mul3A_492 : i32
        %add3A_494 = arith.constant 2 : i32
        %add3A_495 = arith.addi %mul3A_493, %add3A_494 : i32
        %get3A_496 = arith.index_cast %add3A_495 : i32 to index
        %get3A_497 = arith.constant 0 : index
        %get3A_498 = tpu.vector_load %arg7[%get3A_496, %get3A_497] {strides = array<i32>} : memref<200x128xf32, #tpu.memory_space<vmem>>, vector<1x16xf32>,
        %get3A_499 = vector.shape_cast %get3A_498 : vector<1x16xf32> to vector<16xf32>
        %add3A_500 = arith.addf %add3A_452, %get3A_499 : vector<16xf32>
        %get3A_501 = arith.index_cast %add3A_495 : i32 to index
        %get3A_502 = arith.constant 16 : index
        %get3A_503 = tpu.vector_load %arg7[%get3A_501, %get3A_502] {strides = array<i32>} : memref<200x128xf32, #tpu.memory_space<vmem>>, vector<1x16xf32>,
        %get3A_504 = vector.shape_cast %get3A_503 : vector<1x16xf32> to vector<16xf32>
        %add3A_505 = arith.addf %add3A_457, %get3A_504 : vector<16xf32>
        %get3A_506 = arith.index_cast %add3A_495 : i32 to index
        %get3A_507 = arith.constant 32 : index
        %get3A_508 = tpu.vector_load %arg7[%get3A_506, %get3A_507] {strides = array<i32>} : memref<200x128xf32, #tpu.memory_space<vmem>>, vector<1x16xf32>,
        %get3A_509 = vector.shape_cast %get3A_508 : vector<1x16xf32> to vector<16xf32>
        %add3A_510 = arith.addf %add3A_462, %get3A_509 : vector<16xf32>
        %get3A_511 = arith.index_cast %add3A_495 : i32 to index
        %get3A_512 = arith.constant 48 : index
        %get3A_513 = tpu.vector_load %arg7[%get3A_511, %get3A_512] {strides = array<i32>} : memref<200x128xf32, #tpu.memory_space<vmem>>, vector<1x16xf32>,
        %get3A_514 = vector.shape_cast %get3A_513 : vector<1x16xf32> to vector<16xf32>
        %add3A_515 = arith.addf %add3A_467, %get3A_514 : vector<16xf32>
        %mul3A_516 = arith.constant 8 : i32
        %mul3A_517 = arith.muli %scan3A_436, %mul3A_516 : i32
        %add3A_518 = arith.constant 3 : i32
        %add3A_519 = arith.addi %mul3A_517, %add3A_518 : i32
        %get3A_520 = arith.index_cast %add3A_519 : i32 to index
        %get3A_521 = arith.constant 0 : index
        %get3A_522 = tpu.vector_load %arg7[%get3A_520, %get3A_521] {strides = array<i32>} : memref<200x128xf32, #tpu.memory_space<vmem>>, vector<1x16xf32>,
        %get3A_523 = vector.shape_cast %get3A_522 : vector<1x16xf32> to vector<16xf32>
        %add3A_524 = arith.addf %add3A_476, %get3A_523 : vector<16xf32>
        %get3A_525 = arith.index_cast %add3A_519 : i32 to index
        %get3A_526 = arith.constant 16 : index
        %get3A_527 = tpu.vector_load %arg7[%get3A_525, %get3A_526] {strides = array<i32>} : memref<200x128xf32, #tpu.memory_space<vmem>>, vector<1x16xf32>,
        %get3A_528 = vector.shape_cast %get3A_527 : vector<1x16xf32> to vector<16xf32>
        %add3A_529 = arith.addf %add3A_481, %get3A_528 : vector<16xf32>
        %get3A_530 = arith.index_cast %add3A_519 : i32 to index
        %get3A_531 = arith.constant 32 : index
        %get3A_532 = tpu.vector_load %arg7[%get3A_530, %get3A_531] {strides = array<i32>} : memref<200x128xf32, #tpu.memory_space<vmem>>, vector<1x16xf32>,
        %get3A_533 = vector.shape_cast %get3A_532 : vector<1x16xf32> to vector<16xf32>
        %add3A_534 = arith.addf %add3A_486, %get3A_533 : vector<16xf32>
        %get3A_535 = arith.index_cast %add3A_519 : i32 to index
        %get3A_536 = arith.constant 48 : index
        %get3A_537 = tpu.vector_load %arg7[%get3A_535, %get3A_536] {strides = array<i32>} : memref<200x128xf32, #tpu.memory_space<vmem>>, vector<1x16xf32>,
        %get3A_538 = vector.shape_cast %get3A_537 : vector<1x16xf32> to vector<16xf32>
        %add3A_539 = arith.addf %add3A_491, %get3A_538 : vector<16xf32>
        %mul3A_540 = arith.constant 8 : i32
        %mul3A_541 = arith.muli %scan3A_436, %mul3A_540 : i32
        %add3A_542 = arith.constant 4 : i32
        %add3A_543 = arith.addi %mul3A_541, %add3A_542 : i32
        %get3A_544 = arith.index_cast %add3A_543 : i32 to index
        %get3A_545 = arith.constant 0 : index
        %get3A_546 = tpu.vector_load %arg7[%get3A_544, %get3A_545] {strides = array<i32>} : memref<200x128xf32, #tpu.memory_space<vmem>>, vector<1x16xf32>,
        %get3A_547 = vector.shape_cast %get3A_546 : vector<1x16xf32> to vector<16xf32>
        %add3A_548 = arith.addf %add3A_500, %get3A_547 : vector<16xf32>
        %get3A_549 = arith.index_cast %add3A_543 : i32 to index
        %get3A_550 = arith.constant 16 : index
        %get3A_551 = tpu.vector_load %arg7[%get3A_549, %get3A_550] {strides = array<i32>} : memref<200x128xf32, #tpu.memory_space<vmem>>, vector<1x16xf32>,
        %get3A_552 = vector.shape_cast %get3A_551 : vector<1x16xf32> to vector<16xf32>
        %add3A_553 = arith.addf %add3A_505, %get3A_552 : vector<16xf32>
        %get3A_554 = arith.index_cast %add3A_543 : i32 to index
        %get3A_555 = arith.constant 32 : index
        %get3A_556 = tpu.vector_load %arg7[%get3A_554, %get3A_555] {strides = array<i32>} : memref<200x128xf32, #tpu.memory_space<vmem>>, vector<1x16xf32>,
        %get3A_557 = vector.shape_cast %get3A_556 : vector<1x16xf32> to vector<16xf32>
        %add3A_558 = arith.addf %add3A_510, %get3A_557 : vector<16xf32>
        %get3A_559 = arith.index_cast %add3A_543 : i32 to index
        %get3A_560 = arith.constant 48 : index
        %get3A_561 = tpu.vector_load %arg7[%get3A_559, %get3A_560] {strides = array<i32>} : memref<200x128xf32, #tpu.memory_space<vmem>>, vector<1x16xf32>,
        %get3A_562 = vector.shape_cast %get3A_561 : vector<1x16xf32> to vector<16xf32>
        %add3A_563 = arith.addf %add3A_515, %get3A_562 : vector<16xf32>
        %mul3A_564 = arith.constant 8 : i32
        %mul3A_565 = arith.muli %scan3A_436, %mul3A_564 : i32
        %add3A_566 = arith.constant 5 : i32
        %add3A_567 = arith.addi %mul3A_565, %add3A_566 : i32
        %get3A_568 = arith.index_cast %add3A_567 : i32 to index
        %get3A_569 = arith.constant 0 : index
        %get3A_570 = tpu.vector_load %arg7[%get3A_568, %get3A_569] {strides = array<i32>} : memref<200x128xf32, #tpu.memory_space<vmem>>, vector<1x16xf32>,
        %get3A_571 = vector.shape_cast %get3A_570 : vector<1x16xf32> to vector<16xf32>
        %add3A_572 = arith.addf %add3A_524, %get3A_571 : vector<16xf32>
        %get3A_573 = arith.index_cast %add3A_567 : i32 to index
        %get3A_574 = arith.constant 16 : index
        %get3A_575 = tpu.vector_load %arg7[%get3A_573, %get3A_574] {strides = array<i32>} : memref<200x128xf32, #tpu.memory_space<vmem>>, vector<1x16xf32>,
        %get3A_576 = vector.shape_cast %get3A_575 : vector<1x16xf32> to vector<16xf32>
        %add3A_577 = arith.addf %add3A_529, %get3A_576 : vector<16xf32>
        %get3A_578 = arith.index_cast %add3A_567 : i32 to index
        %get3A_579 = arith.constant 32 : index
        %get3A_580 = tpu.vector_load %arg7[%get3A_578, %get3A_579] {strides = array<i32>} : memref<200x128xf32, #tpu.memory_space<vmem>>, vector<1x16xf32>,
        %get3A_581 = vector.shape_cast %get3A_580 : vector<1x16xf32> to vector<16xf32>
        %add3A_582 = arith.addf %add3A_534, %get3A_581 : vector<16xf32>
        %get3A_583 = arith.index_cast %add3A_567 : i32 to index
        %get3A_584 = arith.constant 48 : index
        %get3A_585 = tpu.vector_load %arg7[%get3A_583, %get3A_584] {strides = array<i32>} : memref<200x128xf32, #tpu.memory_space<vmem>>, vector<1x16xf32>,
        %get3A_586 = vector.shape_cast %get3A_585 : vector<1x16xf32> to vector<16xf32>
        %add3A_587 = arith.addf %add3A_539, %get3A_586 : vector<16xf32>
        %mul3A_588 = arith.constant 8 : i32
        %mul3A_589 = arith.muli %scan3A_436, %mul3A_588 : i32
        %add3A_590 = arith.constant 6 : i32
        %add3A_591 = arith.addi %mul3A_589, %add3A_590 : i32
        %get3A_592 = arith.index_cast %add3A_591 : i32 to index
        %get3A_593 = arith.constant 0 : index
        %get3A_594 = tpu.vector_load %arg7[%get3A_592, %get3A_593] {strides = array<i32>} : memref<200x128xf32, #tpu.memory_space<vmem>>, vector<1x16xf32>,
        %get3A_595 = vector.shape_cast %get3A_594 : vector<1x16xf32> to vector<16xf32>
        %add3A_596 = arith.addf %add3A_548, %get3A_595 : vector<16xf32>
        %get3A_597 = arith.index_cast %add3A_591 : i32 to index
        %get3A_598 = arith.constant 16 : index
        %get3A_599 = tpu.vector_load %arg7[%get3A_597, %get3A_598] {strides = array<i32>} : memref<200x128xf32, #tpu.memory_space<vmem>>, vector<1x16xf32>,
        %get3A_600 = vector.shape_cast %get3A_599 : vector<1x16xf32> to vector<16xf32>
        %add3A_601 = arith.addf %add3A_553, %get3A_600 : vector<16xf32>
        %get3A_602 = arith.index_cast %add3A_591 : i32 to index
        %get3A_603 = arith.constant 32 : index
        %get3A_604 = tpu.vector_load %arg7[%get3A_602, %get3A_603] {strides = array<i32>} : memref<200x128xf32, #tpu.memory_space<vmem>>, vector<1x16xf32>,
        %get3A_605 = vector.shape_cast %get3A_604 : vector<1x16xf32> to vector<16xf32>
        %add3A_606 = arith.addf %add3A_558, %get3A_605 : vector<16xf32>
        %get3A_607 = arith.index_cast %add3A_591 : i32 to index
        %get3A_608 = arith.constant 48 : index
        %get3A_609 = tpu.vector_load %arg7[%get3A_607, %get3A_608] {strides = array<i32>} : memref<200x128xf32, #tpu.memory_space<vmem>>, vector<1x16xf32>,
        %get3A_610 = vector.shape_cast %get3A_609 : vector<1x16xf32> to vector<16xf32>
        %add3A_611 = arith.addf %add3A_563, %get3A_610 : vector<16xf32>
        %mul3A_612 = arith.constant 8 : i32
        %mul3A_613 = arith.muli %scan3A_436, %mul3A_612 : i32
        %add3A_614 = arith.constant 7 : i32
        %add3A_615 = arith.addi %mul3A_613, %add3A_614 : i32
        %get3A_616 = arith.index_cast %add3A_615 : i32 to index
        %get3A_617 = arith.constant 0 : index
        %get3A_618 = tpu.vector_load %arg7[%get3A_616, %get3A_617] {strides = array<i32>} : memref<200x128xf32, #tpu.memory_space<vmem>>, vector<1x16xf32>,
        %get3A_619 = vector.shape_cast %get3A_618 : vector<1x16xf32> to vector<16xf32>
        %add3A_620 = arith.addf %add3A_572, %get3A_619 : vector<16xf32>
        %get3A_621 = arith.index_cast %add3A_615 : i32 to index
        %get3A_622 = arith.constant 16 : index
        %get3A_623 = tpu.vector_load %arg7[%get3A_621, %get3A_622] {strides = array<i32>} : memref<200x128xf32, #tpu.memory_space<vmem>>, vector<1x16xf32>,
        %get3A_624 = vector.shape_cast %get3A_623 : vector<1x16xf32> to vector<16xf32>
        %add3A_625 = arith.addf %add3A_577, %get3A_624 : vector<16xf32>
        %get3A_626 = arith.index_cast %add3A_615 : i32 to index
        %get3A_627 = arith.constant 32 : index
        %get3A_628 = tpu.vector_load %arg7[%get3A_626, %get3A_627] {strides = array<i32>} : memref<200x128xf32, #tpu.memory_space<vmem>>, vector<1x16xf32>,
        %get3A_629 = vector.shape_cast %get3A_628 : vector<1x16xf32> to vector<16xf32>
        %add3A_630 = arith.addf %add3A_582, %get3A_629 : vector<16xf32>
        %get3A_631 = arith.index_cast %add3A_615 : i32 to index
        %get3A_632 = arith.constant 48 : index
        %get3A_633 = tpu.vector_load %arg7[%get3A_631, %get3A_632] {strides = array<i32>} : memref<200x128xf32, #tpu.memory_space<vmem>>, vector<1x16xf32>,
        %get3A_634 = vector.shape_cast %get3A_633 : vector<1x16xf32> to vector<16xf32>
        %add3A_635 = arith.addf %add3A_587, %get3A_634 : vector<16xf32>
        scf.yield %add3A_596, %add3A_601, %add3A_606, %add3A_611, %add3A_620, %add3A_625, %add3A_630, %add3A_635 : vector<16xf32>, vector<16xf32>, vector<16xf32>, vector<16xf32>, vector<16xf32>, vector<16xf32>, vector<16xf32>, vector<16xf32>
      }
      %scan3A_198 = arith.constant 25 : i32
      %add3A_199 = arith.addf %scan3A_197#0, %scan3A_197#4 : vector<16xf32>
      %mul3A_200 = vector.broadcast %scan3A_21 : f32 to vector<16xf32>
      %mul3A_201 = arith.mulf %add3A_199, %mul3A_200 : vector<16xf32>
      %swap3A_202 = arith.constant 192 : index
      %swap3A_203 = tpu.vector_load %arg8[%swap3A_202] {strides = array<i32>} : memref<512xf32, #tpu.memory_space<vmem>>, vector<16xf32>,
      %swap3A_204 = vector.shape_cast %swap3A_203 : vector<16xf32> to vector<16xf32>
      %swap3A_205 = vector.shape_cast %mul3A_201 : vector<16xf32> to vector<16xf32>
      tpu.vector_store %arg8[%swap3A_202], %swap3A_205 {strides = array<i32>} : memref<512xf32, #tpu.memory_space<vmem>>, vector<16xf32>,
      %add3A_206 = arith.addf %scan3A_197#1, %scan3A_197#5 : vector<16xf32>
      %mul3A_207 = vector.broadcast %scan3A_21 : f32 to vector<16xf32>
      %mul3A_208 = arith.mulf %add3A_206, %mul3A_207 : vector<16xf32>
      %swap3A_209 = arith.constant 208 : index
      %swap3A_210 = tpu.vector_load %arg8[%swap3A_209] {strides = array<i32>} : memref<512xf32, #tpu.memory_space<vmem>>, vector<16xf32>,
      %swap3A_211 = vector.shape_cast %swap3A_210 : vector<16xf32> to vector<16xf32>
      %swap3A_212 = vector.shape_cast %mul3A_208 : vector<16xf32> to vector<16xf32>
      tpu.vector_store %arg8[%swap3A_209], %swap3A_212 {strides = array<i32>} : memref<512xf32, #tpu.memory_space<vmem>>, vector<16xf32>,
      %add3A_213 = arith.addf %scan3A_197#2, %scan3A_197#6 : vector<16xf32>
      %mul3A_214 = vector.broadcast %scan3A_21 : f32 to vector<16xf32>
      %mul3A_215 = arith.mulf %add3A_213, %mul3A_214 : vector<16xf32>
      %swap3A_216 = arith.constant 224 : index
      %swap3A_217 = tpu.vector_load %arg8[%swap3A_216] {strides = array<i32>} : memref<512xf32, #tpu.memory_space<vmem>>, vector<16xf32>,
      %swap3A_218 = vector.shape_cast %swap3A_217 : vector<16xf32> to vector<16xf32>
      %swap3A_219 = vector.shape_cast %mul3A_215 : vector<16xf32> to vector<16xf32>
      tpu.vector_store %arg8[%swap3A_216], %swap3A_219 {strides = array<i32>} : memref<512xf32, #tpu.memory_space<vmem>>, vector<16xf32>,
      %add3A_220 = arith.addf %scan3A_197#3, %scan3A_197#7 : vector<16xf32>
      %mul3A_221 = vector.broadcast %scan3A_21 : f32 to vector<16xf32>
      %mul3A_222 = arith.mulf %add3A_220, %mul3A_221 : vector<16xf32>
      %swap3A_223 = arith.constant 240 : index
      %swap3A_224 = tpu.vector_load %arg8[%swap3A_223] {strides = array<i32>} : memref<512xf32, #tpu.memory_space<vmem>>, vector<16xf32>,
      %swap3A_225 = vector.shape_cast %swap3A_224 : vector<16xf32> to vector<16xf32>
      %swap3A_226 = vector.shape_cast %mul3A_222 : vector<16xf32> to vector<16xf32>
      tpu.vector_store %arg8[%swap3A_223], %swap3A_226 {strides = array<i32>} : memref<512xf32, #tpu.memory_space<vmem>>, vector<16xf32>,
      %mul3A_227 = arith.constant 8 : i32
      %mul3A_228 = arith.muli %scan3A_27, %mul3A_227 : i32
      %add3A_229 = arith.constant 4 : i32
      %add3A_230 = arith.addi %mul3A_228, %add3A_229 : i32
      %add3A_231 = arith.constant 1 : i32
      %add3A_232 = arith.addi %add3A_230, %add3A_231 : i32
      %lt3A_233 = arith.constant 128 : i32
      %lt3A_234 = arith.cmpi slt, %add3A_232, %lt3A_233 : i32
      %convert_element_type3A_235 = arith.extui %lt3A_234 : i1 to i32
      %cond3A_236 = arith.constant 0 : i32
      %cond3A_237 = arith.cmpi ne, %convert_element_type3A_235, %cond3A_236 : i32
      scf.if %cond3A_237 {
        %mul3A_436 = arith.constant 200 : i32
        %mul3A_437 = arith.muli %add3A_232, %mul3A_436 : i32
        %dma_start3A_438 = arith.constant 0 : i32
        %dma_start3A_439 = arith.constant 0 : i32
        %dma_start3A_440 = tpu.memref_slice %arg7[%dma_start3A_438, %dma_start3A_439] : memref<200x128xf32, #tpu.memory_space<vmem>> -> memref<128x128xf32, #tpu.memory_space<vmem>>
        %dma_start3A_441 = tpu.memref_slice %arg5[%mul3A_437] : memref<25600xi32, #tpu.memory_space<vmem>> -> memref<128xi32, #tpu.memory_space<vmem>>
        %dma_start3A_442 = arith.constant 0 : i32
        %dma_start3A_443 = arith.constant 0 : i32
        %dma_start3A_444 = tpu.memref_slice %arg3[%dma_start3A_442, %dma_start3A_443] : memref<1000000x128xf32, #tpu.memory_space<hbm>> -> memref<1000000x128xf32, #tpu.memory_space<hbm>>
        tpu.enqueue_indirect_dma source(%dma_start3A_444 : memref<1000000x128xf32, #tpu.memory_space<hbm>>) target(%dma_start3A_440 : memref<128x128xf32, #tpu.memory_space<vmem>>) offsets(%dma_start3A_441 : memref<128xi32, #tpu.memory_space<vmem>>) semaphore(%arg10 : memref<!tpu.dma_semaphore, #tpu.memory_space<semaphore_mem>>)
        %mul3A_445 = arith.constant 200 : i32
        %mul3A_446 = arith.muli %add3A_232, %mul3A_445 : i32
        %add3A_447 = arith.constant 128 : i32
        %add3A_448 = arith.addi %mul3A_446, %add3A_447 : i32
        %dma_start3A_449 = arith.constant 128 : i32
        %dma_start3A_450 = arith.constant 0 : i32
        %dma_start3A_451 = tpu.memref_slice %arg7[%dma_start3A_449, %dma_start3A_450] : memref<200x128xf32, #tpu.memory_space<vmem>> -> memref<72x128xf32, #tpu.memory_space<vmem>>
        %dma_start3A_452 = tpu.memref_slice %arg5[%add3A_448] : memref<25600xi32, #tpu.memory_space<vmem>> -> memref<72xi32, #tpu.memory_space<vmem>>
        %dma_start3A_453 = arith.constant 0 : i32
        %dma_start3A_454 = arith.constant 0 : i32
        %dma_start3A_455 = tpu.memref_slice %arg3[%dma_start3A_453, %dma_start3A_454] : memref<1000000x128xf32, #tpu.memory_space<hbm>> -> memref<1000000x128xf32, #tpu.memory_space<hbm>>
        tpu.enqueue_indirect_dma source(%dma_start3A_455 : memref<1000000x128xf32, #tpu.memory_space<hbm>>) target(%dma_start3A_451 : memref<72x128xf32, #tpu.memory_space<vmem>>) offsets(%dma_start3A_452 : memref<72xi32, #tpu.memory_space<vmem>>) semaphore(%arg10 : memref<!tpu.dma_semaphore, #tpu.memory_space<semaphore_mem>>)
      } else {
      }
      %dma_wait3A_238 = arith.constant 0 : i32
      %dma_wait3A_239 = arith.constant 0 : i32
      %dma_wait3A_240 = tpu.memref_slice %arg3[%dma_wait3A_238, %dma_wait3A_239] : memref<1000000x128xf32, #tpu.memory_space<hbm>> -> memref<200x128xf32, #tpu.memory_space<hbm>>
      %dma_wait3A_241 = arith.constant 0 : i32
      %dma_wait3A_242 = arith.constant 0 : i32
      %dma_wait3A_243 = tpu.memref_slice %arg3[%dma_wait3A_241, %dma_wait3A_242] : memref<1000000x128xf32, #tpu.memory_space<hbm>> -> memref<200x128xf32, #tpu.memory_space<hbm>>
      tpu.wait_dma2 semaphore(%arg9 : memref<!tpu.dma_semaphore, #tpu.memory_space<semaphore_mem>>) src(%dma_wait3A_243 : memref<200x128xf32, #tpu.memory_space<hbm>>) dst(%arg6 : memref<200x128xf32, #tpu.memory_space<vmem>>)
      %scan3A_244 = arith.constant 0 : i32
      %scan3A_245 = arith.constant 25 : i32
      %scan3A_246 = arith.addi %scan3A_244, %scan3A_245 : i32
      %scan3A_247 = arith.constant 1 : i32
      %scan3A_248:8 = scf.for %scan3A_436 = %scan3A_244 to %scan3A_246 step %scan3A_247 iter_args(%scan3A_437 = %broadcast_in_dim3A_5, %scan3A_438 = %broadcast_in_dim3A_5, %scan3A_439 = %broadcast_in_dim3A_5, %scan3A_440 = %broadcast_in_dim3A_5, %scan3A_441 = %broadcast_in_dim3A_5, %scan3A_442 = %broadcast_in_dim3A_5, %scan3A_443 = %broadcast_in_dim3A_5, %scan3A_444 = %broadcast_in_dim3A_5) -> (vector<16xf32>, vector<16xf32>, vector<16xf32>, vector<16xf32>, vector<16xf32>, vector<16xf32>, vector<16xf32>, vector<16xf32>)  : i32 {
        %mul3A_445 = arith.constant 8 : i32
        %mul3A_446 = arith.muli %scan3A_436, %mul3A_445 : i32
        %add3A_447 = arith.constant 0 : i32
        %add3A_448 = arith.addi %mul3A_446, %add3A_447 : i32
        %get3A = arith.index_cast %add3A_448 : i32 to index
        %get3A_449 = arith.constant 0 : index
        %get3A_450 = tpu.vector_load %arg6[%get3A, %get3A_449] {strides = array<i32>} : memref<200x128xf32, #tpu.memory_space<vmem>>, vector<1x16xf32>,
        %get3A_451 = vector.shape_cast %get3A_450 : vector<1x16xf32> to vector<16xf32>
        %add3A_452 = arith.addf %scan3A_437, %get3A_451 : vector<16xf32>
        %get3A_453 = arith.index_cast %add3A_448 : i32 to index
        %get3A_454 = arith.constant 16 : index
        %get3A_455 = tpu.vector_load %arg6[%get3A_453, %get3A_454] {strides = array<i32>} : memref<200x128xf32, #tpu.memory_space<vmem>>, vector<1x16xf32>,
        %get3A_456 = vector.shape_cast %get3A_455 : vector<1x16xf32> to vector<16xf32>
        %add3A_457 = arith.addf %scan3A_438, %get3A_456 : vector<16xf32>
        %get3A_458 = arith.index_cast %add3A_448 : i32 to index
        %get3A_459 = arith.constant 32 : index
        %get3A_460 = tpu.vector_load %arg6[%get3A_458, %get3A_459] {strides = array<i32>} : memref<200x128xf32, #tpu.memory_space<vmem>>, vector<1x16xf32>,
        %get3A_461 = vector.shape_cast %get3A_460 : vector<1x16xf32> to vector<16xf32>
        %add3A_462 = arith.addf %scan3A_439, %get3A_461 : vector<16xf32>
        %get3A_463 = arith.index_cast %add3A_448 : i32 to index
        %get3A_464 = arith.constant 48 : index
        %get3A_465 = tpu.vector_load %arg6[%get3A_463, %get3A_464] {strides = array<i32>} : memref<200x128xf32, #tpu.memory_space<vmem>>, vector<1x16xf32>,
        %get3A_466 = vector.shape_cast %get3A_465 : vector<1x16xf32> to vector<16xf32>
        %add3A_467 = arith.addf %scan3A_440, %get3A_466 : vector<16xf32>
        %mul3A_468 = arith.constant 8 : i32
        %mul3A_469 = arith.muli %scan3A_436, %mul3A_468 : i32
        %add3A_470 = arith.constant 1 : i32
        %add3A_471 = arith.addi %mul3A_469, %add3A_470 : i32
        %get3A_472 = arith.index_cast %add3A_471 : i32 to index
        %get3A_473 = arith.constant 0 : index
        %get3A_474 = tpu.vector_load %arg6[%get3A_472, %get3A_473] {strides = array<i32>} : memref<200x128xf32, #tpu.memory_space<vmem>>, vector<1x16xf32>,
        %get3A_475 = vector.shape_cast %get3A_474 : vector<1x16xf32> to vector<16xf32>
        %add3A_476 = arith.addf %scan3A_441, %get3A_475 : vector<16xf32>
        %get3A_477 = arith.index_cast %add3A_471 : i32 to index
        %get3A_478 = arith.constant 16 : index
        %get3A_479 = tpu.vector_load %arg6[%get3A_477, %get3A_478] {strides = array<i32>} : memref<200x128xf32, #tpu.memory_space<vmem>>, vector<1x16xf32>,
        %get3A_480 = vector.shape_cast %get3A_479 : vector<1x16xf32> to vector<16xf32>
        %add3A_481 = arith.addf %scan3A_442, %get3A_480 : vector<16xf32>
        %get3A_482 = arith.index_cast %add3A_471 : i32 to index
        %get3A_483 = arith.constant 32 : index
        %get3A_484 = tpu.vector_load %arg6[%get3A_482, %get3A_483] {strides = array<i32>} : memref<200x128xf32, #tpu.memory_space<vmem>>, vector<1x16xf32>,
        %get3A_485 = vector.shape_cast %get3A_484 : vector<1x16xf32> to vector<16xf32>
        %add3A_486 = arith.addf %scan3A_443, %get3A_485 : vector<16xf32>
        %get3A_487 = arith.index_cast %add3A_471 : i32 to index
        %get3A_488 = arith.constant 48 : index
        %get3A_489 = tpu.vector_load %arg6[%get3A_487, %get3A_488] {strides = array<i32>} : memref<200x128xf32, #tpu.memory_space<vmem>>, vector<1x16xf32>,
        %get3A_490 = vector.shape_cast %get3A_489 : vector<1x16xf32> to vector<16xf32>
        %add3A_491 = arith.addf %scan3A_444, %get3A_490 : vector<16xf32>
        %mul3A_492 = arith.constant 8 : i32
        %mul3A_493 = arith.muli %scan3A_436, %mul3A_492 : i32
        %add3A_494 = arith.constant 2 : i32
        %add3A_495 = arith.addi %mul3A_493, %add3A_494 : i32
        %get3A_496 = arith.index_cast %add3A_495 : i32 to index
        %get3A_497 = arith.constant 0 : index
        %get3A_498 = tpu.vector_load %arg6[%get3A_496, %get3A_497] {strides = array<i32>} : memref<200x128xf32, #tpu.memory_space<vmem>>, vector<1x16xf32>,
        %get3A_499 = vector.shape_cast %get3A_498 : vector<1x16xf32> to vector<16xf32>
        %add3A_500 = arith.addf %add3A_452, %get3A_499 : vector<16xf32>
        %get3A_501 = arith.index_cast %add3A_495 : i32 to index
        %get3A_502 = arith.constant 16 : index
        %get3A_503 = tpu.vector_load %arg6[%get3A_501, %get3A_502] {strides = array<i32>} : memref<200x128xf32, #tpu.memory_space<vmem>>, vector<1x16xf32>,
        %get3A_504 = vector.shape_cast %get3A_503 : vector<1x16xf32> to vector<16xf32>
        %add3A_505 = arith.addf %add3A_457, %get3A_504 : vector<16xf32>
        %get3A_506 = arith.index_cast %add3A_495 : i32 to index
        %get3A_507 = arith.constant 32 : index
        %get3A_508 = tpu.vector_load %arg6[%get3A_506, %get3A_507] {strides = array<i32>} : memref<200x128xf32, #tpu.memory_space<vmem>>, vector<1x16xf32>,
        %get3A_509 = vector.shape_cast %get3A_508 : vector<1x16xf32> to vector<16xf32>
        %add3A_510 = arith.addf %add3A_462, %get3A_509 : vector<16xf32>
        %get3A_511 = arith.index_cast %add3A_495 : i32 to index
        %get3A_512 = arith.constant 48 : index
        %get3A_513 = tpu.vector_load %arg6[%get3A_511, %get3A_512] {strides = array<i32>} : memref<200x128xf32, #tpu.memory_space<vmem>>, vector<1x16xf32>,
        %get3A_514 = vector.shape_cast %get3A_513 : vector<1x16xf32> to vector<16xf32>
        %add3A_515 = arith.addf %add3A_467, %get3A_514 : vector<16xf32>
        %mul3A_516 = arith.constant 8 : i32
        %mul3A_517 = arith.muli %scan3A_436, %mul3A_516 : i32
        %add3A_518 = arith.constant 3 : i32
        %add3A_519 = arith.addi %mul3A_517, %add3A_518 : i32
        %get3A_520 = arith.index_cast %add3A_519 : i32 to index
        %get3A_521 = arith.constant 0 : index
        %get3A_522 = tpu.vector_load %arg6[%get3A_520, %get3A_521] {strides = array<i32>} : memref<200x128xf32, #tpu.memory_space<vmem>>, vector<1x16xf32>,
        %get3A_523 = vector.shape_cast %get3A_522 : vector<1x16xf32> to vector<16xf32>
        %add3A_524 = arith.addf %add3A_476, %get3A_523 : vector<16xf32>
        %get3A_525 = arith.index_cast %add3A_519 : i32 to index
        %get3A_526 = arith.constant 16 : index
        %get3A_527 = tpu.vector_load %arg6[%get3A_525, %get3A_526] {strides = array<i32>} : memref<200x128xf32, #tpu.memory_space<vmem>>, vector<1x16xf32>,
        %get3A_528 = vector.shape_cast %get3A_527 : vector<1x16xf32> to vector<16xf32>
        %add3A_529 = arith.addf %add3A_481, %get3A_528 : vector<16xf32>
        %get3A_530 = arith.index_cast %add3A_519 : i32 to index
        %get3A_531 = arith.constant 32 : index
        %get3A_532 = tpu.vector_load %arg6[%get3A_530, %get3A_531] {strides = array<i32>} : memref<200x128xf32, #tpu.memory_space<vmem>>, vector<1x16xf32>,
        %get3A_533 = vector.shape_cast %get3A_532 : vector<1x16xf32> to vector<16xf32>
        %add3A_534 = arith.addf %add3A_486, %get3A_533 : vector<16xf32>
        %get3A_535 = arith.index_cast %add3A_519 : i32 to index
        %get3A_536 = arith.constant 48 : index
        %get3A_537 = tpu.vector_load %arg6[%get3A_535, %get3A_536] {strides = array<i32>} : memref<200x128xf32, #tpu.memory_space<vmem>>, vector<1x16xf32>,
        %get3A_538 = vector.shape_cast %get3A_537 : vector<1x16xf32> to vector<16xf32>
        %add3A_539 = arith.addf %add3A_491, %get3A_538 : vector<16xf32>
        %mul3A_540 = arith.constant 8 : i32
        %mul3A_541 = arith.muli %scan3A_436, %mul3A_540 : i32
        %add3A_542 = arith.constant 4 : i32
        %add3A_543 = arith.addi %mul3A_541, %add3A_542 : i32
        %get3A_544 = arith.index_cast %add3A_543 : i32 to index
        %get3A_545 = arith.constant 0 : index
        %get3A_546 = tpu.vector_load %arg6[%get3A_544, %get3A_545] {strides = array<i32>} : memref<200x128xf32, #tpu.memory_space<vmem>>, vector<1x16xf32>,
        %get3A_547 = vector.shape_cast %get3A_546 : vector<1x16xf32> to vector<16xf32>
        %add3A_548 = arith.addf %add3A_500, %get3A_547 : vector<16xf32>
        %get3A_549 = arith.index_cast %add3A_543 : i32 to index
        %get3A_550 = arith.constant 16 : index
        %get3A_551 = tpu.vector_load %arg6[%get3A_549, %get3A_550] {strides = array<i32>} : memref<200x128xf32, #tpu.memory_space<vmem>>, vector<1x16xf32>,
        %get3A_552 = vector.shape_cast %get3A_551 : vector<1x16xf32> to vector<16xf32>
        %add3A_553 = arith.addf %add3A_505, %get3A_552 : vector<16xf32>
        %get3A_554 = arith.index_cast %add3A_543 : i32 to index
        %get3A_555 = arith.constant 32 : index
        %get3A_556 = tpu.vector_load %arg6[%get3A_554, %get3A_555] {strides = array<i32>} : memref<200x128xf32, #tpu.memory_space<vmem>>, vector<1x16xf32>,
        %get3A_557 = vector.shape_cast %get3A_556 : vector<1x16xf32> to vector<16xf32>
        %add3A_558 = arith.addf %add3A_510, %get3A_557 : vector<16xf32>
        %get3A_559 = arith.index_cast %add3A_543 : i32 to index
        %get3A_560 = arith.constant 48 : index
        %get3A_561 = tpu.vector_load %arg6[%get3A_559, %get3A_560] {strides = array<i32>} : memref<200x128xf32, #tpu.memory_space<vmem>>, vector<1x16xf32>,
        %get3A_562 = vector.shape_cast %get3A_561 : vector<1x16xf32> to vector<16xf32>
        %add3A_563 = arith.addf %add3A_515, %get3A_562 : vector<16xf32>
        %mul3A_564 = arith.constant 8 : i32
        %mul3A_565 = arith.muli %scan3A_436, %mul3A_564 : i32
        %add3A_566 = arith.constant 5 : i32
        %add3A_567 = arith.addi %mul3A_565, %add3A_566 : i32
        %get3A_568 = arith.index_cast %add3A_567 : i32 to index
        %get3A_569 = arith.constant 0 : index
        %get3A_570 = tpu.vector_load %arg6[%get3A_568, %get3A_569] {strides = array<i32>} : memref<200x128xf32, #tpu.memory_space<vmem>>, vector<1x16xf32>,
        %get3A_571 = vector.shape_cast %get3A_570 : vector<1x16xf32> to vector<16xf32>
        %add3A_572 = arith.addf %add3A_524, %get3A_571 : vector<16xf32>
        %get3A_573 = arith.index_cast %add3A_567 : i32 to index
        %get3A_574 = arith.constant 16 : index
        %get3A_575 = tpu.vector_load %arg6[%get3A_573, %get3A_574] {strides = array<i32>} : memref<200x128xf32, #tpu.memory_space<vmem>>, vector<1x16xf32>,
        %get3A_576 = vector.shape_cast %get3A_575 : vector<1x16xf32> to vector<16xf32>
        %add3A_577 = arith.addf %add3A_529, %get3A_576 : vector<16xf32>
        %get3A_578 = arith.index_cast %add3A_567 : i32 to index
        %get3A_579 = arith.constant 32 : index
        %get3A_580 = tpu.vector_load %arg6[%get3A_578, %get3A_579] {strides = array<i32>} : memref<200x128xf32, #tpu.memory_space<vmem>>, vector<1x16xf32>,
        %get3A_581 = vector.shape_cast %get3A_580 : vector<1x16xf32> to vector<16xf32>
        %add3A_582 = arith.addf %add3A_534, %get3A_581 : vector<16xf32>
        %get3A_583 = arith.index_cast %add3A_567 : i32 to index
        %get3A_584 = arith.constant 48 : index
        %get3A_585 = tpu.vector_load %arg6[%get3A_583, %get3A_584] {strides = array<i32>} : memref<200x128xf32, #tpu.memory_space<vmem>>, vector<1x16xf32>,
        %get3A_586 = vector.shape_cast %get3A_585 : vector<1x16xf32> to vector<16xf32>
        %add3A_587 = arith.addf %add3A_539, %get3A_586 : vector<16xf32>
        %mul3A_588 = arith.constant 8 : i32
        %mul3A_589 = arith.muli %scan3A_436, %mul3A_588 : i32
        %add3A_590 = arith.constant 6 : i32
        %add3A_591 = arith.addi %mul3A_589, %add3A_590 : i32
        %get3A_592 = arith.index_cast %add3A_591 : i32 to index
        %get3A_593 = arith.constant 0 : index
        %get3A_594 = tpu.vector_load %arg6[%get3A_592, %get3A_593] {strides = array<i32>} : memref<200x128xf32, #tpu.memory_space<vmem>>, vector<1x16xf32>,
        %get3A_595 = vector.shape_cast %get3A_594 : vector<1x16xf32> to vector<16xf32>
        %add3A_596 = arith.addf %add3A_548, %get3A_595 : vector<16xf32>
        %get3A_597 = arith.index_cast %add3A_591 : i32 to index
        %get3A_598 = arith.constant 16 : index
        %get3A_599 = tpu.vector_load %arg6[%get3A_597, %get3A_598] {strides = array<i32>} : memref<200x128xf32, #tpu.memory_space<vmem>>, vector<1x16xf32>,
        %get3A_600 = vector.shape_cast %get3A_599 : vector<1x16xf32> to vector<16xf32>
        %add3A_601 = arith.addf %add3A_553, %get3A_600 : vector<16xf32>
        %get3A_602 = arith.index_cast %add3A_591 : i32 to index
        %get3A_603 = arith.constant 32 : index
        %get3A_604 = tpu.vector_load %arg6[%get3A_602, %get3A_603] {strides = array<i32>} : memref<200x128xf32, #tpu.memory_space<vmem>>, vector<1x16xf32>,
        %get3A_605 = vector.shape_cast %get3A_604 : vector<1x16xf32> to vector<16xf32>
        %add3A_606 = arith.addf %add3A_558, %get3A_605 : vector<16xf32>
        %get3A_607 = arith.index_cast %add3A_591 : i32 to index
        %get3A_608 = arith.constant 48 : index
        %get3A_609 = tpu.vector_load %arg6[%get3A_607, %get3A_608] {strides = array<i32>} : memref<200x128xf32, #tpu.memory_space<vmem>>, vector<1x16xf32>,
        %get3A_610 = vector.shape_cast %get3A_609 : vector<1x16xf32> to vector<16xf32>
        %add3A_611 = arith.addf %add3A_563, %get3A_610 : vector<16xf32>
        %mul3A_612 = arith.constant 8 : i32
        %mul3A_613 = arith.muli %scan3A_436, %mul3A_612 : i32
        %add3A_614 = arith.constant 7 : i32
        %add3A_615 = arith.addi %mul3A_613, %add3A_614 : i32
        %get3A_616 = arith.index_cast %add3A_615 : i32 to index
        %get3A_617 = arith.constant 0 : index
        %get3A_618 = tpu.vector_load %arg6[%get3A_616, %get3A_617] {strides = array<i32>} : memref<200x128xf32, #tpu.memory_space<vmem>>, vector<1x16xf32>,
        %get3A_619 = vector.shape_cast %get3A_618 : vector<1x16xf32> to vector<16xf32>
        %add3A_620 = arith.addf %add3A_572, %get3A_619 : vector<16xf32>
        %get3A_621 = arith.index_cast %add3A_615 : i32 to index
        %get3A_622 = arith.constant 16 : index
        %get3A_623 = tpu.vector_load %arg6[%get3A_621, %get3A_622] {strides = array<i32>} : memref<200x128xf32, #tpu.memory_space<vmem>>, vector<1x16xf32>,
        %get3A_624 = vector.shape_cast %get3A_623 : vector<1x16xf32> to vector<16xf32>
        %add3A_625 = arith.addf %add3A_577, %get3A_624 : vector<16xf32>
        %get3A_626 = arith.index_cast %add3A_615 : i32 to index
        %get3A_627 = arith.constant 32 : index
        %get3A_628 = tpu.vector_load %arg6[%get3A_626, %get3A_627] {strides = array<i32>} : memref<200x128xf32, #tpu.memory_space<vmem>>, vector<1x16xf32>,
        %get3A_629 = vector.shape_cast %get3A_628 : vector<1x16xf32> to vector<16xf32>
        %add3A_630 = arith.addf %add3A_582, %get3A_629 : vector<16xf32>
        %get3A_631 = arith.index_cast %add3A_615 : i32 to index
        %get3A_632 = arith.constant 48 : index
        %get3A_633 = tpu.vector_load %arg6[%get3A_631, %get3A_632] {strides = array<i32>} : memref<200x128xf32, #tpu.memory_space<vmem>>, vector<1x16xf32>,
        %get3A_634 = vector.shape_cast %get3A_633 : vector<1x16xf32> to vector<16xf32>
        %add3A_635 = arith.addf %add3A_587, %get3A_634 : vector<16xf32>
        scf.yield %add3A_596, %add3A_601, %add3A_606, %add3A_611, %add3A_620, %add3A_625, %add3A_630, %add3A_635 : vector<16xf32>, vector<16xf32>, vector<16xf32>, vector<16xf32>, vector<16xf32>, vector<16xf32>, vector<16xf32>, vector<16xf32>
      }
      %scan3A_249 = arith.constant 25 : i32
      %add3A_250 = arith.addf %scan3A_248#0, %scan3A_248#4 : vector<16xf32>
      %mul3A_251 = vector.broadcast %scan3A_21 : f32 to vector<16xf32>
      %mul3A_252 = arith.mulf %add3A_250, %mul3A_251 : vector<16xf32>
      %swap3A_253 = arith.constant 256 : index
      %swap3A_254 = tpu.vector_load %arg8[%swap3A_253] {strides = array<i32>} : memref<512xf32, #tpu.memory_space<vmem>>, vector<16xf32>,
      %swap3A_255 = vector.shape_cast %swap3A_254 : vector<16xf32> to vector<16xf32>
      %swap3A_256 = vector.shape_cast %mul3A_252 : vector<16xf32> to vector<16xf32>
      tpu.vector_store %arg8[%swap3A_253], %swap3A_256 {strides = array<i32>} : memref<512xf32, #tpu.memory_space<vmem>>, vector<16xf32>,
      %add3A_257 = arith.addf %scan3A_248#1, %scan3A_248#5 : vector<16xf32>
      %mul3A_258 = vector.broadcast %scan3A_21 : f32 to vector<16xf32>
      %mul3A_259 = arith.mulf %add3A_257, %mul3A_258 : vector<16xf32>
      %swap3A_260 = arith.constant 272 : index
      %swap3A_261 = tpu.vector_load %arg8[%swap3A_260] {strides = array<i32>} : memref<512xf32, #tpu.memory_space<vmem>>, vector<16xf32>,
      %swap3A_262 = vector.shape_cast %swap3A_261 : vector<16xf32> to vector<16xf32>
      %swap3A_263 = vector.shape_cast %mul3A_259 : vector<16xf32> to vector<16xf32>
      tpu.vector_store %arg8[%swap3A_260], %swap3A_263 {strides = array<i32>} : memref<512xf32, #tpu.memory_space<vmem>>, vector<16xf32>,
      %add3A_264 = arith.addf %scan3A_248#2, %scan3A_248#6 : vector<16xf32>
      %mul3A_265 = vector.broadcast %scan3A_21 : f32 to vector<16xf32>
      %mul3A_266 = arith.mulf %add3A_264, %mul3A_265 : vector<16xf32>
      %swap3A_267 = arith.constant 288 : index
      %swap3A_268 = tpu.vector_load %arg8[%swap3A_267] {strides = array<i32>} : memref<512xf32, #tpu.memory_space<vmem>>, vector<16xf32>,
      %swap3A_269 = vector.shape_cast %swap3A_268 : vector<16xf32> to vector<16xf32>
      %swap3A_270 = vector.shape_cast %mul3A_266 : vector<16xf32> to vector<16xf32>
      tpu.vector_store %arg8[%swap3A_267], %swap3A_270 {strides = array<i32>} : memref<512xf32, #tpu.memory_space<vmem>>, vector<16xf32>,
      %add3A_271 = arith.addf %scan3A_248#3, %scan3A_248#7 : vector<16xf32>
      %mul3A_272 = vector.broadcast %scan3A_21 : f32 to vector<16xf32>
      %mul3A_273 = arith.mulf %add3A_271, %mul3A_272 : vector<16xf32>
      %swap3A_274 = arith.constant 304 : index
      %swap3A_275 = tpu.vector_load %arg8[%swap3A_274] {strides = array<i32>} : memref<512xf32, #tpu.memory_space<vmem>>, vector<16xf32>,
      %swap3A_276 = vector.shape_cast %swap3A_275 : vector<16xf32> to vector<16xf32>
      %swap3A_277 = vector.shape_cast %mul3A_273 : vector<16xf32> to vector<16xf32>
      tpu.vector_store %arg8[%swap3A_274], %swap3A_277 {strides = array<i32>} : memref<512xf32, #tpu.memory_space<vmem>>, vector<16xf32>,
      %mul3A_278 = arith.constant 8 : i32
      %mul3A_279 = arith.muli %scan3A_27, %mul3A_278 : i32
      %add3A_280 = arith.constant 5 : i32
      %add3A_281 = arith.addi %mul3A_279, %add3A_280 : i32
      %add3A_282 = arith.constant 1 : i32
      %add3A_283 = arith.addi %add3A_281, %add3A_282 : i32
      %lt3A_284 = arith.constant 128 : i32
      %lt3A_285 = arith.cmpi slt, %add3A_283, %lt3A_284 : i32
      %convert_element_type3A_286 = arith.extui %lt3A_285 : i1 to i32
      %cond3A_287 = arith.constant 0 : i32
      %cond3A_288 = arith.cmpi ne, %convert_element_type3A_286, %cond3A_287 : i32
      scf.if %cond3A_288 {
        %mul3A_436 = arith.constant 200 : i32
        %mul3A_437 = arith.muli %add3A_283, %mul3A_436 : i32
        %dma_start3A_438 = arith.constant 0 : i32
        %dma_start3A_439 = arith.constant 0 : i32
        %dma_start3A_440 = tpu.memref_slice %arg6[%dma_start3A_438, %dma_start3A_439] : memref<200x128xf32, #tpu.memory_space<vmem>> -> memref<128x128xf32, #tpu.memory_space<vmem>>
        %dma_start3A_441 = tpu.memref_slice %arg5[%mul3A_437] : memref<25600xi32, #tpu.memory_space<vmem>> -> memref<128xi32, #tpu.memory_space<vmem>>
        %dma_start3A_442 = arith.constant 0 : i32
        %dma_start3A_443 = arith.constant 0 : i32
        %dma_start3A_444 = tpu.memref_slice %arg3[%dma_start3A_442, %dma_start3A_443] : memref<1000000x128xf32, #tpu.memory_space<hbm>> -> memref<1000000x128xf32, #tpu.memory_space<hbm>>
        tpu.enqueue_indirect_dma source(%dma_start3A_444 : memref<1000000x128xf32, #tpu.memory_space<hbm>>) target(%dma_start3A_440 : memref<128x128xf32, #tpu.memory_space<vmem>>) offsets(%dma_start3A_441 : memref<128xi32, #tpu.memory_space<vmem>>) semaphore(%arg9 : memref<!tpu.dma_semaphore, #tpu.memory_space<semaphore_mem>>)
        %mul3A_445 = arith.constant 200 : i32
        %mul3A_446 = arith.muli %add3A_283, %mul3A_445 : i32
        %add3A_447 = arith.constant 128 : i32
        %add3A_448 = arith.addi %mul3A_446, %add3A_447 : i32
        %dma_start3A_449 = arith.constant 128 : i32
        %dma_start3A_450 = arith.constant 0 : i32
        %dma_start3A_451 = tpu.memref_slice %arg6[%dma_start3A_449, %dma_start3A_450] : memref<200x128xf32, #tpu.memory_space<vmem>> -> memref<72x128xf32, #tpu.memory_space<vmem>>
        %dma_start3A_452 = tpu.memref_slice %arg5[%add3A_448] : memref<25600xi32, #tpu.memory_space<vmem>> -> memref<72xi32, #tpu.memory_space<vmem>>
        %dma_start3A_453 = arith.constant 0 : i32
        %dma_start3A_454 = arith.constant 0 : i32
        %dma_start3A_455 = tpu.memref_slice %arg3[%dma_start3A_453, %dma_start3A_454] : memref<1000000x128xf32, #tpu.memory_space<hbm>> -> memref<1000000x128xf32, #tpu.memory_space<hbm>>
        tpu.enqueue_indirect_dma source(%dma_start3A_455 : memref<1000000x128xf32, #tpu.memory_space<hbm>>) target(%dma_start3A_451 : memref<72x128xf32, #tpu.memory_space<vmem>>) offsets(%dma_start3A_452 : memref<72xi32, #tpu.memory_space<vmem>>) semaphore(%arg9 : memref<!tpu.dma_semaphore, #tpu.memory_space<semaphore_mem>>)
      } else {
      }
      %dma_wait3A_289 = arith.constant 0 : i32
      %dma_wait3A_290 = arith.constant 0 : i32
      %dma_wait3A_291 = tpu.memref_slice %arg3[%dma_wait3A_289, %dma_wait3A_290] : memref<1000000x128xf32, #tpu.memory_space<hbm>> -> memref<200x128xf32, #tpu.memory_space<hbm>>
      %dma_wait3A_292 = arith.constant 0 : i32
      %dma_wait3A_293 = arith.constant 0 : i32
      %dma_wait3A_294 = tpu.memref_slice %arg3[%dma_wait3A_292, %dma_wait3A_293] : memref<1000000x128xf32, #tpu.memory_space<hbm>> -> memref<200x128xf32, #tpu.memory_space<hbm>>
      tpu.wait_dma2 semaphore(%arg10 : memref<!tpu.dma_semaphore, #tpu.memory_space<semaphore_mem>>) src(%dma_wait3A_294 : memref<200x128xf32, #tpu.memory_space<hbm>>) dst(%arg7 : memref<200x128xf32, #tpu.memory_space<vmem>>)
      %scan3A_295 = arith.constant 0 : i32
      %scan3A_296 = arith.constant 25 : i32
      %scan3A_297 = arith.addi %scan3A_295, %scan3A_296 : i32
      %scan3A_298 = arith.constant 1 : i32
      %scan3A_299:8 = scf.for %scan3A_436 = %scan3A_295 to %scan3A_297 step %scan3A_298 iter_args(%scan3A_437 = %broadcast_in_dim3A_5, %scan3A_438 = %broadcast_in_dim3A_5, %scan3A_439 = %broadcast_in_dim3A_5, %scan3A_440 = %broadcast_in_dim3A_5, %scan3A_441 = %broadcast_in_dim3A_5, %scan3A_442 = %broadcast_in_dim3A_5, %scan3A_443 = %broadcast_in_dim3A_5, %scan3A_444 = %broadcast_in_dim3A_5) -> (vector<16xf32>, vector<16xf32>, vector<16xf32>, vector<16xf32>, vector<16xf32>, vector<16xf32>, vector<16xf32>, vector<16xf32>)  : i32 {
        %mul3A_445 = arith.constant 8 : i32
        %mul3A_446 = arith.muli %scan3A_436, %mul3A_445 : i32
        %add3A_447 = arith.constant 0 : i32
        %add3A_448 = arith.addi %mul3A_446, %add3A_447 : i32
        %get3A = arith.index_cast %add3A_448 : i32 to index
        %get3A_449 = arith.constant 0 : index
        %get3A_450 = tpu.vector_load %arg7[%get3A, %get3A_449] {strides = array<i32>} : memref<200x128xf32, #tpu.memory_space<vmem>>, vector<1x16xf32>,
        %get3A_451 = vector.shape_cast %get3A_450 : vector<1x16xf32> to vector<16xf32>
        %add3A_452 = arith.addf %scan3A_437, %get3A_451 : vector<16xf32>
        %get3A_453 = arith.index_cast %add3A_448 : i32 to index
        %get3A_454 = arith.constant 16 : index
        %get3A_455 = tpu.vector_load %arg7[%get3A_453, %get3A_454] {strides = array<i32>} : memref<200x128xf32, #tpu.memory_space<vmem>>, vector<1x16xf32>,
        %get3A_456 = vector.shape_cast %get3A_455 : vector<1x16xf32> to vector<16xf32>
        %add3A_457 = arith.addf %scan3A_438, %get3A_456 : vector<16xf32>
        %get3A_458 = arith.index_cast %add3A_448 : i32 to index
        %get3A_459 = arith.constant 32 : index
        %get3A_460 = tpu.vector_load %arg7[%get3A_458, %get3A_459] {strides = array<i32>} : memref<200x128xf32, #tpu.memory_space<vmem>>, vector<1x16xf32>,
        %get3A_461 = vector.shape_cast %get3A_460 : vector<1x16xf32> to vector<16xf32>
        %add3A_462 = arith.addf %scan3A_439, %get3A_461 : vector<16xf32>
        %get3A_463 = arith.index_cast %add3A_448 : i32 to index
        %get3A_464 = arith.constant 48 : index
        %get3A_465 = tpu.vector_load %arg7[%get3A_463, %get3A_464] {strides = array<i32>} : memref<200x128xf32, #tpu.memory_space<vmem>>, vector<1x16xf32>,
        %get3A_466 = vector.shape_cast %get3A_465 : vector<1x16xf32> to vector<16xf32>
        %add3A_467 = arith.addf %scan3A_440, %get3A_466 : vector<16xf32>
        %mul3A_468 = arith.constant 8 : i32
        %mul3A_469 = arith.muli %scan3A_436, %mul3A_468 : i32
        %add3A_470 = arith.constant 1 : i32
        %add3A_471 = arith.addi %mul3A_469, %add3A_470 : i32
        %get3A_472 = arith.index_cast %add3A_471 : i32 to index
        %get3A_473 = arith.constant 0 : index
        %get3A_474 = tpu.vector_load %arg7[%get3A_472, %get3A_473] {strides = array<i32>} : memref<200x128xf32, #tpu.memory_space<vmem>>, vector<1x16xf32>,
        %get3A_475 = vector.shape_cast %get3A_474 : vector<1x16xf32> to vector<16xf32>
        %add3A_476 = arith.addf %scan3A_441, %get3A_475 : vector<16xf32>
        %get3A_477 = arith.index_cast %add3A_471 : i32 to index
        %get3A_478 = arith.constant 16 : index
        %get3A_479 = tpu.vector_load %arg7[%get3A_477, %get3A_478] {strides = array<i32>} : memref<200x128xf32, #tpu.memory_space<vmem>>, vector<1x16xf32>,
        %get3A_480 = vector.shape_cast %get3A_479 : vector<1x16xf32> to vector<16xf32>
        %add3A_481 = arith.addf %scan3A_442, %get3A_480 : vector<16xf32>
        %get3A_482 = arith.index_cast %add3A_471 : i32 to index
        %get3A_483 = arith.constant 32 : index
        %get3A_484 = tpu.vector_load %arg7[%get3A_482, %get3A_483] {strides = array<i32>} : memref<200x128xf32, #tpu.memory_space<vmem>>, vector<1x16xf32>,
        %get3A_485 = vector.shape_cast %get3A_484 : vector<1x16xf32> to vector<16xf32>
        %add3A_486 = arith.addf %scan3A_443, %get3A_485 : vector<16xf32>
        %get3A_487 = arith.index_cast %add3A_471 : i32 to index
        %get3A_488 = arith.constant 48 : index
        %get3A_489 = tpu.vector_load %arg7[%get3A_487, %get3A_488] {strides = array<i32>} : memref<200x128xf32, #tpu.memory_space<vmem>>, vector<1x16xf32>,
        %get3A_490 = vector.shape_cast %get3A_489 : vector<1x16xf32> to vector<16xf32>
        %add3A_491 = arith.addf %scan3A_444, %get3A_490 : vector<16xf32>
        %mul3A_492 = arith.constant 8 : i32
        %mul3A_493 = arith.muli %scan3A_436, %mul3A_492 : i32
        %add3A_494 = arith.constant 2 : i32
        %add3A_495 = arith.addi %mul3A_493, %add3A_494 : i32
        %get3A_496 = arith.index_cast %add3A_495 : i32 to index
        %get3A_497 = arith.constant 0 : index
        %get3A_498 = tpu.vector_load %arg7[%get3A_496, %get3A_497] {strides = array<i32>} : memref<200x128xf32, #tpu.memory_space<vmem>>, vector<1x16xf32>,
        %get3A_499 = vector.shape_cast %get3A_498 : vector<1x16xf32> to vector<16xf32>
        %add3A_500 = arith.addf %add3A_452, %get3A_499 : vector<16xf32>
        %get3A_501 = arith.index_cast %add3A_495 : i32 to index
        %get3A_502 = arith.constant 16 : index
        %get3A_503 = tpu.vector_load %arg7[%get3A_501, %get3A_502] {strides = array<i32>} : memref<200x128xf32, #tpu.memory_space<vmem>>, vector<1x16xf32>,
        %get3A_504 = vector.shape_cast %get3A_503 : vector<1x16xf32> to vector<16xf32>
        %add3A_505 = arith.addf %add3A_457, %get3A_504 : vector<16xf32>
        %get3A_506 = arith.index_cast %add3A_495 : i32 to index
        %get3A_507 = arith.constant 32 : index
        %get3A_508 = tpu.vector_load %arg7[%get3A_506, %get3A_507] {strides = array<i32>} : memref<200x128xf32, #tpu.memory_space<vmem>>, vector<1x16xf32>,
        %get3A_509 = vector.shape_cast %get3A_508 : vector<1x16xf32> to vector<16xf32>
        %add3A_510 = arith.addf %add3A_462, %get3A_509 : vector<16xf32>
        %get3A_511 = arith.index_cast %add3A_495 : i32 to index
        %get3A_512 = arith.constant 48 : index
        %get3A_513 = tpu.vector_load %arg7[%get3A_511, %get3A_512] {strides = array<i32>} : memref<200x128xf32, #tpu.memory_space<vmem>>, vector<1x16xf32>,
        %get3A_514 = vector.shape_cast %get3A_513 : vector<1x16xf32> to vector<16xf32>
        %add3A_515 = arith.addf %add3A_467, %get3A_514 : vector<16xf32>
        %mul3A_516 = arith.constant 8 : i32
        %mul3A_517 = arith.muli %scan3A_436, %mul3A_516 : i32
        %add3A_518 = arith.constant 3 : i32
        %add3A_519 = arith.addi %mul3A_517, %add3A_518 : i32
        %get3A_520 = arith.index_cast %add3A_519 : i32 to index
        %get3A_521 = arith.constant 0 : index
        %get3A_522 = tpu.vector_load %arg7[%get3A_520, %get3A_521] {strides = array<i32>} : memref<200x128xf32, #tpu.memory_space<vmem>>, vector<1x16xf32>,
        %get3A_523 = vector.shape_cast %get3A_522 : vector<1x16xf32> to vector<16xf32>
        %add3A_524 = arith.addf %add3A_476, %get3A_523 : vector<16xf32>
        %get3A_525 = arith.index_cast %add3A_519 : i32 to index
        %get3A_526 = arith.constant 16 : index
        %get3A_527 = tpu.vector_load %arg7[%get3A_525, %get3A_526] {strides = array<i32>} : memref<200x128xf32, #tpu.memory_space<vmem>>, vector<1x16xf32>,
        %get3A_528 = vector.shape_cast %get3A_527 : vector<1x16xf32> to vector<16xf32>
        %add3A_529 = arith.addf %add3A_481, %get3A_528 : vector<16xf32>
        %get3A_530 = arith.index_cast %add3A_519 : i32 to index
        %get3A_531 = arith.constant 32 : index
        %get3A_532 = tpu.vector_load %arg7[%get3A_530, %get3A_531] {strides = array<i32>} : memref<200x128xf32, #tpu.memory_space<vmem>>, vector<1x16xf32>,
        %get3A_533 = vector.shape_cast %get3A_532 : vector<1x16xf32> to vector<16xf32>
        %add3A_534 = arith.addf %add3A_486, %get3A_533 : vector<16xf32>
        %get3A_535 = arith.index_cast %add3A_519 : i32 to index
        %get3A_536 = arith.constant 48 : index
        %get3A_537 = tpu.vector_load %arg7[%get3A_535, %get3A_536] {strides = array<i32>} : memref<200x128xf32, #tpu.memory_space<vmem>>, vector<1x16xf32>,
        %get3A_538 = vector.shape_cast %get3A_537 : vector<1x16xf32> to vector<16xf32>
        %add3A_539 = arith.addf %add3A_491, %get3A_538 : vector<16xf32>
        %mul3A_540 = arith.constant 8 : i32
        %mul3A_541 = arith.muli %scan3A_436, %mul3A_540 : i32
        %add3A_542 = arith.constant 4 : i32
        %add3A_543 = arith.addi %mul3A_541, %add3A_542 : i32
        %get3A_544 = arith.index_cast %add3A_543 : i32 to index
        %get3A_545 = arith.constant 0 : index
        %get3A_546 = tpu.vector_load %arg7[%get3A_544, %get3A_545] {strides = array<i32>} : memref<200x128xf32, #tpu.memory_space<vmem>>, vector<1x16xf32>,
        %get3A_547 = vector.shape_cast %get3A_546 : vector<1x16xf32> to vector<16xf32>
        %add3A_548 = arith.addf %add3A_500, %get3A_547 : vector<16xf32>
        %get3A_549 = arith.index_cast %add3A_543 : i32 to index
        %get3A_550 = arith.constant 16 : index
        %get3A_551 = tpu.vector_load %arg7[%get3A_549, %get3A_550] {strides = array<i32>} : memref<200x128xf32, #tpu.memory_space<vmem>>, vector<1x16xf32>,
        %get3A_552 = vector.shape_cast %get3A_551 : vector<1x16xf32> to vector<16xf32>
        %add3A_553 = arith.addf %add3A_505, %get3A_552 : vector<16xf32>
        %get3A_554 = arith.index_cast %add3A_543 : i32 to index
        %get3A_555 = arith.constant 32 : index
        %get3A_556 = tpu.vector_load %arg7[%get3A_554, %get3A_555] {strides = array<i32>} : memref<200x128xf32, #tpu.memory_space<vmem>>, vector<1x16xf32>,
        %get3A_557 = vector.shape_cast %get3A_556 : vector<1x16xf32> to vector<16xf32>
        %add3A_558 = arith.addf %add3A_510, %get3A_557 : vector<16xf32>
        %get3A_559 = arith.index_cast %add3A_543 : i32 to index
        %get3A_560 = arith.constant 48 : index
        %get3A_561 = tpu.vector_load %arg7[%get3A_559, %get3A_560] {strides = array<i32>} : memref<200x128xf32, #tpu.memory_space<vmem>>, vector<1x16xf32>,
        %get3A_562 = vector.shape_cast %get3A_561 : vector<1x16xf32> to vector<16xf32>
        %add3A_563 = arith.addf %add3A_515, %get3A_562 : vector<16xf32>
        %mul3A_564 = arith.constant 8 : i32
        %mul3A_565 = arith.muli %scan3A_436, %mul3A_564 : i32
        %add3A_566 = arith.constant 5 : i32
        %add3A_567 = arith.addi %mul3A_565, %add3A_566 : i32
        %get3A_568 = arith.index_cast %add3A_567 : i32 to index
        %get3A_569 = arith.constant 0 : index
        %get3A_570 = tpu.vector_load %arg7[%get3A_568, %get3A_569] {strides = array<i32>} : memref<200x128xf32, #tpu.memory_space<vmem>>, vector<1x16xf32>,
        %get3A_571 = vector.shape_cast %get3A_570 : vector<1x16xf32> to vector<16xf32>
        %add3A_572 = arith.addf %add3A_524, %get3A_571 : vector<16xf32>
        %get3A_573 = arith.index_cast %add3A_567 : i32 to index
        %get3A_574 = arith.constant 16 : index
        %get3A_575 = tpu.vector_load %arg7[%get3A_573, %get3A_574] {strides = array<i32>} : memref<200x128xf32, #tpu.memory_space<vmem>>, vector<1x16xf32>,
        %get3A_576 = vector.shape_cast %get3A_575 : vector<1x16xf32> to vector<16xf32>
        %add3A_577 = arith.addf %add3A_529, %get3A_576 : vector<16xf32>
        %get3A_578 = arith.index_cast %add3A_567 : i32 to index
        %get3A_579 = arith.constant 32 : index
        %get3A_580 = tpu.vector_load %arg7[%get3A_578, %get3A_579] {strides = array<i32>} : memref<200x128xf32, #tpu.memory_space<vmem>>, vector<1x16xf32>,
        %get3A_581 = vector.shape_cast %get3A_580 : vector<1x16xf32> to vector<16xf32>
        %add3A_582 = arith.addf %add3A_534, %get3A_581 : vector<16xf32>
        %get3A_583 = arith.index_cast %add3A_567 : i32 to index
        %get3A_584 = arith.constant 48 : index
        %get3A_585 = tpu.vector_load %arg7[%get3A_583, %get3A_584] {strides = array<i32>} : memref<200x128xf32, #tpu.memory_space<vmem>>, vector<1x16xf32>,
        %get3A_586 = vector.shape_cast %get3A_585 : vector<1x16xf32> to vector<16xf32>
        %add3A_587 = arith.addf %add3A_539, %get3A_586 : vector<16xf32>
        %mul3A_588 = arith.constant 8 : i32
        %mul3A_589 = arith.muli %scan3A_436, %mul3A_588 : i32
        %add3A_590 = arith.constant 6 : i32
        %add3A_591 = arith.addi %mul3A_589, %add3A_590 : i32
        %get3A_592 = arith.index_cast %add3A_591 : i32 to index
        %get3A_593 = arith.constant 0 : index
        %get3A_594 = tpu.vector_load %arg7[%get3A_592, %get3A_593] {strides = array<i32>} : memref<200x128xf32, #tpu.memory_space<vmem>>, vector<1x16xf32>,
        %get3A_595 = vector.shape_cast %get3A_594 : vector<1x16xf32> to vector<16xf32>
        %add3A_596 = arith.addf %add3A_548, %get3A_595 : vector<16xf32>
        %get3A_597 = arith.index_cast %add3A_591 : i32 to index
        %get3A_598 = arith.constant 16 : index
        %get3A_599 = tpu.vector_load %arg7[%get3A_597, %get3A_598] {strides = array<i32>} : memref<200x128xf32, #tpu.memory_space<vmem>>, vector<1x16xf32>,
        %get3A_600 = vector.shape_cast %get3A_599 : vector<1x16xf32> to vector<16xf32>
        %add3A_601 = arith.addf %add3A_553, %get3A_600 : vector<16xf32>
        %get3A_602 = arith.index_cast %add3A_591 : i32 to index
        %get3A_603 = arith.constant 32 : index
        %get3A_604 = tpu.vector_load %arg7[%get3A_602, %get3A_603] {strides = array<i32>} : memref<200x128xf32, #tpu.memory_space<vmem>>, vector<1x16xf32>,
        %get3A_605 = vector.shape_cast %get3A_604 : vector<1x16xf32> to vector<16xf32>
        %add3A_606 = arith.addf %add3A_558, %get3A_605 : vector<16xf32>
        %get3A_607 = arith.index_cast %add3A_591 : i32 to index
        %get3A_608 = arith.constant 48 : index
        %get3A_609 = tpu.vector_load %arg7[%get3A_607, %get3A_608] {strides = array<i32>} : memref<200x128xf32, #tpu.memory_space<vmem>>, vector<1x16xf32>,
        %get3A_610 = vector.shape_cast %get3A_609 : vector<1x16xf32> to vector<16xf32>
        %add3A_611 = arith.addf %add3A_563, %get3A_610 : vector<16xf32>
        %mul3A_612 = arith.constant 8 : i32
        %mul3A_613 = arith.muli %scan3A_436, %mul3A_612 : i32
        %add3A_614 = arith.constant 7 : i32
        %add3A_615 = arith.addi %mul3A_613, %add3A_614 : i32
        %get3A_616 = arith.index_cast %add3A_615 : i32 to index
        %get3A_617 = arith.constant 0 : index
        %get3A_618 = tpu.vector_load %arg7[%get3A_616, %get3A_617] {strides = array<i32>} : memref<200x128xf32, #tpu.memory_space<vmem>>, vector<1x16xf32>,
        %get3A_619 = vector.shape_cast %get3A_618 : vector<1x16xf32> to vector<16xf32>
        %add3A_620 = arith.addf %add3A_572, %get3A_619 : vector<16xf32>
        %get3A_621 = arith.index_cast %add3A_615 : i32 to index
        %get3A_622 = arith.constant 16 : index
        %get3A_623 = tpu.vector_load %arg7[%get3A_621, %get3A_622] {strides = array<i32>} : memref<200x128xf32, #tpu.memory_space<vmem>>, vector<1x16xf32>,
        %get3A_624 = vector.shape_cast %get3A_623 : vector<1x16xf32> to vector<16xf32>
        %add3A_625 = arith.addf %add3A_577, %get3A_624 : vector<16xf32>
        %get3A_626 = arith.index_cast %add3A_615 : i32 to index
        %get3A_627 = arith.constant 32 : index
        %get3A_628 = tpu.vector_load %arg7[%get3A_626, %get3A_627] {strides = array<i32>} : memref<200x128xf32, #tpu.memory_space<vmem>>, vector<1x16xf32>,
        %get3A_629 = vector.shape_cast %get3A_628 : vector<1x16xf32> to vector<16xf32>
        %add3A_630 = arith.addf %add3A_582, %get3A_629 : vector<16xf32>
        %get3A_631 = arith.index_cast %add3A_615 : i32 to index
        %get3A_632 = arith.constant 48 : index
        %get3A_633 = tpu.vector_load %arg7[%get3A_631, %get3A_632] {strides = array<i32>} : memref<200x128xf32, #tpu.memory_space<vmem>>, vector<1x16xf32>,
        %get3A_634 = vector.shape_cast %get3A_633 : vector<1x16xf32> to vector<16xf32>
        %add3A_635 = arith.addf %add3A_587, %get3A_634 : vector<16xf32>
        scf.yield %add3A_596, %add3A_601, %add3A_606, %add3A_611, %add3A_620, %add3A_625, %add3A_630, %add3A_635 : vector<16xf32>, vector<16xf32>, vector<16xf32>, vector<16xf32>, vector<16xf32>, vector<16xf32>, vector<16xf32>, vector<16xf32>
      }
      %scan3A_300 = arith.constant 25 : i32
      %add3A_301 = arith.addf %scan3A_299#0, %scan3A_299#4 : vector<16xf32>
      %mul3A_302 = vector.broadcast %scan3A_21 : f32 to vector<16xf32>
      %mul3A_303 = arith.mulf %add3A_301, %mul3A_302 : vector<16xf32>
      %swap3A_304 = arith.constant 320 : index
      %swap3A_305 = tpu.vector_load %arg8[%swap3A_304] {strides = array<i32>} : memref<512xf32, #tpu.memory_space<vmem>>, vector<16xf32>,
      %swap3A_306 = vector.shape_cast %swap3A_305 : vector<16xf32> to vector<16xf32>
      %swap3A_307 = vector.shape_cast %mul3A_303 : vector<16xf32> to vector<16xf32>
      tpu.vector_store %arg8[%swap3A_304], %swap3A_307 {strides = array<i32>} : memref<512xf32, #tpu.memory_space<vmem>>, vector<16xf32>,
      %add3A_308 = arith.addf %scan3A_299#1, %scan3A_299#5 : vector<16xf32>
      %mul3A_309 = vector.broadcast %scan3A_21 : f32 to vector<16xf32>
      %mul3A_310 = arith.mulf %add3A_308, %mul3A_309 : vector<16xf32>
      %swap3A_311 = arith.constant 336 : index
      %swap3A_312 = tpu.vector_load %arg8[%swap3A_311] {strides = array<i32>} : memref<512xf32, #tpu.memory_space<vmem>>, vector<16xf32>,
      %swap3A_313 = vector.shape_cast %swap3A_312 : vector<16xf32> to vector<16xf32>
      %swap3A_314 = vector.shape_cast %mul3A_310 : vector<16xf32> to vector<16xf32>
      tpu.vector_store %arg8[%swap3A_311], %swap3A_314 {strides = array<i32>} : memref<512xf32, #tpu.memory_space<vmem>>, vector<16xf32>,
      %add3A_315 = arith.addf %scan3A_299#2, %scan3A_299#6 : vector<16xf32>
      %mul3A_316 = vector.broadcast %scan3A_21 : f32 to vector<16xf32>
      %mul3A_317 = arith.mulf %add3A_315, %mul3A_316 : vector<16xf32>
      %swap3A_318 = arith.constant 352 : index
      %swap3A_319 = tpu.vector_load %arg8[%swap3A_318] {strides = array<i32>} : memref<512xf32, #tpu.memory_space<vmem>>, vector<16xf32>,
      %swap3A_320 = vector.shape_cast %swap3A_319 : vector<16xf32> to vector<16xf32>
      %swap3A_321 = vector.shape_cast %mul3A_317 : vector<16xf32> to vector<16xf32>
      tpu.vector_store %arg8[%swap3A_318], %swap3A_321 {strides = array<i32>} : memref<512xf32, #tpu.memory_space<vmem>>, vector<16xf32>,
      %add3A_322 = arith.addf %scan3A_299#3, %scan3A_299#7 : vector<16xf32>
      %mul3A_323 = vector.broadcast %scan3A_21 : f32 to vector<16xf32>
      %mul3A_324 = arith.mulf %add3A_322, %mul3A_323 : vector<16xf32>
      %swap3A_325 = arith.constant 368 : index
      %swap3A_326 = tpu.vector_load %arg8[%swap3A_325] {strides = array<i32>} : memref<512xf32, #tpu.memory_space<vmem>>, vector<16xf32>,
      %swap3A_327 = vector.shape_cast %swap3A_326 : vector<16xf32> to vector<16xf32>
      %swap3A_328 = vector.shape_cast %mul3A_324 : vector<16xf32> to vector<16xf32>
      tpu.vector_store %arg8[%swap3A_325], %swap3A_328 {strides = array<i32>} : memref<512xf32, #tpu.memory_space<vmem>>, vector<16xf32>,
      %mul3A_329 = arith.constant 8 : i32
      %mul3A_330 = arith.muli %scan3A_27, %mul3A_329 : i32
      %add3A_331 = arith.constant 6 : i32
      %add3A_332 = arith.addi %mul3A_330, %add3A_331 : i32
      %add3A_333 = arith.constant 1 : i32
      %add3A_334 = arith.addi %add3A_332, %add3A_333 : i32
      %lt3A_335 = arith.constant 128 : i32
      %lt3A_336 = arith.cmpi slt, %add3A_334, %lt3A_335 : i32
      %convert_element_type3A_337 = arith.extui %lt3A_336 : i1 to i32
      %cond3A_338 = arith.constant 0 : i32
      %cond3A_339 = arith.cmpi ne, %convert_element_type3A_337, %cond3A_338 : i32
      scf.if %cond3A_339 {
        %mul3A_436 = arith.constant 200 : i32
        %mul3A_437 = arith.muli %add3A_334, %mul3A_436 : i32
        %dma_start3A_438 = arith.constant 0 : i32
        %dma_start3A_439 = arith.constant 0 : i32
        %dma_start3A_440 = tpu.memref_slice %arg7[%dma_start3A_438, %dma_start3A_439] : memref<200x128xf32, #tpu.memory_space<vmem>> -> memref<128x128xf32, #tpu.memory_space<vmem>>
        %dma_start3A_441 = tpu.memref_slice %arg5[%mul3A_437] : memref<25600xi32, #tpu.memory_space<vmem>> -> memref<128xi32, #tpu.memory_space<vmem>>
        %dma_start3A_442 = arith.constant 0 : i32
        %dma_start3A_443 = arith.constant 0 : i32
        %dma_start3A_444 = tpu.memref_slice %arg3[%dma_start3A_442, %dma_start3A_443] : memref<1000000x128xf32, #tpu.memory_space<hbm>> -> memref<1000000x128xf32, #tpu.memory_space<hbm>>
        tpu.enqueue_indirect_dma source(%dma_start3A_444 : memref<1000000x128xf32, #tpu.memory_space<hbm>>) target(%dma_start3A_440 : memref<128x128xf32, #tpu.memory_space<vmem>>) offsets(%dma_start3A_441 : memref<128xi32, #tpu.memory_space<vmem>>) semaphore(%arg10 : memref<!tpu.dma_semaphore, #tpu.memory_space<semaphore_mem>>)
        %mul3A_445 = arith.constant 200 : i32
        %mul3A_446 = arith.muli %add3A_334, %mul3A_445 : i32
        %add3A_447 = arith.constant 128 : i32
        %add3A_448 = arith.addi %mul3A_446, %add3A_447 : i32
        %dma_start3A_449 = arith.constant 128 : i32
        %dma_start3A_450 = arith.constant 0 : i32
        %dma_start3A_451 = tpu.memref_slice %arg7[%dma_start3A_449, %dma_start3A_450] : memref<200x128xf32, #tpu.memory_space<vmem>> -> memref<72x128xf32, #tpu.memory_space<vmem>>
        %dma_start3A_452 = tpu.memref_slice %arg5[%add3A_448] : memref<25600xi32, #tpu.memory_space<vmem>> -> memref<72xi32, #tpu.memory_space<vmem>>
        %dma_start3A_453 = arith.constant 0 : i32
        %dma_start3A_454 = arith.constant 0 : i32
        %dma_start3A_455 = tpu.memref_slice %arg3[%dma_start3A_453, %dma_start3A_454] : memref<1000000x128xf32, #tpu.memory_space<hbm>> -> memref<1000000x128xf32, #tpu.memory_space<hbm>>
        tpu.enqueue_indirect_dma source(%dma_start3A_455 : memref<1000000x128xf32, #tpu.memory_space<hbm>>) target(%dma_start3A_451 : memref<72x128xf32, #tpu.memory_space<vmem>>) offsets(%dma_start3A_452 : memref<72xi32, #tpu.memory_space<vmem>>) semaphore(%arg10 : memref<!tpu.dma_semaphore, #tpu.memory_space<semaphore_mem>>)
      } else {
      }
      %dma_wait3A_340 = arith.constant 0 : i32
      %dma_wait3A_341 = arith.constant 0 : i32
      %dma_wait3A_342 = tpu.memref_slice %arg3[%dma_wait3A_340, %dma_wait3A_341] : memref<1000000x128xf32, #tpu.memory_space<hbm>> -> memref<200x128xf32, #tpu.memory_space<hbm>>
      %dma_wait3A_343 = arith.constant 0 : i32
      %dma_wait3A_344 = arith.constant 0 : i32
      %dma_wait3A_345 = tpu.memref_slice %arg3[%dma_wait3A_343, %dma_wait3A_344] : memref<1000000x128xf32, #tpu.memory_space<hbm>> -> memref<200x128xf32, #tpu.memory_space<hbm>>
      tpu.wait_dma2 semaphore(%arg9 : memref<!tpu.dma_semaphore, #tpu.memory_space<semaphore_mem>>) src(%dma_wait3A_345 : memref<200x128xf32, #tpu.memory_space<hbm>>) dst(%arg6 : memref<200x128xf32, #tpu.memory_space<vmem>>)
      %scan3A_346 = arith.constant 0 : i32
      %scan3A_347 = arith.constant 25 : i32
      %scan3A_348 = arith.addi %scan3A_346, %scan3A_347 : i32
      %scan3A_349 = arith.constant 1 : i32
      %scan3A_350:8 = scf.for %scan3A_436 = %scan3A_346 to %scan3A_348 step %scan3A_349 iter_args(%scan3A_437 = %broadcast_in_dim3A_5, %scan3A_438 = %broadcast_in_dim3A_5, %scan3A_439 = %broadcast_in_dim3A_5, %scan3A_440 = %broadcast_in_dim3A_5, %scan3A_441 = %broadcast_in_dim3A_5, %scan3A_442 = %broadcast_in_dim3A_5, %scan3A_443 = %broadcast_in_dim3A_5, %scan3A_444 = %broadcast_in_dim3A_5) -> (vector<16xf32>, vector<16xf32>, vector<16xf32>, vector<16xf32>, vector<16xf32>, vector<16xf32>, vector<16xf32>, vector<16xf32>)  : i32 {
        %mul3A_445 = arith.constant 8 : i32
        %mul3A_446 = arith.muli %scan3A_436, %mul3A_445 : i32
        %add3A_447 = arith.constant 0 : i32
        %add3A_448 = arith.addi %mul3A_446, %add3A_447 : i32
        %get3A = arith.index_cast %add3A_448 : i32 to index
        %get3A_449 = arith.constant 0 : index
        %get3A_450 = tpu.vector_load %arg6[%get3A, %get3A_449] {strides = array<i32>} : memref<200x128xf32, #tpu.memory_space<vmem>>, vector<1x16xf32>,
        %get3A_451 = vector.shape_cast %get3A_450 : vector<1x16xf32> to vector<16xf32>
        %add3A_452 = arith.addf %scan3A_437, %get3A_451 : vector<16xf32>
        %get3A_453 = arith.index_cast %add3A_448 : i32 to index
        %get3A_454 = arith.constant 16 : index
        %get3A_455 = tpu.vector_load %arg6[%get3A_453, %get3A_454] {strides = array<i32>} : memref<200x128xf32, #tpu.memory_space<vmem>>, vector<1x16xf32>,
        %get3A_456 = vector.shape_cast %get3A_455 : vector<1x16xf32> to vector<16xf32>
        %add3A_457 = arith.addf %scan3A_438, %get3A_456 : vector<16xf32>
        %get3A_458 = arith.index_cast %add3A_448 : i32 to index
        %get3A_459 = arith.constant 32 : index
        %get3A_460 = tpu.vector_load %arg6[%get3A_458, %get3A_459] {strides = array<i32>} : memref<200x128xf32, #tpu.memory_space<vmem>>, vector<1x16xf32>,
        %get3A_461 = vector.shape_cast %get3A_460 : vector<1x16xf32> to vector<16xf32>
        %add3A_462 = arith.addf %scan3A_439, %get3A_461 : vector<16xf32>
        %get3A_463 = arith.index_cast %add3A_448 : i32 to index
        %get3A_464 = arith.constant 48 : index
        %get3A_465 = tpu.vector_load %arg6[%get3A_463, %get3A_464] {strides = array<i32>} : memref<200x128xf32, #tpu.memory_space<vmem>>, vector<1x16xf32>,
        %get3A_466 = vector.shape_cast %get3A_465 : vector<1x16xf32> to vector<16xf32>
        %add3A_467 = arith.addf %scan3A_440, %get3A_466 : vector<16xf32>
        %mul3A_468 = arith.constant 8 : i32
        %mul3A_469 = arith.muli %scan3A_436, %mul3A_468 : i32
        %add3A_470 = arith.constant 1 : i32
        %add3A_471 = arith.addi %mul3A_469, %add3A_470 : i32
        %get3A_472 = arith.index_cast %add3A_471 : i32 to index
        %get3A_473 = arith.constant 0 : index
        %get3A_474 = tpu.vector_load %arg6[%get3A_472, %get3A_473] {strides = array<i32>} : memref<200x128xf32, #tpu.memory_space<vmem>>, vector<1x16xf32>,
        %get3A_475 = vector.shape_cast %get3A_474 : vector<1x16xf32> to vector<16xf32>
        %add3A_476 = arith.addf %scan3A_441, %get3A_475 : vector<16xf32>
        %get3A_477 = arith.index_cast %add3A_471 : i32 to index
        %get3A_478 = arith.constant 16 : index
        %get3A_479 = tpu.vector_load %arg6[%get3A_477, %get3A_478] {strides = array<i32>} : memref<200x128xf32, #tpu.memory_space<vmem>>, vector<1x16xf32>,
        %get3A_480 = vector.shape_cast %get3A_479 : vector<1x16xf32> to vector<16xf32>
        %add3A_481 = arith.addf %scan3A_442, %get3A_480 : vector<16xf32>
        %get3A_482 = arith.index_cast %add3A_471 : i32 to index
        %get3A_483 = arith.constant 32 : index
        %get3A_484 = tpu.vector_load %arg6[%get3A_482, %get3A_483] {strides = array<i32>} : memref<200x128xf32, #tpu.memory_space<vmem>>, vector<1x16xf32>,
        %get3A_485 = vector.shape_cast %get3A_484 : vector<1x16xf32> to vector<16xf32>
        %add3A_486 = arith.addf %scan3A_443, %get3A_485 : vector<16xf32>
        %get3A_487 = arith.index_cast %add3A_471 : i32 to index
        %get3A_488 = arith.constant 48 : index
        %get3A_489 = tpu.vector_load %arg6[%get3A_487, %get3A_488] {strides = array<i32>} : memref<200x128xf32, #tpu.memory_space<vmem>>, vector<1x16xf32>,
        %get3A_490 = vector.shape_cast %get3A_489 : vector<1x16xf32> to vector<16xf32>
        %add3A_491 = arith.addf %scan3A_444, %get3A_490 : vector<16xf32>
        %mul3A_492 = arith.constant 8 : i32
        %mul3A_493 = arith.muli %scan3A_436, %mul3A_492 : i32
        %add3A_494 = arith.constant 2 : i32
        %add3A_495 = arith.addi %mul3A_493, %add3A_494 : i32
        %get3A_496 = arith.index_cast %add3A_495 : i32 to index
        %get3A_497 = arith.constant 0 : index
        %get3A_498 = tpu.vector_load %arg6[%get3A_496, %get3A_497] {strides = array<i32>} : memref<200x128xf32, #tpu.memory_space<vmem>>, vector<1x16xf32>,
        %get3A_499 = vector.shape_cast %get3A_498 : vector<1x16xf32> to vector<16xf32>
        %add3A_500 = arith.addf %add3A_452, %get3A_499 : vector<16xf32>
        %get3A_501 = arith.index_cast %add3A_495 : i32 to index
        %get3A_502 = arith.constant 16 : index
        %get3A_503 = tpu.vector_load %arg6[%get3A_501, %get3A_502] {strides = array<i32>} : memref<200x128xf32, #tpu.memory_space<vmem>>, vector<1x16xf32>,
        %get3A_504 = vector.shape_cast %get3A_503 : vector<1x16xf32> to vector<16xf32>
        %add3A_505 = arith.addf %add3A_457, %get3A_504 : vector<16xf32>
        %get3A_506 = arith.index_cast %add3A_495 : i32 to index
        %get3A_507 = arith.constant 32 : index
        %get3A_508 = tpu.vector_load %arg6[%get3A_506, %get3A_507] {strides = array<i32>} : memref<200x128xf32, #tpu.memory_space<vmem>>, vector<1x16xf32>,
        %get3A_509 = vector.shape_cast %get3A_508 : vector<1x16xf32> to vector<16xf32>
        %add3A_510 = arith.addf %add3A_462, %get3A_509 : vector<16xf32>
        %get3A_511 = arith.index_cast %add3A_495 : i32 to index
        %get3A_512 = arith.constant 48 : index
        %get3A_513 = tpu.vector_load %arg6[%get3A_511, %get3A_512] {strides = array<i32>} : memref<200x128xf32, #tpu.memory_space<vmem>>, vector<1x16xf32>,
        %get3A_514 = vector.shape_cast %get3A_513 : vector<1x16xf32> to vector<16xf32>
        %add3A_515 = arith.addf %add3A_467, %get3A_514 : vector<16xf32>
        %mul3A_516 = arith.constant 8 : i32
        %mul3A_517 = arith.muli %scan3A_436, %mul3A_516 : i32
        %add3A_518 = arith.constant 3 : i32
        %add3A_519 = arith.addi %mul3A_517, %add3A_518 : i32
        %get3A_520 = arith.index_cast %add3A_519 : i32 to index
        %get3A_521 = arith.constant 0 : index
        %get3A_522 = tpu.vector_load %arg6[%get3A_520, %get3A_521] {strides = array<i32>} : memref<200x128xf32, #tpu.memory_space<vmem>>, vector<1x16xf32>,
        %get3A_523 = vector.shape_cast %get3A_522 : vector<1x16xf32> to vector<16xf32>
        %add3A_524 = arith.addf %add3A_476, %get3A_523 : vector<16xf32>
        %get3A_525 = arith.index_cast %add3A_519 : i32 to index
        %get3A_526 = arith.constant 16 : index
        %get3A_527 = tpu.vector_load %arg6[%get3A_525, %get3A_526] {strides = array<i32>} : memref<200x128xf32, #tpu.memory_space<vmem>>, vector<1x16xf32>,
        %get3A_528 = vector.shape_cast %get3A_527 : vector<1x16xf32> to vector<16xf32>
        %add3A_529 = arith.addf %add3A_481, %get3A_528 : vector<16xf32>
        %get3A_530 = arith.index_cast %add3A_519 : i32 to index
        %get3A_531 = arith.constant 32 : index
        %get3A_532 = tpu.vector_load %arg6[%get3A_530, %get3A_531] {strides = array<i32>} : memref<200x128xf32, #tpu.memory_space<vmem>>, vector<1x16xf32>,
        %get3A_533 = vector.shape_cast %get3A_532 : vector<1x16xf32> to vector<16xf32>
        %add3A_534 = arith.addf %add3A_486, %get3A_533 : vector<16xf32>
        %get3A_535 = arith.index_cast %add3A_519 : i32 to index
        %get3A_536 = arith.constant 48 : index
        %get3A_537 = tpu.vector_load %arg6[%get3A_535, %get3A_536] {strides = array<i32>} : memref<200x128xf32, #tpu.memory_space<vmem>>, vector<1x16xf32>,
        %get3A_538 = vector.shape_cast %get3A_537 : vector<1x16xf32> to vector<16xf32>
        %add3A_539 = arith.addf %add3A_491, %get3A_538 : vector<16xf32>
        %mul3A_540 = arith.constant 8 : i32
        %mul3A_541 = arith.muli %scan3A_436, %mul3A_540 : i32
        %add3A_542 = arith.constant 4 : i32
        %add3A_543 = arith.addi %mul3A_541, %add3A_542 : i32
        %get3A_544 = arith.index_cast %add3A_543 : i32 to index
        %get3A_545 = arith.constant 0 : index
        %get3A_546 = tpu.vector_load %arg6[%get3A_544, %get3A_545] {strides = array<i32>} : memref<200x128xf32, #tpu.memory_space<vmem>>, vector<1x16xf32>,
        %get3A_547 = vector.shape_cast %get3A_546 : vector<1x16xf32> to vector<16xf32>
        %add3A_548 = arith.addf %add3A_500, %get3A_547 : vector<16xf32>
        %get3A_549 = arith.index_cast %add3A_543 : i32 to index
        %get3A_550 = arith.constant 16 : index
        %get3A_551 = tpu.vector_load %arg6[%get3A_549, %get3A_550] {strides = array<i32>} : memref<200x128xf32, #tpu.memory_space<vmem>>, vector<1x16xf32>,
        %get3A_552 = vector.shape_cast %get3A_551 : vector<1x16xf32> to vector<16xf32>
        %add3A_553 = arith.addf %add3A_505, %get3A_552 : vector<16xf32>
        %get3A_554 = arith.index_cast %add3A_543 : i32 to index
        %get3A_555 = arith.constant 32 : index
        %get3A_556 = tpu.vector_load %arg6[%get3A_554, %get3A_555] {strides = array<i32>} : memref<200x128xf32, #tpu.memory_space<vmem>>, vector<1x16xf32>,
        %get3A_557 = vector.shape_cast %get3A_556 : vector<1x16xf32> to vector<16xf32>
        %add3A_558 = arith.addf %add3A_510, %get3A_557 : vector<16xf32>
        %get3A_559 = arith.index_cast %add3A_543 : i32 to index
        %get3A_560 = arith.constant 48 : index
        %get3A_561 = tpu.vector_load %arg6[%get3A_559, %get3A_560] {strides = array<i32>} : memref<200x128xf32, #tpu.memory_space<vmem>>, vector<1x16xf32>,
        %get3A_562 = vector.shape_cast %get3A_561 : vector<1x16xf32> to vector<16xf32>
        %add3A_563 = arith.addf %add3A_515, %get3A_562 : vector<16xf32>
        %mul3A_564 = arith.constant 8 : i32
        %mul3A_565 = arith.muli %scan3A_436, %mul3A_564 : i32
        %add3A_566 = arith.constant 5 : i32
        %add3A_567 = arith.addi %mul3A_565, %add3A_566 : i32
        %get3A_568 = arith.index_cast %add3A_567 : i32 to index
        %get3A_569 = arith.constant 0 : index
        %get3A_570 = tpu.vector_load %arg6[%get3A_568, %get3A_569] {strides = array<i32>} : memref<200x128xf32, #tpu.memory_space<vmem>>, vector<1x16xf32>,
        %get3A_571 = vector.shape_cast %get3A_570 : vector<1x16xf32> to vector<16xf32>
        %add3A_572 = arith.addf %add3A_524, %get3A_571 : vector<16xf32>
        %get3A_573 = arith.index_cast %add3A_567 : i32 to index
        %get3A_574 = arith.constant 16 : index
        %get3A_575 = tpu.vector_load %arg6[%get3A_573, %get3A_574] {strides = array<i32>} : memref<200x128xf32, #tpu.memory_space<vmem>>, vector<1x16xf32>,
        %get3A_576 = vector.shape_cast %get3A_575 : vector<1x16xf32> to vector<16xf32>
        %add3A_577 = arith.addf %add3A_529, %get3A_576 : vector<16xf32>
        %get3A_578 = arith.index_cast %add3A_567 : i32 to index
        %get3A_579 = arith.constant 32 : index
        %get3A_580 = tpu.vector_load %arg6[%get3A_578, %get3A_579] {strides = array<i32>} : memref<200x128xf32, #tpu.memory_space<vmem>>, vector<1x16xf32>,
        %get3A_581 = vector.shape_cast %get3A_580 : vector<1x16xf32> to vector<16xf32>
        %add3A_582 = arith.addf %add3A_534, %get3A_581 : vector<16xf32>
        %get3A_583 = arith.index_cast %add3A_567 : i32 to index
        %get3A_584 = arith.constant 48 : index
        %get3A_585 = tpu.vector_load %arg6[%get3A_583, %get3A_584] {strides = array<i32>} : memref<200x128xf32, #tpu.memory_space<vmem>>, vector<1x16xf32>,
        %get3A_586 = vector.shape_cast %get3A_585 : vector<1x16xf32> to vector<16xf32>
        %add3A_587 = arith.addf %add3A_539, %get3A_586 : vector<16xf32>
        %mul3A_588 = arith.constant 8 : i32
        %mul3A_589 = arith.muli %scan3A_436, %mul3A_588 : i32
        %add3A_590 = arith.constant 6 : i32
        %add3A_591 = arith.addi %mul3A_589, %add3A_590 : i32
        %get3A_592 = arith.index_cast %add3A_591 : i32 to index
        %get3A_593 = arith.constant 0 : index
        %get3A_594 = tpu.vector_load %arg6[%get3A_592, %get3A_593] {strides = array<i32>} : memref<200x128xf32, #tpu.memory_space<vmem>>, vector<1x16xf32>,
        %get3A_595 = vector.shape_cast %get3A_594 : vector<1x16xf32> to vector<16xf32>
        %add3A_596 = arith.addf %add3A_548, %get3A_595 : vector<16xf32>
        %get3A_597 = arith.index_cast %add3A_591 : i32 to index
        %get3A_598 = arith.constant 16 : index
        %get3A_599 = tpu.vector_load %arg6[%get3A_597, %get3A_598] {strides = array<i32>} : memref<200x128xf32, #tpu.memory_space<vmem>>, vector<1x16xf32>,
        %get3A_600 = vector.shape_cast %get3A_599 : vector<1x16xf32> to vector<16xf32>
        %add3A_601 = arith.addf %add3A_553, %get3A_600 : vector<16xf32>
        %get3A_602 = arith.index_cast %add3A_591 : i32 to index
        %get3A_603 = arith.constant 32 : index
        %get3A_604 = tpu.vector_load %arg6[%get3A_602, %get3A_603] {strides = array<i32>} : memref<200x128xf32, #tpu.memory_space<vmem>>, vector<1x16xf32>,
        %get3A_605 = vector.shape_cast %get3A_604 : vector<1x16xf32> to vector<16xf32>
        %add3A_606 = arith.addf %add3A_558, %get3A_605 : vector<16xf32>
        %get3A_607 = arith.index_cast %add3A_591 : i32 to index
        %get3A_608 = arith.constant 48 : index
        %get3A_609 = tpu.vector_load %arg6[%get3A_607, %get3A_608] {strides = array<i32>} : memref<200x128xf32, #tpu.memory_space<vmem>>, vector<1x16xf32>,
        %get3A_610 = vector.shape_cast %get3A_609 : vector<1x16xf32> to vector<16xf32>
        %add3A_611 = arith.addf %add3A_563, %get3A_610 : vector<16xf32>
        %mul3A_612 = arith.constant 8 : i32
        %mul3A_613 = arith.muli %scan3A_436, %mul3A_612 : i32
        %add3A_614 = arith.constant 7 : i32
        %add3A_615 = arith.addi %mul3A_613, %add3A_614 : i32
        %get3A_616 = arith.index_cast %add3A_615 : i32 to index
        %get3A_617 = arith.constant 0 : index
        %get3A_618 = tpu.vector_load %arg6[%get3A_616, %get3A_617] {strides = array<i32>} : memref<200x128xf32, #tpu.memory_space<vmem>>, vector<1x16xf32>,
        %get3A_619 = vector.shape_cast %get3A_618 : vector<1x16xf32> to vector<16xf32>
        %add3A_620 = arith.addf %add3A_572, %get3A_619 : vector<16xf32>
        %get3A_621 = arith.index_cast %add3A_615 : i32 to index
        %get3A_622 = arith.constant 16 : index
        %get3A_623 = tpu.vector_load %arg6[%get3A_621, %get3A_622] {strides = array<i32>} : memref<200x128xf32, #tpu.memory_space<vmem>>, vector<1x16xf32>,
        %get3A_624 = vector.shape_cast %get3A_623 : vector<1x16xf32> to vector<16xf32>
        %add3A_625 = arith.addf %add3A_577, %get3A_624 : vector<16xf32>
        %get3A_626 = arith.index_cast %add3A_615 : i32 to index
        %get3A_627 = arith.constant 32 : index
        %get3A_628 = tpu.vector_load %arg6[%get3A_626, %get3A_627] {strides = array<i32>} : memref<200x128xf32, #tpu.memory_space<vmem>>, vector<1x16xf32>,
        %get3A_629 = vector.shape_cast %get3A_628 : vector<1x16xf32> to vector<16xf32>
        %add3A_630 = arith.addf %add3A_582, %get3A_629 : vector<16xf32>
        %get3A_631 = arith.index_cast %add3A_615 : i32 to index
        %get3A_632 = arith.constant 48 : index
        %get3A_633 = tpu.vector_load %arg6[%get3A_631, %get3A_632] {strides = array<i32>} : memref<200x128xf32, #tpu.memory_space<vmem>>, vector<1x16xf32>,
        %get3A_634 = vector.shape_cast %get3A_633 : vector<1x16xf32> to vector<16xf32>
        %add3A_635 = arith.addf %add3A_587, %get3A_634 : vector<16xf32>
        scf.yield %add3A_596, %add3A_601, %add3A_606, %add3A_611, %add3A_620, %add3A_625, %add3A_630, %add3A_635 : vector<16xf32>, vector<16xf32>, vector<16xf32>, vector<16xf32>, vector<16xf32>, vector<16xf32>, vector<16xf32>, vector<16xf32>
      }
      %scan3A_351 = arith.constant 25 : i32
      %add3A_352 = arith.addf %scan3A_350#0, %scan3A_350#4 : vector<16xf32>
      %mul3A_353 = vector.broadcast %scan3A_21 : f32 to vector<16xf32>
      %mul3A_354 = arith.mulf %add3A_352, %mul3A_353 : vector<16xf32>
      %swap3A_355 = arith.constant 384 : index
      %swap3A_356 = tpu.vector_load %arg8[%swap3A_355] {strides = array<i32>} : memref<512xf32, #tpu.memory_space<vmem>>, vector<16xf32>,
      %swap3A_357 = vector.shape_cast %swap3A_356 : vector<16xf32> to vector<16xf32>
      %swap3A_358 = vector.shape_cast %mul3A_354 : vector<16xf32> to vector<16xf32>
      tpu.vector_store %arg8[%swap3A_355], %swap3A_358 {strides = array<i32>} : memref<512xf32, #tpu.memory_space<vmem>>, vector<16xf32>,
      %add3A_359 = arith.addf %scan3A_350#1, %scan3A_350#5 : vector<16xf32>
      %mul3A_360 = vector.broadcast %scan3A_21 : f32 to vector<16xf32>
      %mul3A_361 = arith.mulf %add3A_359, %mul3A_360 : vector<16xf32>
      %swap3A_362 = arith.constant 400 : index
      %swap3A_363 = tpu.vector_load %arg8[%swap3A_362] {strides = array<i32>} : memref<512xf32, #tpu.memory_space<vmem>>, vector<16xf32>,
      %swap3A_364 = vector.shape_cast %swap3A_363 : vector<16xf32> to vector<16xf32>
      %swap3A_365 = vector.shape_cast %mul3A_361 : vector<16xf32> to vector<16xf32>
      tpu.vector_store %arg8[%swap3A_362], %swap3A_365 {strides = array<i32>} : memref<512xf32, #tpu.memory_space<vmem>>, vector<16xf32>,
      %add3A_366 = arith.addf %scan3A_350#2, %scan3A_350#6 : vector<16xf32>
      %mul3A_367 = vector.broadcast %scan3A_21 : f32 to vector<16xf32>
      %mul3A_368 = arith.mulf %add3A_366, %mul3A_367 : vector<16xf32>
      %swap3A_369 = arith.constant 416 : index
      %swap3A_370 = tpu.vector_load %arg8[%swap3A_369] {strides = array<i32>} : memref<512xf32, #tpu.memory_space<vmem>>, vector<16xf32>,
      %swap3A_371 = vector.shape_cast %swap3A_370 : vector<16xf32> to vector<16xf32>
      %swap3A_372 = vector.shape_cast %mul3A_368 : vector<16xf32> to vector<16xf32>
      tpu.vector_store %arg8[%swap3A_369], %swap3A_372 {strides = array<i32>} : memref<512xf32, #tpu.memory_space<vmem>>, vector<16xf32>,
      %add3A_373 = arith.addf %scan3A_350#3, %scan3A_350#7 : vector<16xf32>
      %mul3A_374 = vector.broadcast %scan3A_21 : f32 to vector<16xf32>
      %mul3A_375 = arith.mulf %add3A_373, %mul3A_374 : vector<16xf32>
      %swap3A_376 = arith.constant 432 : index
      %swap3A_377 = tpu.vector_load %arg8[%swap3A_376] {strides = array<i32>} : memref<512xf32, #tpu.memory_space<vmem>>, vector<16xf32>,
      %swap3A_378 = vector.shape_cast %swap3A_377 : vector<16xf32> to vector<16xf32>
      %swap3A_379 = vector.shape_cast %mul3A_375 : vector<16xf32> to vector<16xf32>
      tpu.vector_store %arg8[%swap3A_376], %swap3A_379 {strides = array<i32>} : memref<512xf32, #tpu.memory_space<vmem>>, vector<16xf32>,
      %mul3A_380 = arith.constant 8 : i32
      %mul3A_381 = arith.muli %scan3A_27, %mul3A_380 : i32
      %add3A_382 = arith.constant 7 : i32
      %add3A_383 = arith.addi %mul3A_381, %add3A_382 : i32
      %add3A_384 = arith.constant 1 : i32
      %add3A_385 = arith.addi %add3A_383, %add3A_384 : i32
      %lt3A_386 = arith.constant 128 : i32
      %lt3A_387 = arith.cmpi slt, %add3A_385, %lt3A_386 : i32
      %convert_element_type3A_388 = arith.extui %lt3A_387 : i1 to i32
      %cond3A_389 = arith.constant 0 : i32
      %cond3A_390 = arith.cmpi ne, %convert_element_type3A_388, %cond3A_389 : i32
      scf.if %cond3A_390 {
        %mul3A_436 = arith.constant 200 : i32
        %mul3A_437 = arith.muli %add3A_385, %mul3A_436 : i32
        %dma_start3A_438 = arith.constant 0 : i32
        %dma_start3A_439 = arith.constant 0 : i32
        %dma_start3A_440 = tpu.memref_slice %arg6[%dma_start3A_438, %dma_start3A_439] : memref<200x128xf32, #tpu.memory_space<vmem>> -> memref<128x128xf32, #tpu.memory_space<vmem>>
        %dma_start3A_441 = tpu.memref_slice %arg5[%mul3A_437] : memref<25600xi32, #tpu.memory_space<vmem>> -> memref<128xi32, #tpu.memory_space<vmem>>
        %dma_start3A_442 = arith.constant 0 : i32
        %dma_start3A_443 = arith.constant 0 : i32
        %dma_start3A_444 = tpu.memref_slice %arg3[%dma_start3A_442, %dma_start3A_443] : memref<1000000x128xf32, #tpu.memory_space<hbm>> -> memref<1000000x128xf32, #tpu.memory_space<hbm>>
        tpu.enqueue_indirect_dma source(%dma_start3A_444 : memref<1000000x128xf32, #tpu.memory_space<hbm>>) target(%dma_start3A_440 : memref<128x128xf32, #tpu.memory_space<vmem>>) offsets(%dma_start3A_441 : memref<128xi32, #tpu.memory_space<vmem>>) semaphore(%arg9 : memref<!tpu.dma_semaphore, #tpu.memory_space<semaphore_mem>>)
        %mul3A_445 = arith.constant 200 : i32
        %mul3A_446 = arith.muli %add3A_385, %mul3A_445 : i32
        %add3A_447 = arith.constant 128 : i32
        %add3A_448 = arith.addi %mul3A_446, %add3A_447 : i32
        %dma_start3A_449 = arith.constant 128 : i32
        %dma_start3A_450 = arith.constant 0 : i32
        %dma_start3A_451 = tpu.memref_slice %arg6[%dma_start3A_449, %dma_start3A_450] : memref<200x128xf32, #tpu.memory_space<vmem>> -> memref<72x128xf32, #tpu.memory_space<vmem>>
        %dma_start3A_452 = tpu.memref_slice %arg5[%add3A_448] : memref<25600xi32, #tpu.memory_space<vmem>> -> memref<72xi32, #tpu.memory_space<vmem>>
        %dma_start3A_453 = arith.constant 0 : i32
        %dma_start3A_454 = arith.constant 0 : i32
        %dma_start3A_455 = tpu.memref_slice %arg3[%dma_start3A_453, %dma_start3A_454] : memref<1000000x128xf32, #tpu.memory_space<hbm>> -> memref<1000000x128xf32, #tpu.memory_space<hbm>>
        tpu.enqueue_indirect_dma source(%dma_start3A_455 : memref<1000000x128xf32, #tpu.memory_space<hbm>>) target(%dma_start3A_451 : memref<72x128xf32, #tpu.memory_space<vmem>>) offsets(%dma_start3A_452 : memref<72xi32, #tpu.memory_space<vmem>>) semaphore(%arg9 : memref<!tpu.dma_semaphore, #tpu.memory_space<semaphore_mem>>)
      } else {
      }
      %dma_wait3A_391 = arith.constant 0 : i32
      %dma_wait3A_392 = arith.constant 0 : i32
      %dma_wait3A_393 = tpu.memref_slice %arg3[%dma_wait3A_391, %dma_wait3A_392] : memref<1000000x128xf32, #tpu.memory_space<hbm>> -> memref<200x128xf32, #tpu.memory_space<hbm>>
      %dma_wait3A_394 = arith.constant 0 : i32
      %dma_wait3A_395 = arith.constant 0 : i32
      %dma_wait3A_396 = tpu.memref_slice %arg3[%dma_wait3A_394, %dma_wait3A_395] : memref<1000000x128xf32, #tpu.memory_space<hbm>> -> memref<200x128xf32, #tpu.memory_space<hbm>>
      tpu.wait_dma2 semaphore(%arg10 : memref<!tpu.dma_semaphore, #tpu.memory_space<semaphore_mem>>) src(%dma_wait3A_396 : memref<200x128xf32, #tpu.memory_space<hbm>>) dst(%arg7 : memref<200x128xf32, #tpu.memory_space<vmem>>)
      %scan3A_397 = arith.constant 0 : i32
      %scan3A_398 = arith.constant 25 : i32
      %scan3A_399 = arith.addi %scan3A_397, %scan3A_398 : i32
      %scan3A_400 = arith.constant 1 : i32
      %scan3A_401:8 = scf.for %scan3A_436 = %scan3A_397 to %scan3A_399 step %scan3A_400 iter_args(%scan3A_437 = %broadcast_in_dim3A_5, %scan3A_438 = %broadcast_in_dim3A_5, %scan3A_439 = %broadcast_in_dim3A_5, %scan3A_440 = %broadcast_in_dim3A_5, %scan3A_441 = %broadcast_in_dim3A_5, %scan3A_442 = %broadcast_in_dim3A_5, %scan3A_443 = %broadcast_in_dim3A_5, %scan3A_444 = %broadcast_in_dim3A_5) -> (vector<16xf32>, vector<16xf32>, vector<16xf32>, vector<16xf32>, vector<16xf32>, vector<16xf32>, vector<16xf32>, vector<16xf32>)  : i32 {
        %mul3A_445 = arith.constant 8 : i32
        %mul3A_446 = arith.muli %scan3A_436, %mul3A_445 : i32
        %add3A_447 = arith.constant 0 : i32
        %add3A_448 = arith.addi %mul3A_446, %add3A_447 : i32
        %get3A = arith.index_cast %add3A_448 : i32 to index
        %get3A_449 = arith.constant 0 : index
        %get3A_450 = tpu.vector_load %arg7[%get3A, %get3A_449] {strides = array<i32>} : memref<200x128xf32, #tpu.memory_space<vmem>>, vector<1x16xf32>,
        %get3A_451 = vector.shape_cast %get3A_450 : vector<1x16xf32> to vector<16xf32>
        %add3A_452 = arith.addf %scan3A_437, %get3A_451 : vector<16xf32>
        %get3A_453 = arith.index_cast %add3A_448 : i32 to index
        %get3A_454 = arith.constant 16 : index
        %get3A_455 = tpu.vector_load %arg7[%get3A_453, %get3A_454] {strides = array<i32>} : memref<200x128xf32, #tpu.memory_space<vmem>>, vector<1x16xf32>,
        %get3A_456 = vector.shape_cast %get3A_455 : vector<1x16xf32> to vector<16xf32>
        %add3A_457 = arith.addf %scan3A_438, %get3A_456 : vector<16xf32>
        %get3A_458 = arith.index_cast %add3A_448 : i32 to index
        %get3A_459 = arith.constant 32 : index
        %get3A_460 = tpu.vector_load %arg7[%get3A_458, %get3A_459] {strides = array<i32>} : memref<200x128xf32, #tpu.memory_space<vmem>>, vector<1x16xf32>,
        %get3A_461 = vector.shape_cast %get3A_460 : vector<1x16xf32> to vector<16xf32>
        %add3A_462 = arith.addf %scan3A_439, %get3A_461 : vector<16xf32>
        %get3A_463 = arith.index_cast %add3A_448 : i32 to index
        %get3A_464 = arith.constant 48 : index
        %get3A_465 = tpu.vector_load %arg7[%get3A_463, %get3A_464] {strides = array<i32>} : memref<200x128xf32, #tpu.memory_space<vmem>>, vector<1x16xf32>,
        %get3A_466 = vector.shape_cast %get3A_465 : vector<1x16xf32> to vector<16xf32>
        %add3A_467 = arith.addf %scan3A_440, %get3A_466 : vector<16xf32>
        %mul3A_468 = arith.constant 8 : i32
        %mul3A_469 = arith.muli %scan3A_436, %mul3A_468 : i32
        %add3A_470 = arith.constant 1 : i32
        %add3A_471 = arith.addi %mul3A_469, %add3A_470 : i32
        %get3A_472 = arith.index_cast %add3A_471 : i32 to index
        %get3A_473 = arith.constant 0 : index
        %get3A_474 = tpu.vector_load %arg7[%get3A_472, %get3A_473] {strides = array<i32>} : memref<200x128xf32, #tpu.memory_space<vmem>>, vector<1x16xf32>,
        %get3A_475 = vector.shape_cast %get3A_474 : vector<1x16xf32> to vector<16xf32>
        %add3A_476 = arith.addf %scan3A_441, %get3A_475 : vector<16xf32>
        %get3A_477 = arith.index_cast %add3A_471 : i32 to index
        %get3A_478 = arith.constant 16 : index
        %get3A_479 = tpu.vector_load %arg7[%get3A_477, %get3A_478] {strides = array<i32>} : memref<200x128xf32, #tpu.memory_space<vmem>>, vector<1x16xf32>,
        %get3A_480 = vector.shape_cast %get3A_479 : vector<1x16xf32> to vector<16xf32>
        %add3A_481 = arith.addf %scan3A_442, %get3A_480 : vector<16xf32>
        %get3A_482 = arith.index_cast %add3A_471 : i32 to index
        %get3A_483 = arith.constant 32 : index
        %get3A_484 = tpu.vector_load %arg7[%get3A_482, %get3A_483] {strides = array<i32>} : memref<200x128xf32, #tpu.memory_space<vmem>>, vector<1x16xf32>,
        %get3A_485 = vector.shape_cast %get3A_484 : vector<1x16xf32> to vector<16xf32>
        %add3A_486 = arith.addf %scan3A_443, %get3A_485 : vector<16xf32>
        %get3A_487 = arith.index_cast %add3A_471 : i32 to index
        %get3A_488 = arith.constant 48 : index
        %get3A_489 = tpu.vector_load %arg7[%get3A_487, %get3A_488] {strides = array<i32>} : memref<200x128xf32, #tpu.memory_space<vmem>>, vector<1x16xf32>,
        %get3A_490 = vector.shape_cast %get3A_489 : vector<1x16xf32> to vector<16xf32>
        %add3A_491 = arith.addf %scan3A_444, %get3A_490 : vector<16xf32>
        %mul3A_492 = arith.constant 8 : i32
        %mul3A_493 = arith.muli %scan3A_436, %mul3A_492 : i32
        %add3A_494 = arith.constant 2 : i32
        %add3A_495 = arith.addi %mul3A_493, %add3A_494 : i32
        %get3A_496 = arith.index_cast %add3A_495 : i32 to index
        %get3A_497 = arith.constant 0 : index
        %get3A_498 = tpu.vector_load %arg7[%get3A_496, %get3A_497] {strides = array<i32>} : memref<200x128xf32, #tpu.memory_space<vmem>>, vector<1x16xf32>,
        %get3A_499 = vector.shape_cast %get3A_498 : vector<1x16xf32> to vector<16xf32>
        %add3A_500 = arith.addf %add3A_452, %get3A_499 : vector<16xf32>
        %get3A_501 = arith.index_cast %add3A_495 : i32 to index
        %get3A_502 = arith.constant 16 : index
        %get3A_503 = tpu.vector_load %arg7[%get3A_501, %get3A_502] {strides = array<i32>} : memref<200x128xf32, #tpu.memory_space<vmem>>, vector<1x16xf32>,
        %get3A_504 = vector.shape_cast %get3A_503 : vector<1x16xf32> to vector<16xf32>
        %add3A_505 = arith.addf %add3A_457, %get3A_504 : vector<16xf32>
        %get3A_506 = arith.index_cast %add3A_495 : i32 to index
        %get3A_507 = arith.constant 32 : index
        %get3A_508 = tpu.vector_load %arg7[%get3A_506, %get3A_507] {strides = array<i32>} : memref<200x128xf32, #tpu.memory_space<vmem>>, vector<1x16xf32>,
        %get3A_509 = vector.shape_cast %get3A_508 : vector<1x16xf32> to vector<16xf32>
        %add3A_510 = arith.addf %add3A_462, %get3A_509 : vector<16xf32>
        %get3A_511 = arith.index_cast %add3A_495 : i32 to index
        %get3A_512 = arith.constant 48 : index
        %get3A_513 = tpu.vector_load %arg7[%get3A_511, %get3A_512] {strides = array<i32>} : memref<200x128xf32, #tpu.memory_space<vmem>>, vector<1x16xf32>,
        %get3A_514 = vector.shape_cast %get3A_513 : vector<1x16xf32> to vector<16xf32>
        %add3A_515 = arith.addf %add3A_467, %get3A_514 : vector<16xf32>
        %mul3A_516 = arith.constant 8 : i32
        %mul3A_517 = arith.muli %scan3A_436, %mul3A_516 : i32
        %add3A_518 = arith.constant 3 : i32
        %add3A_519 = arith.addi %mul3A_517, %add3A_518 : i32
        %get3A_520 = arith.index_cast %add3A_519 : i32 to index
        %get3A_521 = arith.constant 0 : index
        %get3A_522 = tpu.vector_load %arg7[%get3A_520, %get3A_521] {strides = array<i32>} : memref<200x128xf32, #tpu.memory_space<vmem>>, vector<1x16xf32>,
        %get3A_523 = vector.shape_cast %get3A_522 : vector<1x16xf32> to vector<16xf32>
        %add3A_524 = arith.addf %add3A_476, %get3A_523 : vector<16xf32>
        %get3A_525 = arith.index_cast %add3A_519 : i32 to index
        %get3A_526 = arith.constant 16 : index
        %get3A_527 = tpu.vector_load %arg7[%get3A_525, %get3A_526] {strides = array<i32>} : memref<200x128xf32, #tpu.memory_space<vmem>>, vector<1x16xf32>,
        %get3A_528 = vector.shape_cast %get3A_527 : vector<1x16xf32> to vector<16xf32>
        %add3A_529 = arith.addf %add3A_481, %get3A_528 : vector<16xf32>
        %get3A_530 = arith.index_cast %add3A_519 : i32 to index
        %get3A_531 = arith.constant 32 : index
        %get3A_532 = tpu.vector_load %arg7[%get3A_530, %get3A_531] {strides = array<i32>} : memref<200x128xf32, #tpu.memory_space<vmem>>, vector<1x16xf32>,
        %get3A_533 = vector.shape_cast %get3A_532 : vector<1x16xf32> to vector<16xf32>
        %add3A_534 = arith.addf %add3A_486, %get3A_533 : vector<16xf32>
        %get3A_535 = arith.index_cast %add3A_519 : i32 to index
        %get3A_536 = arith.constant 48 : index
        %get3A_537 = tpu.vector_load %arg7[%get3A_535, %get3A_536] {strides = array<i32>} : memref<200x128xf32, #tpu.memory_space<vmem>>, vector<1x16xf32>,
        %get3A_538 = vector.shape_cast %get3A_537 : vector<1x16xf32> to vector<16xf32>
        %add3A_539 = arith.addf %add3A_491, %get3A_538 : vector<16xf32>
        %mul3A_540 = arith.constant 8 : i32
        %mul3A_541 = arith.muli %scan3A_436, %mul3A_540 : i32
        %add3A_542 = arith.constant 4 : i32
        %add3A_543 = arith.addi %mul3A_541, %add3A_542 : i32
        %get3A_544 = arith.index_cast %add3A_543 : i32 to index
        %get3A_545 = arith.constant 0 : index
        %get3A_546 = tpu.vector_load %arg7[%get3A_544, %get3A_545] {strides = array<i32>} : memref<200x128xf32, #tpu.memory_space<vmem>>, vector<1x16xf32>,
        %get3A_547 = vector.shape_cast %get3A_546 : vector<1x16xf32> to vector<16xf32>
        %add3A_548 = arith.addf %add3A_500, %get3A_547 : vector<16xf32>
        %get3A_549 = arith.index_cast %add3A_543 : i32 to index
        %get3A_550 = arith.constant 16 : index
        %get3A_551 = tpu.vector_load %arg7[%get3A_549, %get3A_550] {strides = array<i32>} : memref<200x128xf32, #tpu.memory_space<vmem>>, vector<1x16xf32>,
        %get3A_552 = vector.shape_cast %get3A_551 : vector<1x16xf32> to vector<16xf32>
        %add3A_553 = arith.addf %add3A_505, %get3A_552 : vector<16xf32>
        %get3A_554 = arith.index_cast %add3A_543 : i32 to index
        %get3A_555 = arith.constant 32 : index
        %get3A_556 = tpu.vector_load %arg7[%get3A_554, %get3A_555] {strides = array<i32>} : memref<200x128xf32, #tpu.memory_space<vmem>>, vector<1x16xf32>,
        %get3A_557 = vector.shape_cast %get3A_556 : vector<1x16xf32> to vector<16xf32>
        %add3A_558 = arith.addf %add3A_510, %get3A_557 : vector<16xf32>
        %get3A_559 = arith.index_cast %add3A_543 : i32 to index
        %get3A_560 = arith.constant 48 : index
        %get3A_561 = tpu.vector_load %arg7[%get3A_559, %get3A_560] {strides = array<i32>} : memref<200x128xf32, #tpu.memory_space<vmem>>, vector<1x16xf32>,
        %get3A_562 = vector.shape_cast %get3A_561 : vector<1x16xf32> to vector<16xf32>
        %add3A_563 = arith.addf %add3A_515, %get3A_562 : vector<16xf32>
        %mul3A_564 = arith.constant 8 : i32
        %mul3A_565 = arith.muli %scan3A_436, %mul3A_564 : i32
        %add3A_566 = arith.constant 5 : i32
        %add3A_567 = arith.addi %mul3A_565, %add3A_566 : i32
        %get3A_568 = arith.index_cast %add3A_567 : i32 to index
        %get3A_569 = arith.constant 0 : index
        %get3A_570 = tpu.vector_load %arg7[%get3A_568, %get3A_569] {strides = array<i32>} : memref<200x128xf32, #tpu.memory_space<vmem>>, vector<1x16xf32>,
        %get3A_571 = vector.shape_cast %get3A_570 : vector<1x16xf32> to vector<16xf32>
        %add3A_572 = arith.addf %add3A_524, %get3A_571 : vector<16xf32>
        %get3A_573 = arith.index_cast %add3A_567 : i32 to index
        %get3A_574 = arith.constant 16 : index
        %get3A_575 = tpu.vector_load %arg7[%get3A_573, %get3A_574] {strides = array<i32>} : memref<200x128xf32, #tpu.memory_space<vmem>>, vector<1x16xf32>,
        %get3A_576 = vector.shape_cast %get3A_575 : vector<1x16xf32> to vector<16xf32>
        %add3A_577 = arith.addf %add3A_529, %get3A_576 : vector<16xf32>
        %get3A_578 = arith.index_cast %add3A_567 : i32 to index
        %get3A_579 = arith.constant 32 : index
        %get3A_580 = tpu.vector_load %arg7[%get3A_578, %get3A_579] {strides = array<i32>} : memref<200x128xf32, #tpu.memory_space<vmem>>, vector<1x16xf32>,
        %get3A_581 = vector.shape_cast %get3A_580 : vector<1x16xf32> to vector<16xf32>
        %add3A_582 = arith.addf %add3A_534, %get3A_581 : vector<16xf32>
        %get3A_583 = arith.index_cast %add3A_567 : i32 to index
        %get3A_584 = arith.constant 48 : index
        %get3A_585 = tpu.vector_load %arg7[%get3A_583, %get3A_584] {strides = array<i32>} : memref<200x128xf32, #tpu.memory_space<vmem>>, vector<1x16xf32>,
        %get3A_586 = vector.shape_cast %get3A_585 : vector<1x16xf32> to vector<16xf32>
        %add3A_587 = arith.addf %add3A_539, %get3A_586 : vector<16xf32>
        %mul3A_588 = arith.constant 8 : i32
        %mul3A_589 = arith.muli %scan3A_436, %mul3A_588 : i32
        %add3A_590 = arith.constant 6 : i32
        %add3A_591 = arith.addi %mul3A_589, %add3A_590 : i32
        %get3A_592 = arith.index_cast %add3A_591 : i32 to index
        %get3A_593 = arith.constant 0 : index
        %get3A_594 = tpu.vector_load %arg7[%get3A_592, %get3A_593] {strides = array<i32>} : memref<200x128xf32, #tpu.memory_space<vmem>>, vector<1x16xf32>,
        %get3A_595 = vector.shape_cast %get3A_594 : vector<1x16xf32> to vector<16xf32>
        %add3A_596 = arith.addf %add3A_548, %get3A_595 : vector<16xf32>
        %get3A_597 = arith.index_cast %add3A_591 : i32 to index
        %get3A_598 = arith.constant 16 : index
        %get3A_599 = tpu.vector_load %arg7[%get3A_597, %get3A_598] {strides = array<i32>} : memref<200x128xf32, #tpu.memory_space<vmem>>, vector<1x16xf32>,
        %get3A_600 = vector.shape_cast %get3A_599 : vector<1x16xf32> to vector<16xf32>
        %add3A_601 = arith.addf %add3A_553, %get3A_600 : vector<16xf32>
        %get3A_602 = arith.index_cast %add3A_591 : i32 to index
        %get3A_603 = arith.constant 32 : index
        %get3A_604 = tpu.vector_load %arg7[%get3A_602, %get3A_603] {strides = array<i32>} : memref<200x128xf32, #tpu.memory_space<vmem>>, vector<1x16xf32>,
        %get3A_605 = vector.shape_cast %get3A_604 : vector<1x16xf32> to vector<16xf32>
        %add3A_606 = arith.addf %add3A_558, %get3A_605 : vector<16xf32>
        %get3A_607 = arith.index_cast %add3A_591 : i32 to index
        %get3A_608 = arith.constant 48 : index
        %get3A_609 = tpu.vector_load %arg7[%get3A_607, %get3A_608] {strides = array<i32>} : memref<200x128xf32, #tpu.memory_space<vmem>>, vector<1x16xf32>,
        %get3A_610 = vector.shape_cast %get3A_609 : vector<1x16xf32> to vector<16xf32>
        %add3A_611 = arith.addf %add3A_563, %get3A_610 : vector<16xf32>
        %mul3A_612 = arith.constant 8 : i32
        %mul3A_613 = arith.muli %scan3A_436, %mul3A_612 : i32
        %add3A_614 = arith.constant 7 : i32
        %add3A_615 = arith.addi %mul3A_613, %add3A_614 : i32
        %get3A_616 = arith.index_cast %add3A_615 : i32 to index
        %get3A_617 = arith.constant 0 : index
        %get3A_618 = tpu.vector_load %arg7[%get3A_616, %get3A_617] {strides = array<i32>} : memref<200x128xf32, #tpu.memory_space<vmem>>, vector<1x16xf32>,
        %get3A_619 = vector.shape_cast %get3A_618 : vector<1x16xf32> to vector<16xf32>
        %add3A_620 = arith.addf %add3A_572, %get3A_619 : vector<16xf32>
        %get3A_621 = arith.index_cast %add3A_615 : i32 to index
        %get3A_622 = arith.constant 16 : index
        %get3A_623 = tpu.vector_load %arg7[%get3A_621, %get3A_622] {strides = array<i32>} : memref<200x128xf32, #tpu.memory_space<vmem>>, vector<1x16xf32>,
        %get3A_624 = vector.shape_cast %get3A_623 : vector<1x16xf32> to vector<16xf32>
        %add3A_625 = arith.addf %add3A_577, %get3A_624 : vector<16xf32>
        %get3A_626 = arith.index_cast %add3A_615 : i32 to index
        %get3A_627 = arith.constant 32 : index
        %get3A_628 = tpu.vector_load %arg7[%get3A_626, %get3A_627] {strides = array<i32>} : memref<200x128xf32, #tpu.memory_space<vmem>>, vector<1x16xf32>,
        %get3A_629 = vector.shape_cast %get3A_628 : vector<1x16xf32> to vector<16xf32>
        %add3A_630 = arith.addf %add3A_582, %get3A_629 : vector<16xf32>
        %get3A_631 = arith.index_cast %add3A_615 : i32 to index
        %get3A_632 = arith.constant 48 : index
        %get3A_633 = tpu.vector_load %arg7[%get3A_631, %get3A_632] {strides = array<i32>} : memref<200x128xf32, #tpu.memory_space<vmem>>, vector<1x16xf32>,
        %get3A_634 = vector.shape_cast %get3A_633 : vector<1x16xf32> to vector<16xf32>
        %add3A_635 = arith.addf %add3A_587, %get3A_634 : vector<16xf32>
        scf.yield %add3A_596, %add3A_601, %add3A_606, %add3A_611, %add3A_620, %add3A_625, %add3A_630, %add3A_635 : vector<16xf32>, vector<16xf32>, vector<16xf32>, vector<16xf32>, vector<16xf32>, vector<16xf32>, vector<16xf32>, vector<16xf32>
      }
      %scan3A_402 = arith.constant 25 : i32
      %add3A_403 = arith.addf %scan3A_401#0, %scan3A_401#4 : vector<16xf32>
      %mul3A_404 = vector.broadcast %scan3A_21 : f32 to vector<16xf32>
      %mul3A_405 = arith.mulf %add3A_403, %mul3A_404 : vector<16xf32>
      %swap3A_406 = arith.constant 448 : index
      %swap3A_407 = tpu.vector_load %arg8[%swap3A_406] {strides = array<i32>} : memref<512xf32, #tpu.memory_space<vmem>>, vector<16xf32>,
      %swap3A_408 = vector.shape_cast %swap3A_407 : vector<16xf32> to vector<16xf32>
      %swap3A_409 = vector.shape_cast %mul3A_405 : vector<16xf32> to vector<16xf32>
      tpu.vector_store %arg8[%swap3A_406], %swap3A_409 {strides = array<i32>} : memref<512xf32, #tpu.memory_space<vmem>>, vector<16xf32>,
      %add3A_410 = arith.addf %scan3A_401#1, %scan3A_401#5 : vector<16xf32>
      %mul3A_411 = vector.broadcast %scan3A_21 : f32 to vector<16xf32>
      %mul3A_412 = arith.mulf %add3A_410, %mul3A_411 : vector<16xf32>
      %swap3A_413 = arith.constant 464 : index
      %swap3A_414 = tpu.vector_load %arg8[%swap3A_413] {strides = array<i32>} : memref<512xf32, #tpu.memory_space<vmem>>, vector<16xf32>,
      %swap3A_415 = vector.shape_cast %swap3A_414 : vector<16xf32> to vector<16xf32>
      %swap3A_416 = vector.shape_cast %mul3A_412 : vector<16xf32> to vector<16xf32>
      tpu.vector_store %arg8[%swap3A_413], %swap3A_416 {strides = array<i32>} : memref<512xf32, #tpu.memory_space<vmem>>, vector<16xf32>,
      %add3A_417 = arith.addf %scan3A_401#2, %scan3A_401#6 : vector<16xf32>
      %mul3A_418 = vector.broadcast %scan3A_21 : f32 to vector<16xf32>
      %mul3A_419 = arith.mulf %add3A_417, %mul3A_418 : vector<16xf32>
      %swap3A_420 = arith.constant 480 : index
      %swap3A_421 = tpu.vector_load %arg8[%swap3A_420] {strides = array<i32>} : memref<512xf32, #tpu.memory_space<vmem>>, vector<16xf32>,
      %swap3A_422 = vector.shape_cast %swap3A_421 : vector<16xf32> to vector<16xf32>
      %swap3A_423 = vector.shape_cast %mul3A_419 : vector<16xf32> to vector<16xf32>
      tpu.vector_store %arg8[%swap3A_420], %swap3A_423 {strides = array<i32>} : memref<512xf32, #tpu.memory_space<vmem>>, vector<16xf32>,
      %add3A_424 = arith.addf %scan3A_401#3, %scan3A_401#7 : vector<16xf32>
      %mul3A_425 = vector.broadcast %scan3A_21 : f32 to vector<16xf32>
      %mul3A_426 = arith.mulf %add3A_424, %mul3A_425 : vector<16xf32>
      %swap3A_427 = arith.constant 496 : index
      %swap3A_428 = tpu.vector_load %arg8[%swap3A_427] {strides = array<i32>} : memref<512xf32, #tpu.memory_space<vmem>>, vector<16xf32>,
      %swap3A_429 = vector.shape_cast %swap3A_428 : vector<16xf32> to vector<16xf32>
      %swap3A_430 = vector.shape_cast %mul3A_426 : vector<16xf32> to vector<16xf32>
      tpu.vector_store %arg8[%swap3A_427], %swap3A_430 {strides = array<i32>} : memref<512xf32, #tpu.memory_space<vmem>>, vector<16xf32>,
      %mul3A_431 = arith.constant 8 : i32
      %mul3A_432 = arith.muli %scan3A_27, %mul3A_431 : i32
      %add3A_433 = arith.addi %mul3A_2, %mul3A_432 : i32
      %mul3A_434 = arith.constant 64 : i32
      %mul3A_435 = arith.muli %add3A_433, %mul3A_434 : i32
      "tpu.region"() ({
        %run_scoped3A = tpu.sem_alloc : memref<!tpu.dma_semaphore, #tpu.memory_space<semaphore_mem>>
        %dma_start3A_436 = tpu.memref_slice %arg4[%mul3A_435] : memref<262144xf32, #tpu.memory_space<hbm>> -> memref<512xf32, #tpu.memory_space<hbm>>
        %dma_start3A_437 = tpu.memref_slice %arg4[%mul3A_435] : memref<262144xf32, #tpu.memory_space<hbm>> -> memref<512xf32, #tpu.memory_space<hbm>>
        tpu.enqueue_dma source(%arg8 : memref<512xf32, #tpu.memory_space<vmem>>) target(%dma_start3A_437 : memref<512xf32, #tpu.memory_space<hbm>>) target_semaphore(%run_scoped3A : memref<!tpu.dma_semaphore, #tpu.memory_space<semaphore_mem>>)
        %dma_wait3A_438 = tpu.memref_slice %arg4[%mul3A_435] : memref<262144xf32, #tpu.memory_space<hbm>> -> memref<512xf32, #tpu.memory_space<hbm>>
        %dma_wait3A_439 = tpu.memref_slice %arg4[%mul3A_435] : memref<262144xf32, #tpu.memory_space<hbm>> -> memref<512xf32, #tpu.memory_space<hbm>>
        tpu.wait_dma2 semaphore(%run_scoped3A : memref<!tpu.dma_semaphore, #tpu.memory_space<semaphore_mem>>) src(%arg8 : memref<512xf32, #tpu.memory_space<vmem>>) dst(%dma_wait3A_439 : memref<512xf32, #tpu.memory_space<hbm>>)
        tpu.yield
      }) : () -> ()
    }
    %scan3A_26 = arith.constant 16 : i32
    return
  }
}

module attributes {stable_mosaic.version = 14 : i64} {
  func.func @body(%arg0: i32, %arg1: memref<64x2048xf32, #tpu.memory_space<vmem>>, %arg2: memref<2048x128xf32, #tpu.memory_space<vmem>>) attributes {dimension_semantics = [#tpu.dimension_semantics<arbitrary>], iteration_bounds = array<i64: 489>, scalar_prefetch = 0 : i64, scratch_operands = 0 : i64, tpu.core_type = #tpu.core_type<tc>, window_params = [{transform_indices = @transform_0, window_bounds = array<i64: 64, 2048>}, {transform_indices = @transform_1, window_bounds = array<i64: 2048, 128>}]} {
    %get3A = arith.constant 0 : index
    %get3A_0 = arith.constant 0 : index
    %get3A_1 = vector.load %arg1[%get3A, %get3A_0] : memref<64x2048xf32, #tpu.memory_space<vmem>>, vector<64x2048xf32>
    %transpose3A = tpu.transpose %get3A_1, [1, 0] : vector<64x2048xf32> -> vector<2048x64xf32>
    %swap3A = arith.constant 0 : index
    %swap3A_2 = arith.constant 0 : index
    %swap3A_3 = vector.load %arg2[%swap3A, %swap3A_2] : memref<2048x128xf32, #tpu.memory_space<vmem>>, vector<2048x64xf32>
    tpu.vector_store %arg2[%swap3A, %swap3A_2], %transpose3A {strides = array<i32>} : memref<2048x128xf32, #tpu.memory_space<vmem>>, vector<2048x64xf32>,
    %broadcast_in_dim3A = arith.constant 0.000000e+00 : f32
    %broadcast_in_dim3A_4 = vector.broadcast %broadcast_in_dim3A : f32 to vector<2048x64xf32>
    %swap3A_5 = arith.constant 0 : index
    %swap3A_6 = arith.constant 64 : index
    %swap3A_7 = vector.load %arg2[%swap3A_5, %swap3A_6] : memref<2048x128xf32, #tpu.memory_space<vmem>>, vector<2048x64xf32>
    tpu.vector_store %arg2[%swap3A_5, %swap3A_6], %broadcast_in_dim3A_4 {strides = array<i32>} : memref<2048x128xf32, #tpu.memory_space<vmem>>, vector<2048x64xf32>,
    return
  }
  func.func @transform_0(%arg0: i32) -> (i32, i32) {
    %c0_i32 = arith.constant 0 : i32
    %c0_i32_0 = arith.constant 0 : i32
    return %c0_i32, %arg0 : i32, i32
  }
  func.func @transform_1(%arg0: i32) -> (i32, i32) {
    %c0_i32 = arith.constant 0 : i32
    %c0_i32_0 = arith.constant 0 : i32
    return %arg0, %c0_i32 : i32, i32
  }
}

</mosaic_0001>

<sc_bundles>
// kernel: kernel.4.cloned.1.call-start
scs
__scs_entry_jumppad:
0x0: {  	(pc) =	sbr.rel $0x88, $3  }
0x1: {  	(tag) =	ssettag $0x0;
	lr =	simm.s32 $0x1  }
0x2: {  	[smem:$0x3F9F] =	sst lr;
	_ =	strace $0xD0000000  }
0x3: {  	_ = 	snop  }
0x4: {  	_ = 	snop  }
0x5: {  	_ = 	snop  }
0x6: {  	_ = 	snop  }
0x7: {  	_ = 	snop  }
__scs_overlays_trampoline_lowered:
0x8: {  	[smem:$0x3FAE] =	sst s0  }
0x9: {  	[smem:$0x3FAF] =	sst s1  }
0xa: {  	[smem:$0x3FB0] =	sst s2  }
0xb: {  	[smem:$0x3FB1] =	sst s3  }
0xc: {  	[smem:$0x3FB2] =	sst s4  }
0xd: {  	[smem:$0x3FB3] =	sst s5  }
0xe: {  	[smem:$0x3FB4] =	sst s6  }
0xf: {  	[smem:$0x3FB5] =	sst s7  }
0x10: {  	[smem:$0x3FB6] =	sst s8  }
0x11: {  	[smem:$0x3FB7] =	sst s9;
	s0 =	simm.s32 @!p0 $0x0  }
0x12: {  	s1 =	sld [smem:$0x3F9D];
	s0 =	simm.s32 @p0 $0x1  }
0x13: {  	[smem:$0x3FB8] =	sst s0;
	s0 =	simm.s32 @!p1 $0x0  }
0x14: {  	s2 =	sld [smem:$0x3F9C];
	s0 =	simm.s32 @p1 $0x1  }
0x15: {  	[smem:$0x3FB9] =	sst s0;
	s0 =	simm.s32 @!p2 $0x0  }
0x16: {  	s3 =	sld [smem:$0x3FDB];
	s0 =	simm.s32 @p2 $0x1  }
0x17: {  	s4 =	simm.s32 $0x1BF5;
	[smem:$0x3FBB] =	sst s0  }
0x18: {  	s0 =	sld [smem:$0x3F9E];
	_ =	swait.ge [sflag:s4], $0x0  }
0x19: {  	s7 =	sld [smem:$0x3F9F]  }
0x1a: {  	s8 =	sadd.s32 $0xFFFFE003, lr  }
0x1b: {  	s9 =	sadd.s32 $0xFFFFFEF7, lr;
	s5 =	simm.s32 $0xFFFFFFFF;
	p2 =	slt.u32 s8, $0xFFFFF086  }
0x1c: {  	p1 =	slt.u32 s9, $0xF7A;
	s5 =	simm.s32 @!p2 $0x0  }
0x1d: {  	s5 =	simm.s32 @p1 $0x1;
	p0 =	seq.s32 s7, s2  }
0x1e: {  	s7 =	smul.u32 @!p0 $0xF7A, s2;
	p2 =	seq.s32 @!p0 s5, $0x0  }
0x1f: {  	s9 =	smul.u32 $0xF7A, s1;
	s8 =	simm.s32 @!p0 $0x1BF5;
	p2 =	por !p2, p0  }
0x20: {  	[sflag:s8] =	ssyncset.s32 @!p0 $0xFFFFF086;
	s6 =	sadd.s32 @!p0 s3, s7;
	s7 =	simm.s32 @!p0 $0x108  }
0x21: {  	s3 =	sadd.s32 s3, s9;
	s6 =	sadd.s32 @!p0 $0x88, s6;
	s7 =	simm.s32 @p2 $0x1082  }
0x22: {  	[simem:s7], [sflag:s8] =	dma.local @!p0 [hbm:s6], $0xF7A  }
0x23: {  	s9 =	sor.u32 $0xD0000000, s2;
	s6 =	simm.s32 $0x108;
	_ =	swait.ge @!p0 [sflag:s8], $0x0  }
0x24: {  	s3 =	sadd.s32 $0x88, s3;
	s6 =	simm.s32 @!p1 $0x1082;
	[sflag:s4] =	ssyncset.s32 $0xFFFFF086  }
0x25: {  	[simem:s6], [sflag:s4] =	dma.local [hbm:s3], $0xF7A  }
0x26: {  	[smem:$0x3F9F] =	sst s1;
	(tag) =	ssettag s2;
	_ =	strace s9  }
0x27: {  	s1 =	sld [smem:$0x3FAF]  }
0x28: {  	s2 =	sld [smem:$0x3FB0]  }
0x29: {  	s4 =	sld [smem:$0x3FB2]  }
0x2a: {  	p0 =	seq.s32 s5, $0x0;
	s5 =	sld [smem:$0x3FB3]  }
0x2b: {  	s6 =	sld [smem:$0x3FB4]  }
0x2c: {  	s7 =	sld [smem:$0x3FB5]  }
0x2d: {  	s3 =	simm.s32 $0x108;
	s8 =	sld [smem:$0x3FB6]  }
0x2e: {  	s3 =	simm.s32 @!p0 $0x1082;
	s9 =	sld [smem:$0x3FB7]  }
0x2f: {  	lr =	sadd.s32 s0, s3;
	s0 =	sld [smem:$0x3FAE]  }
0x30: {  	s3 =	sld [smem:$0x3FB1]  }
0x31: {  	[smem:$0x3FBA] =	sst s10  }
0x32: {  	s10 =	sld [smem:$0x3FB8];
	_ =	sdelay $0x3  }
0x33: {  	p0 =	seq.s32 s10, $0x1;
	s10 =	sld [smem:$0x3FBA];
	_ =	sdelay $0x3  }
0x34: {  	[smem:$0x3FBA] =	sst s10  }
0x35: {  	s10 =	sld [smem:$0x3FB9];
	_ =	sdelay $0x3  }
0x36: {  	p1 =	seq.s32 s10, $0x1;
	s10 =	sld [smem:$0x3FBA];
	_ =	sdelay $0x3  }
0x37: {  	[smem:$0x3FBA] =	sst s10  }
0x38: {  	s10 =	sld [smem:$0x3FBB]  }
0x39: {  	_ = 	snop;
	(pc) =	sbr.ind lr, $3  }
0x3a: {  	_ = 	snop  }
0x3b: {  	_ = 	snop  }
0x3c: {  	p2 =	seq.s32 s10, $0x1;
	s10 =	sld [smem:$0x3FBA]  }
0x3d: {  	_ =	shalt  }
0x3e: {  	_ =	shalt  }
0x3f: {  	_ =	shalt  }
0x40: {  	_ =	shalt  }
0x41: {  	_ =	shalt  }
0x42: {  	_ =	shalt  }
0x43: {  	_ =	shalt  }
0x44: {  	_ =	shalt  }
0x45: {  	_ =	shalt  }
0x46: {  	_ =	shalt  }
0x47: {  	_ =	shalt  }
0x48: {  	_ =	shalt  }
0x49: {  	_ =	shalt  }
0x4a: {  	_ =	shalt  }
0x4b: {  	_ =	shalt  }
0x4c: {  	_ =	shalt  }
0x4d: {  	_ =	shalt  }
0x4e: {  	_ =	shalt  }
0x4f: {  	_ =	shalt  }
0x50: {  	_ =	shalt  }
0x51: {  	_ =	shalt  }
0x52: {  	_ =	shalt  }
0x53: {  	_ =	shalt  }
0x54: {  	_ =	shalt  }
0x55: {  	_ =	shalt  }
0x56: {  	_ =	shalt  }
0x57: {  	_ =	shalt  }
0x58: {  	_ =	shalt  }
0x59: {  	_ =	shalt  }
0x5a: {  	_ =	shalt  }
0x5b: {  	_ =	shalt  }
0x5c: {  	_ =	shalt  }
0x5d: {  	_ =	shalt  }
0x5e: {  	_ =	shalt  }
0x5f: {  	_ =	shalt  }
0x60: {  	_ =	shalt  }
0x61: {  	_ =	shalt  }
0x62: {  	_ =	shalt  }
0x63: {  	_ =	shalt  }
0x64: {  	_ =	shalt  }
0x65: {  	_ =	shalt  }
0x66: {  	_ =	shalt  }
0x67: {  	_ =	shalt  }
0x68: {  	_ =	shalt  }
0x69: {  	_ =	shalt  }
0x6a: {  	_ =	shalt  }
0x6b: {  	_ =	shalt  }
0x6c: {  	_ =	shalt  }
0x6d: {  	_ =	shalt  }
0x6e: {  	_ =	shalt  }
0x6f: {  	_ =	shalt  }
0x70: {  	_ =	shalt  }
0x71: {  	_ =	shalt  }
0x72: {  	_ =	shalt  }
0x73: {  	_ =	shalt  }
0x74: {  	_ =	shalt  }
0x75: {  	_ =	shalt  }
0x76: {  	_ =	shalt  }
0x77: {  	_ =	shalt  }
0x78: {  	_ =	shalt  }
0x79: {  	_ =	shalt  }
0x7a: {  	_ =	shalt  }
0x7b: {  	_ =	shalt  }
0x7c: {  	_ =	shalt  }
0x7d: {  	_ =	shalt  }
0x7e: {  	_ =	shalt  }
0x7f: {  	_ =	shalt  }
0x80: {  	_ =	shalt  }
0x81: {  	_ =	shalt  }
0x82: {  	_ =	shalt  }
0x83: {  	_ =	shalt  }
0x84: {  	_ =	shalt  }
0x85: {  	_ =	shalt  }
0x86: {  	_ =	shalt  }
0x87: {  	_ =	shalt  }
.Lfunc_end0:
.L_simem_size_0:
called_computation_lowered:
.L_overlay_start_0:
0x88: {  	s2 =	sld [smem:$0x3FD9]  }
0x89: {  	s3 =	sld [smem:$0x3FFE];
	_ =	sdelay $0x1  }
0x8a: {  	s1 =	srdreg.scid  }
0x8b: {  	s0 =	sand.u32 $0x1, s1  }
0x8c: {  	s17 =	sshll.u32 s0, $0xA;
	s2 =	sadd.s32 s3, s2  }
0x8d: {  	s2 =	sadd.s32 s2, s17  }
0x8e: {  	[smem:$0x3FC6] =	sst s2  }
0x8f: {  	_ = 	snop  }
0x90: {  	s2 =	sld [smem:$0x3FD0];
	(tm) =	ssettm $0x1  }
0x91: {  	s18 =	sld [smem:$0x3FFB];
	_ =	sdelay $0x3  }
0x92: {  	_ =	strace s18  }
0x93: {  	s3 =	sld [smem:$0x3FFC];
	_ =	sdelay $0x3  }
0x94: {  	_ =	strace s3  }
0x95: {  	s3 =	sld [smem:$0x3FFD];
	_ =	sdelay $0x3  }
0x96: {  	_ =	strace s3  }
0x97: {  	_ =	strace $0x8FFFFFFF  }
0x98: {  	s19 =	sld [smem:$0x3FDB];
	_ =	sdelay $0x1  }
0x99: {  	s4 =	simm.s32 $_scs_section_size  }
0x9a: {  	s5 =	simm.s32 $_size__tile_overlayer_lowered;
	s6 =	simm.s32 $_tile_overlayer_lowered  }
0x9b: {  	s22 =	simm.s32 $0x1BFF;
	s21 =	sshll.u32 s6, $0x1;
	s3 =	sadd.s32 s4, s19  }
0x9c: {  	s7 =	simm.s32 $0x0;
	s20 =	sshll.u32 s5, $0x1;
	s5 =	sadd.s32 s21, s3  }
0x9d: {  	[timem:s7], [sflag:s22] =	dma.local [hbm:s5], s20  }
0x9e: {  	_ =	swait.ge [sflag:s22], s20  }
0x9f: {  	s4 =	ssub.s32 $0x0, s20;
	[sflag:s22] =	ssyncset.done $0x0  }
0xa0: {  	[sflag:s22] =	ssyncadd.s32 s4;
	_ =	sdelay $0x1  }
0xa1: {  	s23 =	simm.s32 $0x1B8B  }
0xa2: {  	_ =	swait.ge [sflag:s23], $0x1  }
0xa3: {  	[sflag:s23] =	ssyncset.done $0x0  }
0xa4: {  	s25 =	simm.s32 $0x1B8E;
	s24 =	sld [smem:$0x3FFE];
	[sflag:s23] =	ssyncadd.s32 $0xFFFFFFFF  }
0xa5: {  	s26 =	simm.s32 $execute0_lowered;
	[smem:$0x3FD2] =	sst s25  }
0xa6: {  	s5 =	sshll.u32 s26, $0x1;
	_ =	strace $0x80000046;
	[dreg:$0x1] =	wrdreg $0xFFFFFFFF  }
0xa7: {  	s28 =	simm.s32 $_size_execute0_lowered;
	s3 =	sadd.s32 s3, s5;
	[dreg:$0x0] =	wrdreg $0x0  }
0xa8: {  	s5 =	sshll.u32 s28, $0x1;
	[dreg:$0x2] =	wrdreg s3  }
0xa9: {  	[dreg:$0x3] =	wrdreg s5  }
0xaa: {  	[dreg:$0x4] =	wrdreg $0xC0  }
0xab: {  	_ =	task [dreg:s7], $0x5FFFF  }
0xac: {  	[dreg:$0x1] =	wrdreg $0xFFFFFFFF  }
0xad: {  	[dreg:$0x0] =	wrdreg $0x60  }
0xae: {  	[dreg:$0x2] =	wrdreg s24  }
0xaf: {  	[dreg:$0x3] =	wrdreg s2  }
0xb0: {  	[dreg:$0x4] =	wrdreg $0x9  }
0xb1: {  	_ =	task.clear_ibuf [dreg:s7], $0x5FFFF;
	_ =	strace $0x90000046  }
0xb2: {  	s29 =	simm.s32 $0x9;
	_ =	strace $0x80000048  }
0xb3: {  	_ =	swait.ge [sflag:s29], $0x1  }
0xb4: {  	[sflag:s29] =	ssyncadd.s32 $0xFFFFFFFF  }
0xb5: {  	_ =	strace $0x90000048  }
0xb6: {  	_ =	sfence  }
0xb7: {  	s30 =	sld [smem:$0x0];
	_ =	sdelay $0x2  }
0xb8: {  	s31 =	sshll.u32 s1, $0xD;
	s1 =	sshrl.u32 s1, $0x2  }
0xb9: {  	s3 =	sand.u32 $0x4000, s31;
	s1 =	sadd.s32 s1, s30  }
0xba: {  	s0 =	sor.u32 s3, s0;
	s1 =	sshll.u32 s1, $0x11  }
0xbb: {  	s0 =	sor.u32 s1, s0  }
0xbc: {  	s0 =	sadd.s32 $0x8F2B, s0  }
0xbd: {  	[sflag:s0] =	ssyncadd.remote.s32 $0x1  }
0xbe: {  	_ =	sfence.sel $0xFFFF  }
0xbf: {  	[dreg:$0x0] =	wrdreg $0xFFFFFFFF;
	(pc) =	sbr.abs _section_cstart, $3  }
0xc0: {  	[dreg:$0x1] =	wrdreg $0xFFFFFFFF  }
0xc1: {  	_ =	task.clear_ibuf [dreg:s7], $0x2FFFF;
	_ =	strace $0x9FFFFFFF  }
0xc2: {  	(tm) =	ssettm $0x7FFFFFFF  }
0xc3: {  	_ =	shalt  }
tec
execute0_lowered:
.L_overlay_start_1:
0x0: {  	(tag) =	ssettag $0x1  }
0x1: {  	s1 =	srdreg.scid;
	s3 =	rddreg [dreg:$0x0]  }
0x2: {  	s0 =	stileid.u32;
	s5 =	rddreg [dreg:$0x1];
	s2 =	simm.s32 $0x0  }
0x3: {  	s9 =	simm.s32 $0x6400;
	s10 =	simm.s32 $0x48;
	s11 =	simm.s32 $0xA400  }
0x4: {  	s12 =	simm.s32 $0xC800;
	s13 =	simm.s32 $0x10800;
	s14 =	simm.s32 $0x1  }
0x5: {  	s15 =	simm.s32 $0x2;
	s16 =	simm.s32 $0x12C00;
	s17 =	simm.s32 $0x0  }
0x6: {  	s4 =	sand.u32 $0x1, s1;
	s31 =	sshll.u32 s0, $0x1;
	s1 =	rddreg [dreg:$0x2]  }
0x7: {  	[smem:$0x7FF] =	sst s2;
	s6 =	sor.u32 s4, s31;
	s4 =	ssub.s32 $0x2, s4  }
0x8: {  	s7 =	smul.u32 $0xC80, s6;
	s8 =	sshrl.u32 s4, $0x1;
	s6 =	sshll.u32 s6, $0xA  }
0x9: {  	_ =	strace $0x80000047;
	s8 =	ssub.s32 s4, s8;
	s5 =	sadd.s32 s5, s6  }
0xa: {  	s7 =	sadd.s32 s7, s3;
	s3 =	sadd.s32 $0x19400, s3;
	s6 =	smax.u32 s8, $0x1  }
0xb: {  	s8 =	simm.s32 $0x80;
	s4 =	sadd.s32 $0x400, s7;
	s7 =	simm.s32 $0x3  }
.LBB2_1:
0xc: {  	[tilespmem:s2], [sflag:$0x3] =	stream.linear.gather [hbm4b:s4+s2], $0x6400, $0x38;
	[tilespmem:$0x12E00] =	vst v63  }
0xd: {  	_ =	swait.ge [sflag:s7], $0x6400  }
0xe: {  	[sflag:s7] =	ssyncset.done $0x0  }
0xf: {  	[sflag:s7] =	ssyncadd.s32 $0xFFFF9C00  }
0x10: {  	[tilespmem:s9], [sflag:$0x1] =	stream.indirect.gather [hbm4b:s3+s8], $0x80, s2, s8, $0xb8;
	[tilespmem:$0x12E00] =	vst v63  }
0x11: {  	s18 =	simm.s32 $0x0  }
0x12: {  	[tilespmem:s11], [sflag:$0x1] =	stream.indirect.gather [hbm4b:s3+s10], $0x80, s8, s10, $0xb8;
	[tilespmem:$0x12E00] =	vst v63  }
.LBB2_2:
0x13: {  	s19 =	smul.u32 $0x1900, s18;
	_ =	sdelay $0x1  }
0x14: {  	s19 =	sshra.s32 s19, $0x2  }
0x15: {  	s20 =	sadd.s32 $0xC8, s19  }
0x16: {  	[tilespmem:s12], [sflag:$0x2] =	stream.indirect.gather [hbm4b:s3+s8], $0x80, s20, s8, $0xb8;
	[tilespmem:$0x12E00] =	vst v63  }
0x17: {  	s31 =	sadd.s32 $0x148, s19  }
0x18: {  	[tilespmem:s13], [sflag:$0x2] =	stream.indirect.gather [hbm4b:s3+s10], $0x80, s31, s10, $0xb8;
	[tilespmem:$0x12E00] =	vst v63  }
0x19: {  	_ =	swait.ge [sflag:s14], $0x6400  }
0x1a: {  	[sflag:s14] =	ssyncset.done $0x0  }
0x1b: {  	s20 =	simm.s32 $0x0;
	[sflag:s14] =	ssyncadd.s32 $0xFFFF9C00  }
0x1c: {  	v3 =	vld [tilespmem:s20+$0x6700]  }
0x1d: {  	v4 =	vld [tilespmem:s20+$0x6710]  }
0x1e: {  	v5 =	vld [tilespmem:s20+$0x6720]  }
0x1f: {  	v6 =	vld [tilespmem:s20+$0x6730]  }
0x20: {  	v0 =	vld [tilespmem:s20+$0x6780]  }
0x21: {  	v1 =	vld [tilespmem:s20+$0x6790]  }
0x22: {  	v13 =	vld [tilespmem:s20+$0x6600]  }
0x23: {  	v15 =	vld [tilespmem:s20+$0x6610]  }
0x24: {  	v12 =	vld [tilespmem:s20+$0x6620]  }
0x25: {  	v14 =	vld [tilespmem:s20+$0x6630]  }
0x26: {  	v2 =	vld [tilespmem:s20+$0x6680]  }
0x27: {  	v9 =	vld [tilespmem:s20+$0x6500]  }
0x28: {  	v10 =	vld [tilespmem:s20+$0x6510]  }
0x29: {  	v11 =	vld [tilespmem:s20+$0x6400]  }
0x2a: {  	v17 =	vld [tilespmem:s20+$0x6410]  }
0x2b: {  	v18 =	vld [tilespmem:s20+$0x6420]  }
0x2c: {  	v19 =	vld [tilespmem:s20+$0x6430]  }
0x2d: {  	v20 =	vld [tilespmem:s20+$0x6520]  }
0x2e: {  	v24 =	vld [tilespmem:s20+$0x6530]  }
0x2f: {  	v8 =	vimm.f32 $0.0e+00;
	v7 =	vld [tilespmem:s20+$0x6690]  }
0x30: {  	v16 =	vld [tilespmem:s20+$0x6580];
	v11 =	vadd.f32 v11, v8;
	v22 =	vadd.f32 v17, v8  }
0x31: {  	v17 =	vld [tilespmem:s20+$0x6590];
	v23 =	vadd.f32 v18, v8;
	v25 =	vadd.f32 v19, v8  }
0x32: {  	v18 =	vld [tilespmem:s20+$0x6480];
	v21 =	vadd.f32 v9, v11;
	v22 =	vadd.f32 v10, v22  }
0x33: {  	v19 =	vld [tilespmem:s20+$0x6490];
	v23 =	vadd.f32 v20, v23;
	v24 =	vadd.f32 v24, v25  }
0x34: {  	s21 =	simm.s32 $0x1000;
	v20 =	vld [tilespmem:s20+$0x64A0];
	v11 =	vimm.f32 $0.0e+00;
	v10 =	vimm.f32 $0.0e+00;
	v9 =	vimm.f32 $0.0e+00  }
.LBB2_3:
0x35: {  	p0 =	sne.s32 s21, $0x18000;
	v25 =	vld [tilespmem:s20+$0x64B0];
	v13 =	vadd.f32 v13, v21;
	v15 =	vadd.f32 v15, v22  }
0x36: {  	v21 =	vld [tilespmem:s20+$0x65A0];
	v12 =	vadd.f32 v12, v23;
	v14 =	vadd.f32 v14, v24  }
0x37: {  	v22 =	vld [tilespmem:s20+$0x65B0];
	v23 =	vadd.f32 v3, v13;
	v24 =	vadd.f32 v4, v15  }
0x38: {  	v13 =	vld [tilespmem:s20+$0x66A0];
	v26 =	vadd.f32 v5, v12;
	v27 =	vadd.f32 v6, v14  }
0x39: {  	v3 =	vadd.f32 v18, v8;
	v4 =	vadd.f32 v19, v11;
	v6 =	vld [tilespmem:s20+$0x66B0]  }
0x3a: {  	v5 =	vadd.f32 v20, v10;
	v8 =	vadd.f32 v25, v9;
	v9 =	vld [tilespmem:s20+$0x67A0]  }
0x3b: {  	v10 =	vadd.f32 v16, v3;
	v11 =	vadd.f32 v17, v4;
	v12 =	vld [tilespmem:s20+$0x67B0];
	s20 =	sshra.s32 s21, $0x2  }
0x3c: {  	v14 =	vadd.f32 v21, v5;
	v3 =	vld [tilespmem:s20+$0x6700];
	v8 =	vadd.f32 v22, v8  }
0x3d: {  	v2 =	vadd.f32 v2, v10;
	v7 =	vadd.f32 v7, v11;
	v4 =	vld [tilespmem:s20+$0x6710]  }
0x3e: {  	v10 =	vadd.f32 v13, v14;
	v5 =	vld [tilespmem:s20+$0x6720];
	v13 =	vadd.f32 v6, v8  }
0x3f: {  	v8 =	vadd.f32 v0, v2;
	v11 =	vadd.f32 v1, v7;
	v6 =	vld [tilespmem:s20+$0x6730]  }
0x40: {  	v10 =	vadd.f32 v9, v10;
	v0 =	vld [tilespmem:s20+$0x6780];
	v9 =	vadd.f32 v12, v13  }
0x41: {  	v1 =	vld [tilespmem:s20+$0x6790]  }
0x42: {  	v13 =	vld [tilespmem:s20+$0x6600]  }
0x43: {  	v15 =	vld [tilespmem:s20+$0x6610]  }
0x44: {  	v12 =	vld [tilespmem:s20+$0x6620]  }
0x45: {  	v14 =	vld [tilespmem:s20+$0x6630]  }
0x46: {  	v2 =	vld [tilespmem:s20+$0x6680]  }
0x47: {  	v7 =	vld [tilespmem:s20+$0x6690]  }
0x48: {  	v20 =	vld [tilespmem:s20+$0x6500]  }
0x49: {  	v22 =	vld [tilespmem:s20+$0x6510]  }
0x4a: {  	v17 =	vld [tilespmem:s20+$0x6400]  }
0x4b: {  	v18 =	vld [tilespmem:s20+$0x6410]  }
0x4c: {  	v19 =	vld [tilespmem:s20+$0x6420]  }
0x4d: {  	v21 =	vld [tilespmem:s20+$0x6430]  }
0x4e: {  	v25 =	vld [tilespmem:s20+$0x6520]  }
0x4f: {  	v28 =	vld [tilespmem:s20+$0x6530]  }
.Ltmp0:
0x50: {  	v16 =	vld [tilespmem:s20+$0x6580];
	(pc) =	sbr.rel @p0 .LBB2_3-.Ltmp0, $4  }
0x51: {  	v23 =	vadd.f32 v17, v23;
	v24 =	vadd.f32 v18, v24;
	v17 =	vld [tilespmem:s20+$0x6590]  }
0x52: {  	v26 =	vadd.f32 v19, v26;
	v27 =	vadd.f32 v21, v27;
	v18 =	vld [tilespmem:s20+$0x6480]  }
0x53: {  	v21 =	vadd.f32 v20, v23;
	v22 =	vadd.f32 v22, v24;
	v19 =	vld [tilespmem:s20+$0x6490]  }
0x54: {  	s21 =	sadd.s32 $0x1000, s21;
	v23 =	vadd.f32 v25, v26;
	v20 =	vld [tilespmem:s20+$0x64A0];
	v24 =	vadd.f32 v28, v27  }
0x55: {  	v13 =	vadd.f32 v13, v21;
	v15 =	vadd.f32 v15, v22  }
0x56: {  	v21 =	vld [tilespmem:s20+$0x64B0];
	v12 =	vadd.f32 v12, v23;
	v14 =	vadd.f32 v14, v24  }
0x57: {  	v22 =	vld [tilespmem:s20+$0x65A0];
	v3 =	vadd.f32 v3, v13;
	v4 =	vadd.f32 v4, v15  }
0x58: {  	v13 =	vld [tilespmem:s20+$0x65B0];
	v8 =	vadd.f32 v18, v8;
	v5 =	vadd.f32 v5, v12  }
0x59: {  	v12 =	vld [tilespmem:s20+$0x66A0];
	v6 =	vadd.f32 v6, v14;
	v11 =	vadd.f32 v19, v11  }
0x5a: {  	v14 =	vld [tilespmem:s20+$0x66B0];
	v10 =	vadd.f32 v20, v10;
	v8 =	vadd.f32 v16, v8  }
0x5b: {  	v15 =	vld [tilespmem:s20+$0x67A0];
	v9 =	vadd.f32 v21, v9;
	v11 =	vadd.f32 v17, v11  }
0x5c: {  	v16 =	vld [tilespmem:s20+$0x67B0];
	v10 =	vadd.f32 v22, v10;
	v2 =	vadd.f32 v2, v8  }
0x5d: {  	v8 =	vadd.f32 v13, v9;
	v7 =	vadd.f32 v7, v11  }
0x5e: {  	v9 =	vadd.f32 v12, v10;
	v0 =	vadd.f32 v0, v2  }
0x5f: {  	v2 =	vadd.f32 v14, v8;
	v1 =	vadd.f32 v1, v7  }
0x60: {  	v7 =	vadd.f32 v15, v9;
	v0 =	vadd.f32 v0, v3  }
0x61: {  	v2 =	vadd.f32 v16, v2;
	v1 =	vadd.f32 v1, v4  }
0x62: {  	v0 =	vmul.f32 $4.999999890e-03, v0;
	v3 =	vadd.f32 v7, v5  }
0x63: {  	v1 =	vmul.f32 $4.999999890e-03, v1;
	v2 =	vadd.f32 v2, v6  }
0x64: {  	[tilespmem:$0x12C00] =	vst v0;
	v0 =	vmul.f32 $4.999999890e-03, v3  }
0x65: {  	[tilespmem:$0x12C10] =	vst v1;
	v1 =	vmul.f32 $4.999999890e-03, v2  }
0x66: {  	[tilespmem:$0x12C20] =	vst v0  }
0x67: {  	s30 =	sadd.s32 $0x190, s19;
	[tilespmem:$0x12C30] =	vst v1  }
0x68: {  	[tilespmem:s9], [sflag:$0x1] =	stream.indirect.gather [hbm4b:s3+s8], $0x80, s30, s8, $0xb8;
	[tilespmem:$0x12E00] =	vst v63  }
0x69: {  	s31 =	sadd.s32 $0x210, s19  }
0x6a: {  	[tilespmem:s11], [sflag:$0x1] =	stream.indirect.gather [hbm4b:s3+s10], $0x80, s31, s10, $0xb8;
	[tilespmem:$0x12E00] =	vst v63  }
0x6b: {  	_ =	swait.ge [sflag:s15], $0x6400  }
0x6c: {  	[sflag:s15] =	ssyncset.done $0x0  }
0x6d: {  	s20 =	simm.s32 $0x0;
	[sflag:s15] =	ssyncadd.s32 $0xFFFF9C00  }
0x6e: {  	v3 =	vld [tilespmem:s20+$0xCB00]  }
0x6f: {  	v4 =	vld [tilespmem:s20+$0xCB10]  }
0x70: {  	v5 =	vld [tilespmem:s20+$0xCB20]  }
0x71: {  	v6 =	vld [tilespmem:s20+$0xCB30]  }
0x72: {  	v0 =	vld [tilespmem:s20+$0xCB80]  }
0x73: {  	v1 =	vld [tilespmem:s20+$0xCB90]  }
0x74: {  	v13 =	vld [tilespmem:s20+$0xCA00]  }
0x75: {  	v15 =	vld [tilespmem:s20+$0xCA10]  }
0x76: {  	v12 =	vld [tilespmem:s20+$0xCA20]  }
0x77: {  	v14 =	vld [tilespmem:s20+$0xCA30]  }
0x78: {  	v2 =	vld [tilespmem:s20+$0xCA80]  }
0x79: {  	v9 =	vld [tilespmem:s20+$0xC900]  }
0x7a: {  	v10 =	vld [tilespmem:s20+$0xC910]  }
0x7b: {  	v11 =	vld [tilespmem:s20+$0xC800]  }
0x7c: {  	v17 =	vld [tilespmem:s20+$0xC810]  }
0x7d: {  	v18 =	vld [tilespmem:s20+$0xC820]  }
0x7e: {  	v19 =	vld [tilespmem:s20+$0xC830]  }
0x7f: {  	v20 =	vld [tilespmem:s20+$0xC920]  }
0x80: {  	v24 =	vld [tilespmem:s20+$0xC930]  }
0x81: {  	v8 =	vimm.f32 $0.0e+00;
	v7 =	vld [tilespmem:s20+$0xCA90]  }
0x82: {  	v16 =	vld [tilespmem:s20+$0xC980];
	v11 =	vadd.f32 v11, v8;
	v22 =	vadd.f32 v17, v8  }
0x83: {  	v17 =	vld [tilespmem:s20+$0xC990];
	v23 =	vadd.f32 v18, v8;
	v25 =	vadd.f32 v19, v8  }
0x84: {  	v18 =	vld [tilespmem:s20+$0xC880];
	v21 =	vadd.f32 v9, v11;
	v22 =	vadd.f32 v10, v22  }
0x85: {  	v19 =	vld [tilespmem:s20+$0xC890];
	v23 =	vadd.f32 v20, v23;
	v24 =	vadd.f32 v24, v25  }
0x86: {  	s21 =	simm.s32 $0x1000;
	v20 =	vld [tilespmem:s20+$0xC8A0];
	v11 =	vimm.f32 $0.0e+00;
	v10 =	vimm.f32 $0.0e+00;
	v9 =	vimm.f32 $0.0e+00  }
.LBB2_5:
0x87: {  	p0 =	sne.s32 s21, $0x18000;
	v25 =	vld [tilespmem:s20+$0xC8B0];
	v13 =	vadd.f32 v13, v21;
	v15 =	vadd.f32 v15, v22  }
0x88: {  	v21 =	vld [tilespmem:s20+$0xC9A0];
	v12 =	vadd.f32 v12, v23;
	v14 =	vadd.f32 v14, v24  }
0x89: {  	v22 =	vld [tilespmem:s20+$0xC9B0];
	v23 =	vadd.f32 v3, v13;
	v24 =	vadd.f32 v4, v15  }
0x8a: {  	v13 =	vld [tilespmem:s20+$0xCAA0];
	v26 =	vadd.f32 v5, v12;
	v27 =	vadd.f32 v6, v14  }
0x8b: {  	v3 =	vadd.f32 v18, v8;
	v4 =	vadd.f32 v19, v11;
	v6 =	vld [tilespmem:s20+$0xCAB0]  }
0x8c: {  	v5 =	vadd.f32 v20, v10;
	v8 =	vadd.f32 v25, v9;
	v9 =	vld [tilespmem:s20+$0xCBA0]  }
0x8d: {  	v10 =	vadd.f32 v16, v3;
	v11 =	vadd.f32 v17, v4;
	v12 =	vld [tilespmem:s20+$0xCBB0];
	s20 =	sshra.s32 s21, $0x2  }
0x8e: {  	v14 =	vadd.f32 v21, v5;
	v3 =	vld [tilespmem:s20+$0xCB00];
	v8 =	vadd.f32 v22, v8  }
0x8f: {  	v2 =	vadd.f32 v2, v10;
	v7 =	vadd.f32 v7, v11;
	v4 =	vld [tilespmem:s20+$0xCB10]  }
0x90: {  	v10 =	vadd.f32 v13, v14;
	v5 =	vld [tilespmem:s20+$0xCB20];
	v13 =	vadd.f32 v6, v8  }
0x91: {  	v8 =	vadd.f32 v0, v2;
	v11 =	vadd.f32 v1, v7;
	v6 =	vld [tilespmem:s20+$0xCB30]  }
0x92: {  	v10 =	vadd.f32 v9, v10;
	v0 =	vld [tilespmem:s20+$0xCB80];
	v9 =	vadd.f32 v12, v13  }
0x93: {  	v1 =	vld [tilespmem:s20+$0xCB90]  }
0x94: {  	v13 =	vld [tilespmem:s20+$0xCA00]  }
0x95: {  	v15 =	vld [tilespmem:s20+$0xCA10]  }
0x96: {  	v12 =	vld [tilespmem:s20+$0xCA20]  }
0x97: {  	v14 =	vld [tilespmem:s20+$0xCA30]  }
0x98: {  	v2 =	vld [tilespmem:s20+$0xCA80]  }
0x99: {  	v7 =	vld [tilespmem:s20+$0xCA90]  }
0x9a: {  	v20 =	vld [tilespmem:s20+$0xC900]  }
0x9b: {  	v22 =	vld [tilespmem:s20+$0xC910]  }
0x9c: {  	v17 =	vld [tilespmem:s20+$0xC800]  }
0x9d: {  	v18 =	vld [tilespmem:s20+$0xC810]  }
0x9e: {  	v19 =	vld [tilespmem:s20+$0xC820]  }
0x9f: {  	v21 =	vld [tilespmem:s20+$0xC830]  }
0xa0: {  	v25 =	vld [tilespmem:s20+$0xC920]  }
0xa1: {  	v28 =	vld [tilespmem:s20+$0xC930]  }
.Ltmp1:
0xa2: {  	v16 =	vld [tilespmem:s20+$0xC980];
	(pc) =	sbr.rel @p0 .LBB2_5-.Ltmp1, $4  }
0xa3: {  	v23 =	vadd.f32 v17, v23;
	v24 =	vadd.f32 v18, v24;
	v17 =	vld [tilespmem:s20+$0xC990]  }
0xa4: {  	v26 =	vadd.f32 v19, v26;
	v27 =	vadd.f32 v21, v27;
	v18 =	vld [tilespmem:s20+$0xC880]  }
0xa5: {  	v21 =	vadd.f32 v20, v23;
	v22 =	vadd.f32 v22, v24;
	v19 =	vld [tilespmem:s20+$0xC890]  }
0xa6: {  	s21 =	sadd.s32 $0x1000, s21;
	v23 =	vadd.f32 v25, v26;
	v20 =	vld [tilespmem:s20+$0xC8A0];
	v24 =	vadd.f32 v28, v27  }
0xa7: {  	v13 =	vadd.f32 v13, v21;
	v15 =	vadd.f32 v15, v22  }
0xa8: {  	v21 =	vld [tilespmem:s20+$0xC8B0];
	v12 =	vadd.f32 v12, v23;
	v14 =	vadd.f32 v14, v24  }
0xa9: {  	v22 =	vld [tilespmem:s20+$0xC9A0];
	v3 =	vadd.f32 v3, v13;
	v4 =	vadd.f32 v4, v15  }
0xaa: {  	v13 =	vld [tilespmem:s20+$0xC9B0];
	v8 =	vadd.f32 v18, v8;
	v5 =	vadd.f32 v5, v12  }
0xab: {  	v12 =	vld [tilespmem:s20+$0xCAA0];
	v6 =	vadd.f32 v6, v14;
	v11 =	vadd.f32 v19, v11  }
0xac: {  	v14 =	vld [tilespmem:s20+$0xCAB0];
	v10 =	vadd.f32 v20, v10;
	v8 =	vadd.f32 v16, v8  }
0xad: {  	v15 =	vld [tilespmem:s20+$0xCBA0];
	v9 =	vadd.f32 v21, v9;
	v11 =	vadd.f32 v17, v11  }
0xae: {  	v16 =	vld [tilespmem:s20+$0xCBB0];
	v10 =	vadd.f32 v22, v10;
	v2 =	vadd.f32 v2, v8  }
0xaf: {  	v8 =	vadd.f32 v13, v9;
	v7 =	vadd.f32 v7, v11  }
0xb0: {  	v9 =	vadd.f32 v12, v10;
	v0 =	vadd.f32 v0, v2  }
0xb1: {  	v2 =	vadd.f32 v14, v8;
	v1 =	vadd.f32 v1, v7  }
0xb2: {  	v7 =	vadd.f32 v15, v9;
	v0 =	vadd.f32 v0, v3  }
0xb3: {  	v2 =	vadd.f32 v16, v2;
	v1 =	vadd.f32 v1, v4  }
0xb4: {  	v0 =	vmul.f32 $4.999999890e-03, v0;
	v3 =	vadd.f32 v7, v5  }
0xb5: {  	v1 =	vmul.f32 $4.999999890e-03, v1;
	v2 =	vadd.f32 v2, v6  }
0xb6: {  	[tilespmem:$0x12C40] =	vst v0;
	v0 =	vmul.f32 $4.999999890e-03, v3  }
0xb7: {  	[tilespmem:$0x12C50] =	vst v1;
	v1 =	vmul.f32 $4.999999890e-03, v2  }
0xb8: {  	[tilespmem:$0x12C60] =	vst v0  }
0xb9: {  	s30 =	sadd.s32 $0x258, s19;
	[tilespmem:$0x12C70] =	vst v1  }
0xba: {  	[tilespmem:s12], [sflag:$0x2] =	stream.indirect.gather [hbm4b:s3+s8], $0x80, s30, s8, $0xb8;
	[tilespmem:$0x12E00] =	vst v63  }
0xbb: {  	s31 =	sadd.s32 $0x2D8, s19  }
0xbc: {  	[tilespmem:s13], [sflag:$0x2] =	stream.indirect.gather [hbm4b:s3+s10], $0x80, s31, s10, $0xb8;
	[tilespmem:$0x12E00] =	vst v63  }
0xbd: {  	_ =	swait.ge [sflag:s14], $0x6400  }
0xbe: {  	[sflag:s14] =	ssyncset.done $0x0  }
0xbf: {  	s20 =	simm.s32 $0x0;
	[sflag:s14] =	ssyncadd.s32 $0xFFFF9C00  }
0xc0: {  	v3 =	vld [tilespmem:s20+$0x6700]  }
0xc1: {  	v4 =	vld [tilespmem:s20+$0x6710]  }
0xc2: {  	v5 =	vld [tilespmem:s20+$0x6720]  }
0xc3: {  	v6 =	vld [tilespmem:s20+$0x6730]  }
0xc4: {  	v0 =	vld [tilespmem:s20+$0x6780]  }
0xc5: {  	v1 =	vld [tilespmem:s20+$0x6790]  }
0xc6: {  	v13 =	vld [tilespmem:s20+$0x6600]  }
0xc7: {  	v15 =	vld [tilespmem:s20+$0x6610]  }
0xc8: {  	v12 =	vld [tilespmem:s20+$0x6620]  }
0xc9: {  	v14 =	vld [tilespmem:s20+$0x6630]  }
0xca: {  	v2 =	vld [tilespmem:s20+$0x6680]  }
0xcb: {  	v9 =	vld [tilespmem:s20+$0x6500]  }
0xcc: {  	v10 =	vld [tilespmem:s20+$0x6510]  }
0xcd: {  	v11 =	vld [tilespmem:s20+$0x6400]  }
0xce: {  	v17 =	vld [tilespmem:s20+$0x6410]  }
0xcf: {  	v18 =	vld [tilespmem:s20+$0x6420]  }
0xd0: {  	v19 =	vld [tilespmem:s20+$0x6430]  }
0xd1: {  	v20 =	vld [tilespmem:s20+$0x6520]  }
0xd2: {  	v24 =	vld [tilespmem:s20+$0x6530]  }
0xd3: {  	v8 =	vimm.f32 $0.0e+00;
	v7 =	vld [tilespmem:s20+$0x6690]  }
0xd4: {  	v16 =	vld [tilespmem:s20+$0x6580];
	v11 =	vadd.f32 v11, v8;
	v22 =	vadd.f32 v17, v8  }
0xd5: {  	v17 =	vld [tilespmem:s20+$0x6590];
	v23 =	vadd.f32 v18, v8;
	v25 =	vadd.f32 v19, v8  }
0xd6: {  	v18 =	vld [tilespmem:s20+$0x6480];
	v21 =	vadd.f32 v9, v11;
	v22 =	vadd.f32 v10, v22  }
0xd7: {  	v19 =	vld [tilespmem:s20+$0x6490];
	v23 =	vadd.f32 v20, v23;
	v24 =	vadd.f32 v24, v25  }
0xd8: {  	s21 =	simm.s32 $0x1000;
	v20 =	vld [tilespmem:s20+$0x64A0];
	v11 =	vimm.f32 $0.0e+00;
	v10 =	vimm.f32 $0.0e+00;
	v9 =	vimm.f32 $0.0e+00  }
.LBB2_7:
0xd9: {  	p0 =	sne.s32 s21, $0x18000;
	v25 =	vld [tilespmem:s20+$0x64B0];
	v13 =	vadd.f32 v13, v21;
	v15 =	vadd.f32 v15, v22  }
0xda: {  	v21 =	vld [tilespmem:s20+$0x65A0];
	v12 =	vadd.f32 v12, v23;
	v14 =	vadd.f32 v14, v24  }
0xdb: {  	v22 =	vld [tilespmem:s20+$0x65B0];
	v23 =	vadd.f32 v3, v13;
	v24 =	vadd.f32 v4, v15  }
0xdc: {  	v13 =	vld [tilespmem:s20+$0x66A0];
	v26 =	vadd.f32 v5, v12;
	v27 =	vadd.f32 v6, v14  }
0xdd: {  	v3 =	vadd.f32 v18, v8;
	v4 =	vadd.f32 v19, v11;
	v6 =	vld [tilespmem:s20+$0x66B0]  }
0xde: {  	v5 =	vadd.f32 v20, v10;
	v8 =	vadd.f32 v25, v9;
	v9 =	vld [tilespmem:s20+$0x67A0]  }
0xdf: {  	v10 =	vadd.f32 v16, v3;
	v11 =	vadd.f32 v17, v4;
	v12 =	vld [tilespmem:s20+$0x67B0];
	s20 =	sshra.s32 s21, $0x2  }
0xe0: {  	v14 =	vadd.f32 v21, v5;
	v3 =	vld [tilespmem:s20+$0x6700];
	v8 =	vadd.f32 v22, v8  }
0xe1: {  	v2 =	vadd.f32 v2, v10;
	v7 =	vadd.f32 v7, v11;
	v4 =	vld [tilespmem:s20+$0x6710]  }
0xe2: {  	v10 =	vadd.f32 v13, v14;
	v5 =	vld [tilespmem:s20+$0x6720];
	v13 =	vadd.f32 v6, v8  }
0xe3: {  	v8 =	vadd.f32 v0, v2;
	v11 =	vadd.f32 v1, v7;
	v6 =	vld [tilespmem:s20+$0x6730]  }
0xe4: {  	v10 =	vadd.f32 v9, v10;
	v0 =	vld [tilespmem:s20+$0x6780];
	v9 =	vadd.f32 v12, v13  }
0xe5: {  	v1 =	vld [tilespmem:s20+$0x6790]  }
0xe6: {  	v13 =	vld [tilespmem:s20+$0x6600]  }
0xe7: {  	v15 =	vld [tilespmem:s20+$0x6610]  }
0xe8: {  	v12 =	vld [tilespmem:s20+$0x6620]  }
0xe9: {  	v14 =	vld [tilespmem:s20+$0x6630]  }
0xea: {  	v2 =	vld [tilespmem:s20+$0x6680]  }
0xeb: {  	v7 =	vld [tilespmem:s20+$0x6690]  }
0xec: {  	v20 =	vld [tilespmem:s20+$0x6500]  }
0xed: {  	v22 =	vld [tilespmem:s20+$0x6510]  }
0xee: {  	v17 =	vld [tilespmem:s20+$0x6400]  }
0xef: {  	v18 =	vld [tilespmem:s20+$0x6410]  }
0xf0: {  	v19 =	vld [tilespmem:s20+$0x6420]  }
0xf1: {  	v21 =	vld [tilespmem:s20+$0x6430]  }
0xf2: {  	v25 =	vld [tilespmem:s20+$0x6520]  }
0xf3: {  	v28 =	vld [tilespmem:s20+$0x6530]  }
.Ltmp2:
0xf4: {  	v16 =	vld [tilespmem:s20+$0x6580];
	(pc) =	sbr.rel @p0 .LBB2_7-.Ltmp2, $4  }
0xf5: {  	v23 =	vadd.f32 v17, v23;
	v24 =	vadd.f32 v18, v24;
	v17 =	vld [tilespmem:s20+$0x6590]  }
0xf6: {  	v26 =	vadd.f32 v19, v26;
	v27 =	vadd.f32 v21, v27;
	v18 =	vld [tilespmem:s20+$0x6480]  }
0xf7: {  	v21 =	vadd.f32 v20, v23;
	v22 =	vadd.f32 v22, v24;
	v19 =	vld [tilespmem:s20+$0x6490]  }
0xf8: {  	s21 =	sadd.s32 $0x1000, s21;
	v23 =	vadd.f32 v25, v26;
	v20 =	vld [tilespmem:s20+$0x64A0];
	v24 =	vadd.f32 v28, v27  }
0xf9: {  	v13 =	vadd.f32 v13, v21;
	v15 =	vadd.f32 v15, v22  }
0xfa: {  	v21 =	vld [tilespmem:s20+$0x64B0];
	v12 =	vadd.f32 v12, v23;
	v14 =	vadd.f32 v14, v24  }
0xfb: {  	v22 =	vld [tilespmem:s20+$0x65A0];
	v3 =	vadd.f32 v3, v13;
	v4 =	vadd.f32 v4, v15  }
0xfc: {  	v13 =	vld [tilespmem:s20+$0x65B0];
	v8 =	vadd.f32 v18, v8;
	v5 =	vadd.f32 v5, v12  }
0xfd: {  	v12 =	vld [tilespmem:s20+$0x66A0];
	v6 =	vadd.f32 v6, v14;
	v11 =	vadd.f32 v19, v11  }
0xfe: {  	v14 =	vld [tilespmem:s20+$0x66B0];
	v10 =	vadd.f32 v20, v10;
	v8 =	vadd.f32 v16, v8  }
0xff: {  	v15 =	vld [tilespmem:s20+$0x67A0];
	v9 =	vadd.f32 v21, v9;
	v11 =	vadd.f32 v17, v11  }
0x100: {  	v16 =	vld [tilespmem:s20+$0x67B0];
	v10 =	vadd.f32 v22, v10;
	v2 =	vadd.f32 v2, v8  }
0x101: {  	v8 =	vadd.f32 v13, v9;
	v7 =	vadd.f32 v7, v11  }
0x102: {  	v9 =	vadd.f32 v12, v10;
	v0 =	vadd.f32 v0, v2  }
0x103: {  	v2 =	vadd.f32 v14, v8;
	v1 =	vadd.f32 v1, v7  }
0x104: {  	v7 =	vadd.f32 v15, v9;
	v0 =	vadd.f32 v0, v3  }
0x105: {  	v2 =	vadd.f32 v16, v2;
	v1 =	vadd.f32 v1, v4  }
0x106: {  	v0 =	vmul.f32 $4.999999890e-03, v0;
	v3 =	vadd.f32 v7, v5  }
0x107: {  	v1 =	vmul.f32 $4.999999890e-03, v1;
	v2 =	vadd.f32 v2, v6  }
0x108: {  	[tilespmem:$0x12C80] =	vst v0;
	v0 =	vmul.f32 $4.999999890e-03, v3  }
0x109: {  	[tilespmem:$0x12C90] =	vst v1;
	v1 =	vmul.f32 $4.999999890e-03, v2  }
0x10a: {  	[tilespmem:$0x12CA0] =	vst v0  }
0x10b: {  	s30 =	sadd.s32 $0x320, s19;
	[tilespmem:$0x12CB0] =	vst v1  }
0x10c: {  	[tilespmem:s9], [sflag:$0x1] =	stream.indirect.gather [hbm4b:s3+s8], $0x80, s30, s8, $0xb8;
	[tilespmem:$0x12E00] =	vst v63  }
0x10d: {  	s31 =	sadd.s32 $0x3A0, s19  }
0x10e: {  	[tilespmem:s11], [sflag:$0x1] =	stream.indirect.gather [hbm4b:s3+s10], $0x80, s31, s10, $0xb8;
	[tilespmem:$0x12E00] =	vst v63  }
0x10f: {  	_ =	swait.ge [sflag:s15], $0x6400  }
0x110: {  	[sflag:s15] =	ssyncset.done $0x0  }
0x111: {  	s20 =	simm.s32 $0x0;
	[sflag:s15] =	ssyncadd.s32 $0xFFFF9C00  }
0x112: {  	v3 =	vld [tilespmem:s20+$0xCB00]  }
0x113: {  	v4 =	vld [tilespmem:s20+$0xCB10]  }
0x114: {  	v5 =	vld [tilespmem:s20+$0xCB20]  }
0x115: {  	v6 =	vld [tilespmem:s20+$0xCB30]  }
0x116: {  	v0 =	vld [tilespmem:s20+$0xCB80]  }
0x117: {  	v1 =	vld [tilespmem:s20+$0xCB90]  }
0x118: {  	v13 =	vld [tilespmem:s20+$0xCA00]  }
0x119: {  	v15 =	vld [tilespmem:s20+$0xCA10]  }
0x11a: {  	v12 =	vld [tilespmem:s20+$0xCA20]  }
0x11b: {  	v14 =	vld [tilespmem:s20+$0xCA30]  }
0x11c: {  	v2 =	vld [tilespmem:s20+$0xCA80]  }
0x11d: {  	v9 =	vld [tilespmem:s20+$0xC900]  }
0x11e: {  	v10 =	vld [tilespmem:s20+$0xC910]  }
0x11f: {  	v11 =	vld [tilespmem:s20+$0xC800]  }
0x120: {  	v17 =	vld [tilespmem:s20+$0xC810]  }
0x121: {  	v18 =	vld [tilespmem:s20+$0xC820]  }
0x122: {  	v19 =	vld [tilespmem:s20+$0xC830]  }
0x123: {  	v20 =	vld [tilespmem:s20+$0xC920]  }
0x124: {  	v24 =	vld [tilespmem:s20+$0xC930]  }
0x125: {  	v8 =	vimm.f32 $0.0e+00;
	v7 =	vld [tilespmem:s20+$0xCA90]  }
0x126: {  	v16 =	vld [tilespmem:s20+$0xC980];
	v11 =	vadd.f32 v11, v8;
	v22 =	vadd.f32 v17, v8  }
0x127: {  	v17 =	vld [tilespmem:s20+$0xC990];
	v23 =	vadd.f32 v18, v8;
	v25 =	vadd.f32 v19, v8  }
0x128: {  	v18 =	vld [tilespmem:s20+$0xC880];
	v21 =	vadd.f32 v9, v11;
	v22 =	vadd.f32 v10, v22  }
0x129: {  	v19 =	vld [tilespmem:s20+$0xC890];
	v23 =	vadd.f32 v20, v23;
	v24 =	vadd.f32 v24, v25  }
0x12a: {  	s21 =	simm.s32 $0x1000;
	v20 =	vld [tilespmem:s20+$0xC8A0];
	v11 =	vimm.f32 $0.0e+00;
	v10 =	vimm.f32 $0.0e+00;
	v9 =	vimm.f32 $0.0e+00  }
.LBB2_9:
0x12b: {  	p0 =	sne.s32 s21, $0x18000;
	v25 =	vld [tilespmem:s20+$0xC8B0];
	v13 =	vadd.f32 v13, v21;
	v15 =	vadd.f32 v15, v22  }
0x12c: {  	v21 =	vld [tilespmem:s20+$0xC9A0];
	v12 =	vadd.f32 v12, v23;
	v14 =	vadd.f32 v14, v24  }
0x12d: {  	v22 =	vld [tilespmem:s20+$0xC9B0];
	v23 =	vadd.f32 v3, v13;
	v24 =	vadd.f32 v4, v15  }
0x12e: {  	v13 =	vld [tilespmem:s20+$0xCAA0];
	v26 =	vadd.f32 v5, v12;
	v27 =	vadd.f32 v6, v14  }
0x12f: {  	v3 =	vadd.f32 v18, v8;
	v4 =	vadd.f32 v19, v11;
	v6 =	vld [tilespmem:s20+$0xCAB0]  }
0x130: {  	v5 =	vadd.f32 v20, v10;
	v8 =	vadd.f32 v25, v9;
	v9 =	vld [tilespmem:s20+$0xCBA0]  }
0x131: {  	v10 =	vadd.f32 v16, v3;
	v11 =	vadd.f32 v17, v4;
	v12 =	vld [tilespmem:s20+$0xCBB0];
	s20 =	sshra.s32 s21, $0x2  }
0x132: {  	v14 =	vadd.f32 v21, v5;
	v3 =	vld [tilespmem:s20+$0xCB00];
	v8 =	vadd.f32 v22, v8  }
0x133: {  	v2 =	vadd.f32 v2, v10;
	v7 =	vadd.f32 v7, v11;
	v4 =	vld [tilespmem:s20+$0xCB10]  }
0x134: {  	v10 =	vadd.f32 v13, v14;
	v5 =	vld [tilespmem:s20+$0xCB20];
	v13 =	vadd.f32 v6, v8  }
0x135: {  	v8 =	vadd.f32 v0, v2;
	v11 =	vadd.f32 v1, v7;
	v6 =	vld [tilespmem:s20+$0xCB30]  }
0x136: {  	v10 =	vadd.f32 v9, v10;
	v0 =	vld [tilespmem:s20+$0xCB80];
	v9 =	vadd.f32 v12, v13  }
0x137: {  	v1 =	vld [tilespmem:s20+$0xCB90]  }
0x138: {  	v13 =	vld [tilespmem:s20+$0xCA00]  }
0x139: {  	v15 =	vld [tilespmem:s20+$0xCA10]  }
0x13a: {  	v12 =	vld [tilespmem:s20+$0xCA20]  }
0x13b: {  	v14 =	vld [tilespmem:s20+$0xCA30]  }
0x13c: {  	v2 =	vld [tilespmem:s20+$0xCA80]  }
0x13d: {  	v7 =	vld [tilespmem:s20+$0xCA90]  }
0x13e: {  	v20 =	vld [tilespmem:s20+$0xC900]  }
0x13f: {  	v22 =	vld [tilespmem:s20+$0xC910]  }
0x140: {  	v17 =	vld [tilespmem:s20+$0xC800]  }
0x141: {  	v18 =	vld [tilespmem:s20+$0xC810]  }
0x142: {  	v19 =	vld [tilespmem:s20+$0xC820]  }
0x143: {  	v21 =	vld [tilespmem:s20+$0xC830]  }
0x144: {  	v25 =	vld [tilespmem:s20+$0xC920]  }
0x145: {  	v28 =	vld [tilespmem:s20+$0xC930]  }
.Ltmp3:
0x146: {  	v16 =	vld [tilespmem:s20+$0xC980];
	(pc) =	sbr.rel @p0 .LBB2_9-.Ltmp3, $4  }
0x147: {  	v23 =	vadd.f32 v17, v23;
	v24 =	vadd.f32 v18, v24;
	v17 =	vld [tilespmem:s20+$0xC990]  }
0x148: {  	v26 =	vadd.f32 v19, v26;
	v27 =	vadd.f32 v21, v27;
	v18 =	vld [tilespmem:s20+$0xC880]  }
0x149: {  	v21 =	vadd.f32 v20, v23;
	v22 =	vadd.f32 v22, v24;
	v19 =	vld [tilespmem:s20+$0xC890]  }
0x14a: {  	s21 =	sadd.s32 $0x1000, s21;
	v23 =	vadd.f32 v25, v26;
	v20 =	vld [tilespmem:s20+$0xC8A0];
	v24 =	vadd.f32 v28, v27  }
0x14b: {  	v13 =	vadd.f32 v13, v21;
	v15 =	vadd.f32 v15, v22  }
0x14c: {  	v21 =	vld [tilespmem:s20+$0xC8B0];
	v12 =	vadd.f32 v12, v23;
	v14 =	vadd.f32 v14, v24  }
0x14d: {  	v22 =	vld [tilespmem:s20+$0xC9A0];
	v3 =	vadd.f32 v3, v13;
	v4 =	vadd.f32 v4, v15  }
0x14e: {  	v13 =	vld [tilespmem:s20+$0xC9B0];
	v8 =	vadd.f32 v18, v8;
	v5 =	vadd.f32 v5, v12  }
0x14f: {  	v12 =	vld [tilespmem:s20+$0xCAA0];
	v6 =	vadd.f32 v6, v14;
	v11 =	vadd.f32 v19, v11  }
0x150: {  	v14 =	vld [tilespmem:s20+$0xCAB0];
	v10 =	vadd.f32 v20, v10;
	v8 =	vadd.f32 v16, v8  }
0x151: {  	v15 =	vld [tilespmem:s20+$0xCBA0];
	v9 =	vadd.f32 v21, v9;
	v11 =	vadd.f32 v17, v11  }
0x152: {  	v16 =	vld [tilespmem:s20+$0xCBB0];
	v10 =	vadd.f32 v22, v10;
	v2 =	vadd.f32 v2, v8  }
0x153: {  	v8 =	vadd.f32 v13, v9;
	v7 =	vadd.f32 v7, v11  }
0x154: {  	v9 =	vadd.f32 v12, v10;
	v0 =	vadd.f32 v0, v2  }
0x155: {  	v2 =	vadd.f32 v14, v8;
	v1 =	vadd.f32 v1, v7  }
0x156: {  	v7 =	vadd.f32 v15, v9;
	v0 =	vadd.f32 v0, v3  }
0x157: {  	v2 =	vadd.f32 v16, v2;
	v1 =	vadd.f32 v1, v4  }
0x158: {  	v0 =	vmul.f32 $4.999999890e-03, v0;
	v3 =	vadd.f32 v7, v5  }
0x159: {  	v1 =	vmul.f32 $4.999999890e-03, v1;
	v2 =	vadd.f32 v2, v6  }
0x15a: {  	[tilespmem:$0x12CC0] =	vst v0;
	v0 =	vmul.f32 $4.999999890e-03, v3  }
0x15b: {  	[tilespmem:$0x12CD0] =	vst v1;
	v1 =	vmul.f32 $4.999999890e-03, v2  }
0x15c: {  	[tilespmem:$0x12CE0] =	vst v0  }
0x15d: {  	s30 =	sadd.s32 $0x3E8, s19;
	[tilespmem:$0x12CF0] =	vst v1  }
0x15e: {  	[tilespmem:s12], [sflag:$0x2] =	stream.indirect.gather [hbm4b:s3+s8], $0x80, s30, s8, $0xb8;
	[tilespmem:$0x12E00] =	vst v63  }
0x15f: {  	s31 =	sadd.s32 $0x468, s19  }
0x160: {  	[tilespmem:s13], [sflag:$0x2] =	stream.indirect.gather [hbm4b:s3+s10], $0x80, s31, s10, $0xb8;
	[tilespmem:$0x12E00] =	vst v63  }
0x161: {  	_ =	swait.ge [sflag:s14], $0x6400  }
0x162: {  	[sflag:s14] =	ssyncset.done $0x0  }
0x163: {  	s20 =	simm.s32 $0x0;
	[sflag:s14] =	ssyncadd.s32 $0xFFFF9C00  }
0x164: {  	v3 =	vld [tilespmem:s20+$0x6700]  }
0x165: {  	v4 =	vld [tilespmem:s20+$0x6710]  }
0x166: {  	v5 =	vld [tilespmem:s20+$0x6720]  }
0x167: {  	v6 =	vld [tilespmem:s20+$0x6730]  }
0x168: {  	v0 =	vld [tilespmem:s20+$0x6780]  }
0x169: {  	v1 =	vld [tilespmem:s20+$0x6790]  }
0x16a: {  	v13 =	vld [tilespmem:s20+$0x6600]  }
0x16b: {  	v15 =	vld [tilespmem:s20+$0x6610]  }
0x16c: {  	v12 =	vld [tilespmem:s20+$0x6620]  }
0x16d: {  	v14 =	vld [tilespmem:s20+$0x6630]  }
0x16e: {  	v2 =	vld [tilespmem:s20+$0x6680]  }
0x16f: {  	v9 =	vld [tilespmem:s20+$0x6500]  }
0x170: {  	v10 =	vld [tilespmem:s20+$0x6510]  }
0x171: {  	v11 =	vld [tilespmem:s20+$0x6400]  }
0x172: {  	v17 =	vld [tilespmem:s20+$0x6410]  }
0x173: {  	v18 =	vld [tilespmem:s20+$0x6420]  }
0x174: {  	v19 =	vld [tilespmem:s20+$0x6430]  }
0x175: {  	v20 =	vld [tilespmem:s20+$0x6520]  }
0x176: {  	v24 =	vld [tilespmem:s20+$0x6530]  }
0x177: {  	v8 =	vimm.f32 $0.0e+00;
	v7 =	vld [tilespmem:s20+$0x6690]  }
0x178: {  	v16 =	vld [tilespmem:s20+$0x6580];
	v11 =	vadd.f32 v11, v8;
	v22 =	vadd.f32 v17, v8  }
0x179: {  	v17 =	vld [tilespmem:s20+$0x6590];
	v23 =	vadd.f32 v18, v8;
	v25 =	vadd.f32 v19, v8  }
0x17a: {  	v18 =	vld [tilespmem:s20+$0x6480];
	v21 =	vadd.f32 v9, v11;
	v22 =	vadd.f32 v10, v22  }
0x17b: {  	v19 =	vld [tilespmem:s20+$0x6490];
	v23 =	vadd.f32 v20, v23;
	v24 =	vadd.f32 v24, v25  }
0x17c: {  	s21 =	simm.s32 $0x1000;
	v20 =	vld [tilespmem:s20+$0x64A0];
	v11 =	vimm.f32 $0.0e+00;
	v10 =	vimm.f32 $0.0e+00;
	v9 =	vimm.f32 $0.0e+00  }
.LBB2_11:
0x17d: {  	p0 =	sne.s32 s21, $0x18000;
	v25 =	vld [tilespmem:s20+$0x64B0];
	v13 =	vadd.f32 v13, v21;
	v15 =	vadd.f32 v15, v22  }
0x17e: {  	v21 =	vld [tilespmem:s20+$0x65A0];
	v12 =	vadd.f32 v12, v23;
	v14 =	vadd.f32 v14, v24  }
0x17f: {  	v22 =	vld [tilespmem:s20+$0x65B0];
	v23 =	vadd.f32 v3, v13;
	v24 =	vadd.f32 v4, v15  }
0x180: {  	v13 =	vld [tilespmem:s20+$0x66A0];
	v26 =	vadd.f32 v5, v12;
	v27 =	vadd.f32 v6, v14  }
0x181: {  	v3 =	vadd.f32 v18, v8;
	v4 =	vadd.f32 v19, v11;
	v6 =	vld [tilespmem:s20+$0x66B0]  }
0x182: {  	v5 =	vadd.f32 v20, v10;
	v8 =	vadd.f32 v25, v9;
	v9 =	vld [tilespmem:s20+$0x67A0]  }
0x183: {  	v10 =	vadd.f32 v16, v3;
	v11 =	vadd.f32 v17, v4;
	v12 =	vld [tilespmem:s20+$0x67B0];
	s20 =	sshra.s32 s21, $0x2  }
0x184: {  	v14 =	vadd.f32 v21, v5;
	v3 =	vld [tilespmem:s20+$0x6700];
	v8 =	vadd.f32 v22, v8  }
0x185: {  	v2 =	vadd.f32 v2, v10;
	v7 =	vadd.f32 v7, v11;
	v4 =	vld [tilespmem:s20+$0x6710]  }
0x186: {  	v10 =	vadd.f32 v13, v14;
	v5 =	vld [tilespmem:s20+$0x6720];
	v13 =	vadd.f32 v6, v8  }
0x187: {  	v8 =	vadd.f32 v0, v2;
	v11 =	vadd.f32 v1, v7;
	v6 =	vld [tilespmem:s20+$0x6730]  }
0x188: {  	v10 =	vadd.f32 v9, v10;
	v0 =	vld [tilespmem:s20+$0x6780];
	v9 =	vadd.f32 v12, v13  }
0x189: {  	v1 =	vld [tilespmem:s20+$0x6790]  }
0x18a: {  	v13 =	vld [tilespmem:s20+$0x6600]  }
0x18b: {  	v15 =	vld [tilespmem:s20+$0x6610]  }
0x18c: {  	v12 =	vld [tilespmem:s20+$0x6620]  }
0x18d: {  	v14 =	vld [tilespmem:s20+$0x6630]  }
0x18e: {  	v2 =	vld [tilespmem:s20+$0x6680]  }
0x18f: {  	v7 =	vld [tilespmem:s20+$0x6690]  }
0x190: {  	v20 =	vld [tilespmem:s20+$0x6500]  }
0x191: {  	v22 =	vld [tilespmem:s20+$0x6510]  }
0x192: {  	v17 =	vld [tilespmem:s20+$0x6400]  }
0x193: {  	v18 =	vld [tilespmem:s20+$0x6410]  }
0x194: {  	v19 =	vld [tilespmem:s20+$0x6420]  }
0x195: {  	v21 =	vld [tilespmem:s20+$0x6430]  }
0x196: {  	v25 =	vld [tilespmem:s20+$0x6520]  }
0x197: {  	v28 =	vld [tilespmem:s20+$0x6530]  }
.Ltmp4:
0x198: {  	v16 =	vld [tilespmem:s20+$0x6580];
	(pc) =	sbr.rel @p0 .LBB2_11-.Ltmp4, $4  }
0x199: {  	v23 =	vadd.f32 v17, v23;
	v24 =	vadd.f32 v18, v24;
	v17 =	vld [tilespmem:s20+$0x6590]  }
0x19a: {  	v26 =	vadd.f32 v19, v26;
	v27 =	vadd.f32 v21, v27;
	v18 =	vld [tilespmem:s20+$0x6480]  }
0x19b: {  	v21 =	vadd.f32 v20, v23;
	v22 =	vadd.f32 v22, v24;
	v19 =	vld [tilespmem:s20+$0x6490]  }
0x19c: {  	s21 =	sadd.s32 $0x1000, s21;
	v23 =	vadd.f32 v25, v26;
	v20 =	vld [tilespmem:s20+$0x64A0];
	v24 =	vadd.f32 v28, v27  }
0x19d: {  	v13 =	vadd.f32 v13, v21;
	v15 =	vadd.f32 v15, v22  }
0x19e: {  	v21 =	vld [tilespmem:s20+$0x64B0];
	v12 =	vadd.f32 v12, v23;
	v14 =	vadd.f32 v14, v24  }
0x19f: {  	v22 =	vld [tilespmem:s20+$0x65A0];
	v3 =	vadd.f32 v3, v13;
	v4 =	vadd.f32 v4, v15  }
0x1a0: {  	v13 =	vld [tilespmem:s20+$0x65B0];
	v8 =	vadd.f32 v18, v8;
	v5 =	vadd.f32 v5, v12  }
0x1a1: {  	v12 =	vld [tilespmem:s20+$0x66A0];
	v6 =	vadd.f32 v6, v14;
	v11 =	vadd.f32 v19, v11  }
0x1a2: {  	v14 =	vld [tilespmem:s20+$0x66B0];
	v10 =	vadd.f32 v20, v10;
	v8 =	vadd.f32 v16, v8  }
0x1a3: {  	v15 =	vld [tilespmem:s20+$0x67A0];
	v9 =	vadd.f32 v21, v9;
	v11 =	vadd.f32 v17, v11  }
0x1a4: {  	v16 =	vld [tilespmem:s20+$0x67B0];
	v10 =	vadd.f32 v22, v10;
	v2 =	vadd.f32 v2, v8  }
0x1a5: {  	v8 =	vadd.f32 v13, v9;
	v7 =	vadd.f32 v7, v11  }
0x1a6: {  	v9 =	vadd.f32 v12, v10;
	v0 =	vadd.f32 v0, v2  }
0x1a7: {  	v2 =	vadd.f32 v14, v8;
	v1 =	vadd.f32 v1, v7  }
0x1a8: {  	v7 =	vadd.f32 v15, v9;
	v0 =	vadd.f32 v0, v3  }
0x1a9: {  	v2 =	vadd.f32 v16, v2;
	v1 =	vadd.f32 v1, v4  }
0x1aa: {  	v0 =	vmul.f32 $4.999999890e-03, v0;
	v3 =	vadd.f32 v7, v5  }
0x1ab: {  	v1 =	vmul.f32 $4.999999890e-03, v1;
	v2 =	vadd.f32 v2, v6  }
0x1ac: {  	[tilespmem:$0x12D00] =	vst v0;
	v0 =	vmul.f32 $4.999999890e-03, v3  }
0x1ad: {  	[tilespmem:$0x12D10] =	vst v1;
	v1 =	vmul.f32 $4.999999890e-03, v2  }
0x1ae: {  	[tilespmem:$0x12D20] =	vst v0  }
0x1af: {  	s30 =	sadd.s32 $0x4B0, s19;
	[tilespmem:$0x12D30] =	vst v1  }
0x1b0: {  	[tilespmem:s9], [sflag:$0x1] =	stream.indirect.gather [hbm4b:s3+s8], $0x80, s30, s8, $0xb8;
	[tilespmem:$0x12E00] =	vst v63  }
0x1b1: {  	s31 =	sadd.s32 $0x530, s19  }
0x1b2: {  	[tilespmem:s11], [sflag:$0x1] =	stream.indirect.gather [hbm4b:s3+s10], $0x80, s31, s10, $0xb8;
	[tilespmem:$0x12E00] =	vst v63  }
0x1b3: {  	_ =	swait.ge [sflag:s15], $0x6400  }
0x1b4: {  	[sflag:s15] =	ssyncset.done $0x0  }
0x1b5: {  	s20 =	simm.s32 $0x0;
	[sflag:s15] =	ssyncadd.s32 $0xFFFF9C00  }
0x1b6: {  	v3 =	vld [tilespmem:s20+$0xCB00]  }
0x1b7: {  	v4 =	vld [tilespmem:s20+$0xCB10]  }
0x1b8: {  	v5 =	vld [tilespmem:s20+$0xCB20]  }
0x1b9: {  	v6 =	vld [tilespmem:s20+$0xCB30]  }
0x1ba: {  	v0 =	vld [tilespmem:s20+$0xCB80]  }
0x1bb: {  	v1 =	vld [tilespmem:s20+$0xCB90]  }
0x1bc: {  	v13 =	vld [tilespmem:s20+$0xCA00]  }
0x1bd: {  	v15 =	vld [tilespmem:s20+$0xCA10]  }
0x1be: {  	v12 =	vld [tilespmem:s20+$0xCA20]  }
0x1bf: {  	v14 =	vld [tilespmem:s20+$0xCA30]  }
0x1c0: {  	v2 =	vld [tilespmem:s20+$0xCA80]  }
0x1c1: {  	v9 =	vld [tilespmem:s20+$0xC900]  }
0x1c2: {  	v10 =	vld [tilespmem:s20+$0xC910]  }
0x1c3: {  	v11 =	vld [tilespmem:s20+$0xC800]  }
0x1c4: {  	v17 =	vld [tilespmem:s20+$0xC810]  }
0x1c5: {  	v18 =	vld [tilespmem:s20+$0xC820]  }
0x1c6: {  	v19 =	vld [tilespmem:s20+$0xC830]  }
0x1c7: {  	v20 =	vld [tilespmem:s20+$0xC920]  }
0x1c8: {  	v24 =	vld [tilespmem:s20+$0xC930]  }
0x1c9: {  	v8 =	vimm.f32 $0.0e+00;
	v7 =	vld [tilespmem:s20+$0xCA90]  }
0x1ca: {  	v16 =	vld [tilespmem:s20+$0xC980];
	v11 =	vadd.f32 v11, v8;
	v22 =	vadd.f32 v17, v8  }
0x1cb: {  	v17 =	vld [tilespmem:s20+$0xC990];
	v23 =	vadd.f32 v18, v8;
	v25 =	vadd.f32 v19, v8  }
0x1cc: {  	v18 =	vld [tilespmem:s20+$0xC880];
	v21 =	vadd.f32 v9, v11;
	v22 =	vadd.f32 v10, v22  }
0x1cd: {  	v19 =	vld [tilespmem:s20+$0xC890];
	v23 =	vadd.f32 v20, v23;
	v24 =	vadd.f32 v24, v25  }
0x1ce: {  	s21 =	simm.s32 $0x1000;
	v20 =	vld [tilespmem:s20+$0xC8A0];
	v11 =	vimm.f32 $0.0e+00;
	v10 =	vimm.f32 $0.0e+00;
	v9 =	vimm.f32 $0.0e+00  }
.LBB2_13:
0x1cf: {  	p0 =	sne.s32 s21, $0x18000;
	v25 =	vld [tilespmem:s20+$0xC8B0];
	v13 =	vadd.f32 v13, v21;
	v15 =	vadd.f32 v15, v22  }
0x1d0: {  	v21 =	vld [tilespmem:s20+$0xC9A0];
	v12 =	vadd.f32 v12, v23;
	v14 =	vadd.f32 v14, v24  }
0x1d1: {  	v22 =	vld [tilespmem:s20+$0xC9B0];
	v23 =	vadd.f32 v3, v13;
	v24 =	vadd.f32 v4, v15  }
0x1d2: {  	v13 =	vld [tilespmem:s20+$0xCAA0];
	v26 =	vadd.f32 v5, v12;
	v27 =	vadd.f32 v6, v14  }
0x1d3: {  	v3 =	vadd.f32 v18, v8;
	v4 =	vadd.f32 v19, v11;
	v6 =	vld [tilespmem:s20+$0xCAB0]  }
0x1d4: {  	v5 =	vadd.f32 v20, v10;
	v8 =	vadd.f32 v25, v9;
	v9 =	vld [tilespmem:s20+$0xCBA0]  }
0x1d5: {  	v10 =	vadd.f32 v16, v3;
	v11 =	vadd.f32 v17, v4;
	v12 =	vld [tilespmem:s20+$0xCBB0];
	s20 =	sshra.s32 s21, $0x2  }
0x1d6: {  	v14 =	vadd.f32 v21, v5;
	v3 =	vld [tilespmem:s20+$0xCB00];
	v8 =	vadd.f32 v22, v8  }
0x1d7: {  	v2 =	vadd.f32 v2, v10;
	v7 =	vadd.f32 v7, v11;
	v4 =	vld [tilespmem:s20+$0xCB10]  }
0x1d8: {  	v10 =	vadd.f32 v13, v14;
	v5 =	vld [tilespmem:s20+$0xCB20];
	v13 =	vadd.f32 v6, v8  }
0x1d9: {  	v8 =	vadd.f32 v0, v2;
	v11 =	vadd.f32 v1, v7;
	v6 =	vld [tilespmem:s20+$0xCB30]  }
0x1da: {  	v10 =	vadd.f32 v9, v10;
	v0 =	vld [tilespmem:s20+$0xCB80];
	v9 =	vadd.f32 v12, v13  }
0x1db: {  	v1 =	vld [tilespmem:s20+$0xCB90]  }
0x1dc: {  	v13 =	vld [tilespmem:s20+$0xCA00]  }
0x1dd: {  	v15 =	vld [tilespmem:s20+$0xCA10]  }
0x1de: {  	v12 =	vld [tilespmem:s20+$0xCA20]  }
0x1df: {  	v14 =	vld [tilespmem:s20+$0xCA30]  }
0x1e0: {  	v2 =	vld [tilespmem:s20+$0xCA80]  }
0x1e1: {  	v7 =	vld [tilespmem:s20+$0xCA90]  }
0x1e2: {  	v20 =	vld [tilespmem:s20+$0xC900]  }
0x1e3: {  	v22 =	vld [tilespmem:s20+$0xC910]  }
0x1e4: {  	v17 =	vld [tilespmem:s20+$0xC800]  }
0x1e5: {  	v18 =	vld [tilespmem:s20+$0xC810]  }
0x1e6: {  	v19 =	vld [tilespmem:s20+$0xC820]  }
0x1e7: {  	v21 =	vld [tilespmem:s20+$0xC830]  }
0x1e8: {  	v25 =	vld [tilespmem:s20+$0xC920]  }
0x1e9: {  	v28 =	vld [tilespmem:s20+$0xC930]  }
.Ltmp5:
0x1ea: {  	v16 =	vld [tilespmem:s20+$0xC980];
	(pc) =	sbr.rel @p0 .LBB2_13-.Ltmp5, $4  }
0x1eb: {  	v23 =	vadd.f32 v17, v23;
	v24 =	vadd.f32 v18, v24;
	v17 =	vld [tilespmem:s20+$0xC990]  }
0x1ec: {  	v26 =	vadd.f32 v19, v26;
	v27 =	vadd.f32 v21, v27;
	v18 =	vld [tilespmem:s20+$0xC880]  }
0x1ed: {  	v21 =	vadd.f32 v20, v23;
	v22 =	vadd.f32 v22, v24;
	v19 =	vld [tilespmem:s20+$0xC890]  }
0x1ee: {  	s21 =	sadd.s32 $0x1000, s21;
	v23 =	vadd.f32 v25, v26;
	v20 =	vld [tilespmem:s20+$0xC8A0];
	v24 =	vadd.f32 v28, v27  }
0x1ef: {  	v13 =	vadd.f32 v13, v21;
	v15 =	vadd.f32 v15, v22  }
0x1f0: {  	v21 =	vld [tilespmem:s20+$0xC8B0];
	v12 =	vadd.f32 v12, v23;
	v14 =	vadd.f32 v14, v24  }
0x1f1: {  	v22 =	vld [tilespmem:s20+$0xC9A0];
	v3 =	vadd.f32 v3, v13;
	v4 =	vadd.f32 v4, v15  }
0x1f2: {  	v13 =	vld [tilespmem:s20+$0xC9B0];
	v8 =	vadd.f32 v18, v8;
	v5 =	vadd.f32 v5, v12  }
0x1f3: {  	v12 =	vld [tilespmem:s20+$0xCAA0];
	v6 =	vadd.f32 v6, v14;
	v11 =	vadd.f32 v19, v11  }
0x1f4: {  	v14 =	vld [tilespmem:s20+$0xCAB0];
	v10 =	vadd.f32 v20, v10;
	v8 =	vadd.f32 v16, v8  }
0x1f5: {  	v15 =	vld [tilespmem:s20+$0xCBA0];
	v9 =	vadd.f32 v21, v9;
	v11 =	vadd.f32 v17, v11  }
0x1f6: {  	v16 =	vld [tilespmem:s20+$0xCBB0];
	v10 =	vadd.f32 v22, v10;
	v2 =	vadd.f32 v2, v8  }
0x1f7: {  	v8 =	vadd.f32 v13, v9;
	v7 =	vadd.f32 v7, v11  }
0x1f8: {  	v9 =	vadd.f32 v12, v10;
	v0 =	vadd.f32 v0, v2  }
0x1f9: {  	v2 =	vadd.f32 v14, v8;
	v1 =	vadd.f32 v1, v7  }
0x1fa: {  	v7 =	vadd.f32 v15, v9;
	v0 =	vadd.f32 v0, v3  }
0x1fb: {  	v2 =	vadd.f32 v16, v2;
	v1 =	vadd.f32 v1, v4  }
0x1fc: {  	v0 =	vmul.f32 $4.999999890e-03, v0;
	v3 =	vadd.f32 v7, v5  }
0x1fd: {  	v1 =	vmul.f32 $4.999999890e-03, v1;
	v2 =	vadd.f32 v2, v6  }
0x1fe: {  	[tilespmem:$0x12D40] =	vst v0;
	v0 =	vmul.f32 $4.999999890e-03, v3  }
0x1ff: {  	[tilespmem:$0x12D50] =	vst v1;
	v1 =	vmul.f32 $4.999999890e-03, v2  }
0x200: {  	[tilespmem:$0x12D60] =	vst v0  }
0x201: {  	s30 =	sadd.s32 $0x578, s19;
	[tilespmem:$0x12D70] =	vst v1  }
0x202: {  	[tilespmem:s12], [sflag:$0x2] =	stream.indirect.gather [hbm4b:s3+s8], $0x80, s30, s8, $0xb8;
	[tilespmem:$0x12E00] =	vst v63  }
0x203: {  	s31 =	sadd.s32 $0x5F8, s19  }
0x204: {  	[tilespmem:s13], [sflag:$0x2] =	stream.indirect.gather [hbm4b:s3+s10], $0x80, s31, s10, $0xb8;
	[tilespmem:$0x12E00] =	vst v63  }
0x205: {  	_ =	swait.ge [sflag:s14], $0x6400  }
0x206: {  	[sflag:s14] =	ssyncset.done $0x0  }
0x207: {  	s20 =	simm.s32 $0x0;
	[sflag:s14] =	ssyncadd.s32 $0xFFFF9C00  }
0x208: {  	v3 =	vld [tilespmem:s20+$0x6700]  }
0x209: {  	v4 =	vld [tilespmem:s20+$0x6710]  }
0x20a: {  	v5 =	vld [tilespmem:s20+$0x6720]  }
0x20b: {  	v6 =	vld [tilespmem:s20+$0x6730]  }
0x20c: {  	v0 =	vld [tilespmem:s20+$0x6780]  }
0x20d: {  	v1 =	vld [tilespmem:s20+$0x6790]  }
0x20e: {  	v13 =	vld [tilespmem:s20+$0x6600]  }
0x20f: {  	v15 =	vld [tilespmem:s20+$0x6610]  }
0x210: {  	v12 =	vld [tilespmem:s20+$0x6620]  }
0x211: {  	v14 =	vld [tilespmem:s20+$0x6630]  }
0x212: {  	v2 =	vld [tilespmem:s20+$0x6680]  }
0x213: {  	v9 =	vld [tilespmem:s20+$0x6500]  }
0x214: {  	v10 =	vld [tilespmem:s20+$0x6510]  }
0x215: {  	v11 =	vld [tilespmem:s20+$0x6400]  }
0x216: {  	v17 =	vld [tilespmem:s20+$0x6410]  }
0x217: {  	v18 =	vld [tilespmem:s20+$0x6420]  }
0x218: {  	v19 =	vld [tilespmem:s20+$0x6430]  }
0x219: {  	v20 =	vld [tilespmem:s20+$0x6520]  }
0x21a: {  	v24 =	vld [tilespmem:s20+$0x6530]  }
0x21b: {  	v8 =	vimm.f32 $0.0e+00;
	v7 =	vld [tilespmem:s20+$0x6690]  }
0x21c: {  	v16 =	vld [tilespmem:s20+$0x6580];
	v11 =	vadd.f32 v11, v8;
	v22 =	vadd.f32 v17, v8  }
0x21d: {  	v17 =	vld [tilespmem:s20+$0x6590];
	v23 =	vadd.f32 v18, v8;
	v25 =	vadd.f32 v19, v8  }
0x21e: {  	v18 =	vld [tilespmem:s20+$0x6480];
	v21 =	vadd.f32 v9, v11;
	v22 =	vadd.f32 v10, v22  }
0x21f: {  	v19 =	vld [tilespmem:s20+$0x6490];
	v23 =	vadd.f32 v20, v23;
	v24 =	vadd.f32 v24, v25  }
0x220: {  	s21 =	simm.s32 $0x1000;
	v20 =	vld [tilespmem:s20+$0x64A0];
	v11 =	vimm.f32 $0.0e+00;
	v10 =	vimm.f32 $0.0e+00;
	v9 =	vimm.f32 $0.0e+00  }
.LBB2_15:
0x221: {  	p0 =	sne.s32 s21, $0x18000;
	v25 =	vld [tilespmem:s20+$0x64B0];
	v13 =	vadd.f32 v13, v21;
	v15 =	vadd.f32 v15, v22  }
0x222: {  	v21 =	vld [tilespmem:s20+$0x65A0];
	v12 =	vadd.f32 v12, v23;
	v14 =	vadd.f32 v14, v24  }
0x223: {  	v22 =	vld [tilespmem:s20+$0x65B0];
	v23 =	vadd.f32 v3, v13;
	v24 =	vadd.f32 v4, v15  }
0x224: {  	v13 =	vld [tilespmem:s20+$0x66A0];
	v26 =	vadd.f32 v5, v12;
	v27 =	vadd.f32 v6, v14  }
0x225: {  	v3 =	vadd.f32 v18, v8;
	v4 =	vadd.f32 v19, v11;
	v6 =	vld [tilespmem:s20+$0x66B0]  }
0x226: {  	v5 =	vadd.f32 v20, v10;
	v8 =	vadd.f32 v25, v9;
	v9 =	vld [tilespmem:s20+$0x67A0]  }
0x227: {  	v10 =	vadd.f32 v16, v3;
	v11 =	vadd.f32 v17, v4;
	v12 =	vld [tilespmem:s20+$0x67B0];
	s20 =	sshra.s32 s21, $0x2  }
0x228: {  	v14 =	vadd.f32 v21, v5;
	v3 =	vld [tilespmem:s20+$0x6700];
	v8 =	vadd.f32 v22, v8  }
0x229: {  	v2 =	vadd.f32 v2, v10;
	v7 =	vadd.f32 v7, v11;
	v4 =	vld [tilespmem:s20+$0x6710]  }
0x22a: {  	v10 =	vadd.f32 v13, v14;
	v5 =	vld [tilespmem:s20+$0x6720];
	v13 =	vadd.f32 v6, v8  }
0x22b: {  	v8 =	vadd.f32 v0, v2;
	v11 =	vadd.f32 v1, v7;
	v6 =	vld [tilespmem:s20+$0x6730]  }
0x22c: {  	v10 =	vadd.f32 v9, v10;
	v0 =	vld [tilespmem:s20+$0x6780];
	v9 =	vadd.f32 v12, v13  }
0x22d: {  	v1 =	vld [tilespmem:s20+$0x6790]  }
0x22e: {  	v13 =	vld [tilespmem:s20+$0x6600]  }
0x22f: {  	v15 =	vld [tilespmem:s20+$0x6610]  }
0x230: {  	v12 =	vld [tilespmem:s20+$0x6620]  }
0x231: {  	v14 =	vld [tilespmem:s20+$0x6630]  }
0x232: {  	v2 =	vld [tilespmem:s20+$0x6680]  }
0x233: {  	v7 =	vld [tilespmem:s20+$0x6690]  }
0x234: {  	v20 =	vld [tilespmem:s20+$0x6500]  }
0x235: {  	v22 =	vld [tilespmem:s20+$0x6510]  }
0x236: {  	v17 =	vld [tilespmem:s20+$0x6400]  }
0x237: {  	v18 =	vld [tilespmem:s20+$0x6410]  }
0x238: {  	v19 =	vld [tilespmem:s20+$0x6420]  }
0x239: {  	v21 =	vld [tilespmem:s20+$0x6430]  }
0x23a: {  	v25 =	vld [tilespmem:s20+$0x6520]  }
0x23b: {  	v28 =	vld [tilespmem:s20+$0x6530]  }
.Ltmp6:
0x23c: {  	v16 =	vld [tilespmem:s20+$0x6580];
	(pc) =	sbr.rel @p0 .LBB2_15-.Ltmp6, $4  }
0x23d: {  	v23 =	vadd.f32 v17, v23;
	v24 =	vadd.f32 v18, v24;
	v17 =	vld [tilespmem:s20+$0x6590]  }
0x23e: {  	v26 =	vadd.f32 v19, v26;
	v27 =	vadd.f32 v21, v27;
	v18 =	vld [tilespmem:s20+$0x6480]  }
0x23f: {  	v21 =	vadd.f32 v20, v23;
	v22 =	vadd.f32 v22, v24;
	v19 =	vld [tilespmem:s20+$0x6490]  }
0x240: {  	s21 =	sadd.s32 $0x1000, s21;
	v23 =	vadd.f32 v25, v26;
	v20 =	vld [tilespmem:s20+$0x64A0];
	v24 =	vadd.f32 v28, v27  }
0x241: {  	v13 =	vadd.f32 v13, v21;
	v15 =	vadd.f32 v15, v22  }
0x242: {  	v21 =	vld [tilespmem:s20+$0x64B0];
	v12 =	vadd.f32 v12, v23;
	v14 =	vadd.f32 v14, v24  }
0x243: {  	v22 =	vld [tilespmem:s20+$0x65A0];
	v3 =	vadd.f32 v3, v13;
	v4 =	vadd.f32 v4, v15  }
0x244: {  	v13 =	vld [tilespmem:s20+$0x65B0];
	v8 =	vadd.f32 v18, v8;
	v5 =	vadd.f32 v5, v12  }
0x245: {  	v12 =	vld [tilespmem:s20+$0x66A0];
	v6 =	vadd.f32 v6, v14;
	v11 =	vadd.f32 v19, v11  }
0x246: {  	v14 =	vld [tilespmem:s20+$0x66B0];
	v10 =	vadd.f32 v20, v10;
	v8 =	vadd.f32 v16, v8  }
0x247: {  	v15 =	vld [tilespmem:s20+$0x67A0];
	v9 =	vadd.f32 v21, v9;
	v11 =	vadd.f32 v17, v11  }
0x248: {  	v16 =	vld [tilespmem:s20+$0x67B0];
	v10 =	vadd.f32 v22, v10;
	v2 =	vadd.f32 v2, v8  }
0x249: {  	v8 =	vadd.f32 v13, v9;
	v7 =	vadd.f32 v7, v11  }
0x24a: {  	v9 =	vadd.f32 v12, v10;
	v0 =	vadd.f32 v0, v2  }
0x24b: {  	v2 =	vadd.f32 v14, v8;
	v1 =	vadd.f32 v1, v7  }
0x24c: {  	v7 =	vadd.f32 v15, v9;
	v0 =	vadd.f32 v0, v3  }
0x24d: {  	v2 =	vadd.f32 v16, v2;
	v1 =	vadd.f32 v1, v4  }
0x24e: {  	v0 =	vmul.f32 $4.999999890e-03, v0;
	v3 =	vadd.f32 v7, v5  }
0x24f: {  	v1 =	vmul.f32 $4.999999890e-03, v1;
	v2 =	vadd.f32 v2, v6  }
0x250: {  	[tilespmem:$0x12D80] =	vst v0;
	v0 =	vmul.f32 $4.999999890e-03, v3  }
0x251: {  	[tilespmem:$0x12D90] =	vst v1;
	v1 =	vmul.f32 $4.999999890e-03, v2  }
0x252: {  	p0 =	seq.s32 s18, $0xF;
	[tilespmem:$0x12DA0] =	vst v0  }
0x253: {  	s21 =	simm.s32 @!p0 $0x80;
	s22 =	simm.s32 @!p0 $0x6400;
	s20 =	sadd.s32 @!p0 $0x640, s19;
	[tilespmem:$0x12DB0] =	vst v1  }
0x254: {  	[tilespmem:s22], [sflag:$0x1] =	stream.indirect.gather @!p0 [hbm4b:s3+s21], $0x80, s20, s21, $0xb8;
	[tilespmem:$0x12E00] =	vst v63  }
0x255: {  	s19 =	sadd.s32 @!p0 $0x6C0, s19;
	s20 =	simm.s32 @!p0 $0x48;
	s21 =	simm.s32 @!p0 $0xA400  }
0x256: {  	[tilespmem:s21], [sflag:$0x1] =	stream.indirect.gather @!p0 [hbm4b:s3+s20], $0x80, s19, s20, $0xb8;
	[tilespmem:$0x12E00] =	vst v63  }
0x257: {  	_ =	swait.ge [sflag:s15], $0x6400  }
0x258: {  	[sflag:s15] =	ssyncset.done $0x0  }
0x259: {  	s19 =	simm.s32 $0x0;
	[sflag:s15] =	ssyncadd.s32 $0xFFFF9C00  }
0x25a: {  	v3 =	vld [tilespmem:s19+$0xCB00]  }
0x25b: {  	v4 =	vld [tilespmem:s19+$0xCB10]  }
0x25c: {  	v5 =	vld [tilespmem:s19+$0xCB20]  }
0x25d: {  	v6 =	vld [tilespmem:s19+$0xCB30]  }
0x25e: {  	v0 =	vld [tilespmem:s19+$0xCB80]  }
0x25f: {  	v1 =	vld [tilespmem:s19+$0xCB90]  }
0x260: {  	v13 =	vld [tilespmem:s19+$0xCA00]  }
0x261: {  	v15 =	vld [tilespmem:s19+$0xCA10]  }
0x262: {  	v12 =	vld [tilespmem:s19+$0xCA20]  }
0x263: {  	v14 =	vld [tilespmem:s19+$0xCA30]  }
0x264: {  	v2 =	vld [tilespmem:s19+$0xCA80]  }
0x265: {  	v9 =	vld [tilespmem:s19+$0xC900]  }
0x266: {  	v10 =	vld [tilespmem:s19+$0xC910]  }
0x267: {  	v11 =	vld [tilespmem:s19+$0xC800]  }
0x268: {  	v17 =	vld [tilespmem:s19+$0xC810]  }
0x269: {  	v18 =	vld [tilespmem:s19+$0xC820]  }
0x26a: {  	v19 =	vld [tilespmem:s19+$0xC830]  }
0x26b: {  	v20 =	vld [tilespmem:s19+$0xC920]  }
0x26c: {  	v24 =	vld [tilespmem:s19+$0xC930]  }
0x26d: {  	v8 =	vimm.f32 $0.0e+00;
	v7 =	vld [tilespmem:s19+$0xCA90]  }
0x26e: {  	v16 =	vld [tilespmem:s19+$0xC980];
	v11 =	vadd.f32 v11, v8;
	v22 =	vadd.f32 v17, v8  }
0x26f: {  	v17 =	vld [tilespmem:s19+$0xC990];
	v23 =	vadd.f32 v18, v8;
	v25 =	vadd.f32 v19, v8  }
0x270: {  	v18 =	vld [tilespmem:s19+$0xC880];
	v21 =	vadd.f32 v9, v11;
	v22 =	vadd.f32 v10, v22  }
0x271: {  	v19 =	vld [tilespmem:s19+$0xC890];
	v23 =	vadd.f32 v20, v23;
	v24 =	vadd.f32 v24, v25  }
0x272: {  	s20 =	simm.s32 $0x1000;
	v20 =	vld [tilespmem:s19+$0xC8A0];
	v11 =	vimm.f32 $0.0e+00;
	v10 =	vimm.f32 $0.0e+00;
	v9 =	vimm.f32 $0.0e+00  }
.LBB2_17:
0x273: {  	p0 =	sne.s32 s20, $0x18000;
	v25 =	vld [tilespmem:s19+$0xC8B0];
	v13 =	vadd.f32 v13, v21;
	v15 =	vadd.f32 v15, v22  }
0x274: {  	v21 =	vld [tilespmem:s19+$0xC9A0];
	v12 =	vadd.f32 v12, v23;
	v14 =	vadd.f32 v14, v24  }
0x275: {  	v22 =	vld [tilespmem:s19+$0xC9B0];
	v23 =	vadd.f32 v3, v13;
	v24 =	vadd.f32 v4, v15  }
0x276: {  	v13 =	vld [tilespmem:s19+$0xCAA0];
	v26 =	vadd.f32 v5, v12;
	v27 =	vadd.f32 v6, v14  }
0x277: {  	v3 =	vadd.f32 v18, v8;
	v4 =	vadd.f32 v19, v11;
	v6 =	vld [tilespmem:s19+$0xCAB0]  }
0x278: {  	v5 =	vadd.f32 v20, v10;
	v8 =	vadd.f32 v25, v9;
	v9 =	vld [tilespmem:s19+$0xCBA0]  }
0x279: {  	v10 =	vadd.f32 v16, v3;
	v11 =	vadd.f32 v17, v4;
	v12 =	vld [tilespmem:s19+$0xCBB0];
	s19 =	sshra.s32 s20, $0x2  }
0x27a: {  	v14 =	vadd.f32 v21, v5;
	v3 =	vld [tilespmem:s19+$0xCB00];
	v8 =	vadd.f32 v22, v8  }
0x27b: {  	v2 =	vadd.f32 v2, v10;
	v7 =	vadd.f32 v7, v11;
	v4 =	vld [tilespmem:s19+$0xCB10]  }
0x27c: {  	v10 =	vadd.f32 v13, v14;
	v5 =	vld [tilespmem:s19+$0xCB20];
	v13 =	vadd.f32 v6, v8  }
0x27d: {  	v8 =	vadd.f32 v0, v2;
	v11 =	vadd.f32 v1, v7;
	v6 =	vld [tilespmem:s19+$0xCB30]  }
0x27e: {  	v10 =	vadd.f32 v9, v10;
	v0 =	vld [tilespmem:s19+$0xCB80];
	v9 =	vadd.f32 v12, v13  }
0x27f: {  	v1 =	vld [tilespmem:s19+$0xCB90]  }
0x280: {  	v13 =	vld [tilespmem:s19+$0xCA00]  }
0x281: {  	v15 =	vld [tilespmem:s19+$0xCA10]  }
0x282: {  	v12 =	vld [tilespmem:s19+$0xCA20]  }
0x283: {  	v14 =	vld [tilespmem:s19+$0xCA30]  }
0x284: {  	v2 =	vld [tilespmem:s19+$0xCA80]  }
0x285: {  	v7 =	vld [tilespmem:s19+$0xCA90]  }
0x286: {  	v20 =	vld [tilespmem:s19+$0xC900]  }
0x287: {  	v22 =	vld [tilespmem:s19+$0xC910]  }
0x288: {  	v17 =	vld [tilespmem:s19+$0xC800]  }
0x289: {  	v18 =	vld [tilespmem:s19+$0xC810]  }
0x28a: {  	v19 =	vld [tilespmem:s19+$0xC820]  }
0x28b: {  	v21 =	vld [tilespmem:s19+$0xC830]  }
0x28c: {  	v25 =	vld [tilespmem:s19+$0xC920]  }
0x28d: {  	v28 =	vld [tilespmem:s19+$0xC930]  }
.Ltmp7:
0x28e: {  	v16 =	vld [tilespmem:s19+$0xC980];
	(pc) =	sbr.rel @p0 .LBB2_17-.Ltmp7, $4  }
0x28f: {  	v23 =	vadd.f32 v17, v23;
	v24 =	vadd.f32 v18, v24;
	v17 =	vld [tilespmem:s19+$0xC990]  }
0x290: {  	v26 =	vadd.f32 v19, v26;
	v27 =	vadd.f32 v21, v27;
	v18 =	vld [tilespmem:s19+$0xC880]  }
0x291: {  	v21 =	vadd.f32 v20, v23;
	v22 =	vadd.f32 v22, v24;
	v19 =	vld [tilespmem:s19+$0xC890]  }
0x292: {  	s20 =	sadd.s32 $0x1000, s20;
	v23 =	vadd.f32 v25, v26;
	v20 =	vld [tilespmem:s19+$0xC8A0];
	v24 =	vadd.f32 v28, v27  }
0x293: {  	v13 =	vadd.f32 v13, v21;
	v15 =	vadd.f32 v15, v22  }
0x294: {  	v50 =	vld [tilespmem:s19+$0xC8B0];
	v12 =	vadd.f32 v12, v23;
	v14 =	vadd.f32 v14, v24  }
0x295: {  	v51 =	vld [tilespmem:s19+$0xC9A0];
	v3 =	vadd.f32 v3, v13;
	v4 =	vadd.f32 v4, v15  }
0x296: {  	v52 =	vld [tilespmem:s19+$0xC9B0];
	v8 =	vadd.f32 v18, v8;
	v5 =	vadd.f32 v5, v12  }
0x297: {  	v53 =	vld [tilespmem:s19+$0xCAA0];
	v6 =	vadd.f32 v6, v14;
	v11 =	vadd.f32 v19, v11  }
0x298: {  	v54 =	vld [tilespmem:s19+$0xCAB0];
	v10 =	vadd.f32 v20, v10;
	v8 =	vadd.f32 v16, v8  }
0x299: {  	v55 =	vld [tilespmem:s19+$0xCBA0];
	v9 =	vadd.f32 v50, v9;
	v11 =	vadd.f32 v17, v11  }
0x29a: {  	v56 =	vld [tilespmem:s19+$0xCBB0];
	v10 =	vadd.f32 v51, v10;
	v2 =	vadd.f32 v2, v8  }
0x29b: {  	v57 =	vadd.f32 v52, v9;
	v7 =	vadd.f32 v7, v11  }
0x29c: {  	v58 =	vadd.f32 v53, v10;
	v0 =	vadd.f32 v0, v2  }
0x29d: {  	v59 =	vadd.f32 v54, v57;
	v1 =	vadd.f32 v1, v7  }
0x29e: {  	v60 =	vadd.f32 v55, v58;
	v0 =	vadd.f32 v0, v3  }
0x29f: {  	v2 =	vadd.f32 v56, v59;
	v1 =	vadd.f32 v1, v4  }
0x2a0: {  	v0 =	vmul.f32 $4.999999890e-03, v0;
	v61 =	vadd.f32 v60, v5  }
0x2a1: {  	v1 =	vmul.f32 $4.999999890e-03, v1;
	v2 =	vadd.f32 v2, v6  }
0x2a2: {  	[tilespmem:$0x12DC0] =	vst v0;
	v62 =	vmul.f32 $4.999999890e-03, v61  }
0x2a3: {  	s31 =	sshll.u32 s18, $0x6;
	s18 =	sadd.s32 $0x1, s18;
	[tilespmem:$0x12DD0] =	vst v1;
	v63 =	vmul.f32 $4.999999890e-03, v2  }
0x2a4: {  	p0 =	sne.s32 s18, $0x10;
	[tilespmem:$0x12DE0] =	vst v62  }
.Ltmp8:
0x2a5: {  	s19 =	sadd.s32 s31, s5;
	[tilespmem:$0x12DF0] =	vst v63;
	(pc) =	sbr.rel @p0 .LBB2_2-.Ltmp8, $4  }
0x2a6: {  	[hbm4b:s19+s2] =	stream.linear.scatter [tilespmem:s16], [sflag:$0x3], $0x200, $0x38;
	[tilespmem:$0x12E00] =	vst v63  }
0x2a7: {  	_ =	swait.ge [sflag:s7], $0x200  }
0x2a8: {  	[sflag:s7] =	ssyncset.done $0x0  }
0x2a9: {  	[sflag:s7] =	ssyncadd.s32 $0xFFFFFE00  }
0x2aa: {  	s17 =	sadd.s32 $0x1, s17  }
0x2ab: {  	p0 =	sne.s32 s17, s6  }
.Ltmp9:
0x2ac: {  	_ = 	snop;
	(pc) =	sbr.rel @p0 .LBB2_1-.Ltmp9, $1  }
0x2ad: {  	_ =	sdelay $0x3  }
0x2ae: {  	_ =	sfence.sel $0x180000  }
0x2af: {  	[bflag:$0x0] =	sbarrier.arrive $0xFFFF  }
0x2b0: {  	p0 =	sne.s32 s0, $0x0;
	_ =	strace $0x90000047  }
0x2b1: {  	s0 =	sadd.s32 @!p0 $0x100000, s1;
	[bflag:$0x2] =	sbarrier.arrive $0xFFFF  }
0x2b2: {  	[sflag:s0] =	ssyncadd.tile.s32 @!p0 $0x1;
	_ =	shalt  }
.Lfunc_end2:
_tile_overlayer_lowered:
.L_overlay_start_2:
0x2b3: {  	(tag) =	ssettag $0x2  }
0x2b4: {  	s0 =	rddreg [dreg:$0x0];
	s2 =	stileid.u32  }
0x2b5: {  	s1 =	rddreg [dreg:$0x1];
	p0 =	sne.s32 s2, $0x0  }
0x2b6: {  	s3 =	rddreg [dreg:$0x2];
	[bflag:$0x3] =	sbarrier.arrive $0xFFFF;
	s2 =	simm.s32 @!p0 $0x1C03  }
0x2b7: {  	[timem:s3], [sflag:s2] =	dma.local @!p0 [hbm:s0], s1  }
0x2b8: {  	s0 =	simm.s32 @!p0 $0x3  }
0x2b9: {  	_ =	swait.ge @!p0 [sflag:s0], s1  }
0x2ba: {  	s1 =	ssub.s32 @!p0 $0x0, s1;
	[sflag:s0] =	ssyncset.done @!p0 $0x0  }
0x2bb: {  	[sflag:s0] =	ssyncadd.s32 @!p0 s1  }
0x2bc: {  	[bflag:$0x3] =	sbarrier.arrive $0xFFFF  }
0x2bd: {  	_ =	shalt  }

</sc_bundles>
